<compile_context>
chip_gen: v7x
topology: tpu7x:2x2x1
jax: 0.10.2.dev20260603
libtpu: 0.0.44.dev20260713+nightly
codegen_flags: <defaults>
</compile_context>

<pallas_src>
import jax
import jax.numpy as jnp
from jax import lax
from jax.experimental import pallas as pl
from jax.experimental.pallas import tpu as pltpu
from jax.experimental.pallas import tpu_sc as plsc

N_NODES = 100000
N_EDGES = 3200000
CUTOFF = 10.0
ON_CUT = 0.25 * CUTOFF
OFF_CUT = 0.75 * CUTOFF
ALPHA = 4.0 / CUTOFF + 0.001

NW = 32
NPT = N_NODES // NW
ACC_PAD = 3136
CHUNK = 3200
LANES = 16


def _pair_term(r, qi, qj):
    one = jnp.float32(1.0)
    x = (r - jnp.float32(ON_CUT)) * jnp.float32(1.0 / (OFF_CUT - ON_CUT))
    d = (x + x - one) / (x - x * x)
    d = jnp.minimum(d, jnp.float32(80.0))
    f = one / (one + jnp.exp(d))
    f = jnp.where(x <= 0.0, one, jnp.where(x >= 1.0, jnp.float32(0.0), f))
    rr = r * r
    u = rr + one
    ui = plsc.bitcast(u, jnp.int32)
    yi = jnp.int32(0x5F3759DF) - (ui >> 1)
    y = plsc.bitcast(yi, jnp.float32)
    y = y * (jnp.float32(1.5) - jnp.float32(0.5) * u * y * y)
    z = jnp.float32(ALPHA) * r
    ct = one / (r + jnp.float32(0.47047 * ALPHA) * rr)
    t = r * ct
    coul = (one + jnp.float32(0.47047) * z) * ct
    p = (jnp.float32(0.3480242)
         + t * (jnp.float32(-0.0958798) + t * jnp.float32(0.7478556)))
    erfc = t * p * jnp.exp(-z * z)
    return qi * qj * (coul + f * (y - coul)) * erfc


def _body(qa_hbm, r_hbm, ii_hbm, jj_hbm, bnd_hbm, out_hbm,
          qa_v, acc_v, bnd_v,
          r_a, ii_a, jj_a, r_b, ii_b, jj_b, sem_a, sem_b):
    cid = lax.axis_index("c")
    sid = lax.axis_index("s")
    wid = cid * 16 + sid

    pltpu.sync_copy(qa_hbm, qa_v)
    pltpu.sync_copy(bnd_hbm, bnd_v)

    def zero_body(i, carry):
        acc_v[pl.ds(i * LANES, LANES)] = jnp.zeros((LANES,), jnp.float32)
        return carry
    lax.fori_loop(0, ACC_PAD // LANES, zero_body, 0)

    lanes = lax.iota(jnp.int32, 16)

    def extract(pos):
        acc = jnp.zeros((LANES,), jnp.int32)
        for k in range(3):
            bk = bnd_v[pl.ds(k * LANES, LANES)]
            acc = acc + jnp.where(lanes + jnp.int32(k * LANES) == pos, bk,
                                  jnp.int32(0))
        return jnp.max(acc)

    e_start = extract(wid)
    e_end = extract(wid + 1)
    node_base = wid * NPT

    c0 = (e_start // CHUNK) * CHUNK
    nch = lax.max(jnp.int32(0), (e_end - c0 + (CHUNK - 1)) // CHUNK)

    nb_vec = jnp.full((LANES,), node_base, jnp.int32)
    nt_vec = jnp.full((LANES,), node_base + NPT, jnp.int32)

    buf_a = (r_a, ii_a, jj_a)
    buf_b = (r_b, ii_b, jj_b)

    def copies(bufs, sem, off):
        srcs = (r_hbm, ii_hbm, jj_hbm)
        return [pltpu.make_async_copy(s.at[pl.ds(off, CHUNK)], d, sem)
                for s, d in zip(srcs, bufs)]

    def issue(bufs, sem, off):
        for c in copies(bufs, sem, off):
            c.start()

    def drain(bufs, sem, off):
        for c in copies(bufs, sem, off):
            c.wait()

    def compute(bufs):
        r_v, ii_v, jj_v = bufs

        def one_vreg(v):
            ii = ii_v[pl.ds(v * LANES, LANES)]
            jj = jj_v[pl.ds(v * LANES, LANES)]
            r = r_v[pl.ds(v * LANES, LANES)]
            qi = plsc.load_gather(qa_v, [ii])
            qj = plsc.load_gather(qa_v, [jj])
            pw = _pair_term(r, qi, qj)
            m = (ii >= nb_vec) & (ii < nt_vec)
            loc = ii - nb_vec
            loc = jnp.clip(loc, jnp.int32(0), jnp.int32(ACC_PAD - 1))
            plsc.addupdate_scatter(acc_v, [loc], pw, mask=m)

        def vreg_body(v, carry2):
            for s in range(4):
                one_vreg(4 * v + s)
            return carry2
        lax.fori_loop(0, CHUNK // LANES // 4, vreg_body, 0)

    @pl.when(nch > 0)
    def _prime():
        issue(buf_a, sem_a, c0)

    def pair_body(mm, carry):
        k0 = 2 * mm
        k1 = k0 + 1
        off0 = c0 + k0 * CHUNK
        off1 = c0 + k1 * CHUNK

        @pl.when(k1 < nch)
        def _():
            issue(buf_b, sem_b, off1)

        drain(buf_a, sem_a, off0)
        compute(buf_a)

        @pl.when(k0 + 2 < nch)
        def _():
            issue(buf_a, sem_a, off0 + 2 * CHUNK)

        @pl.when(k1 < nch)
        def _():
            drain(buf_b, sem_b, off1)
            compute(buf_b)
        return carry
    lax.fori_loop(0, (nch + 1) // 2, pair_body, 0)

    pltpu.sync_copy(acc_v, out_hbm.at[wid])


@jax.jit
def kernel(Qa, rij, idx_i, idx_j):
    node_edges = jnp.arange(0, N_NODES + 1, NPT, dtype=jnp.int32)
    bounds = jnp.searchsorted(idx_i, node_edges).astype(jnp.int32)
    bounds = jnp.pad(bounds, (0, 48 - bounds.shape[0]))

    mesh = plsc.VectorSubcoreMesh(core_axis_name="c", subcore_axis_name="s")
    run = pl.kernel(
        _body,
        out_type=jax.ShapeDtypeStruct((NW, ACC_PAD), jnp.float32),
        mesh=mesh,
        compiler_params=pltpu.CompilerParams(needs_layout_passes=False),
        scratch_types=[
            pltpu.VMEM((N_NODES,), jnp.float32),
            pltpu.VMEM((ACC_PAD,), jnp.float32),
            pltpu.VMEM((48,), jnp.int32),
            pltpu.VMEM((CHUNK,), jnp.float32),
            pltpu.VMEM((CHUNK,), jnp.int32),
            pltpu.VMEM((CHUNK,), jnp.int32),
            pltpu.VMEM((CHUNK,), jnp.float32),
            pltpu.VMEM((CHUNK,), jnp.int32),
            pltpu.VMEM((CHUNK,), jnp.int32),
            pltpu.SemaphoreType.DMA,
            pltpu.SemaphoreType.DMA,
        ],
    )
    out2d = run(Qa, rij, idx_i, idx_j, bounds)
    return out2d[:, :NPT].reshape(-1)

# --- scband reference (transcript-rebuilt; emitter-appended) ---
"""Pipeline reference for scband-cewald-3573412790705 (READ-ONLY COPY).

The authoritative reference and input builder live on the scoring server;
editing this copy changes nothing except your own understanding.
"""

import jax, jax.numpy as jnp
import numpy as np

N_NODES = 100000
N_EDGES = 3200000
CUTOFF = 10.0
ON_CUT = 0.25 * CUTOFF
OFF_CUT = 0.75 * CUTOFF
ALPHA = 4.0 / CUTOFF + 0.001


def setup_inputs(seed: int = 0) -> dict:
    key = jax.random.key(seed)
    k1, k2, k3, k4 = jax.random.split(key, 4)
    Qa = jax.random.normal(k1, (N_NODES,), dtype=jnp.float32)
    # pairwise distances strictly positive, spanning the switch region [on_cut, off_cut]
    rij = jax.random.uniform(k2, (N_EDGES,), dtype=jnp.float32) * 9.5 + 0.5
    idx_i = jnp.sort(jax.random.randint(k3, (N_EDGES,), 0, N_NODES, dtype=jnp.int32))
    idx_j = jax.random.randint(k4, (N_EDGES,), 0, N_NODES, dtype=jnp.int32)
    return {"Qa": Qa, "rij": rij, "idx_i": idx_i, "idx_j": idx_j}


def _switch_component(x):
    safe = jnp.where(x <= 0, jnp.ones_like(x), x)
    return jnp.where(x <= 0, jnp.zeros_like(x), jnp.exp(-1.0 / safe))


def _switch_function(r):
    x = (r - ON_CUT) / (OFF_CUT - ON_CUT)
    ones = jnp.ones_like(x)
    zeros = jnp.zeros_like(x)
    fp = _switch_component(x)
    fm = _switch_component(1.0 - x)
    return jnp.where(x <= 0, ones, jnp.where(x >= 1, zeros, fm / (fp + fm)))


def reference(Qa, rij, idx_i, idx_j):
    # CEWald._real_space: damped/switched Coulomb with erfc screening,
    # scatter-added (segment_sum) onto destination atoms idx_i.
    fac = jnp.take(Qa, idx_i) * jnp.take(Qa, idx_j)
    f = _switch_function(rij)
    coulomb = 1.0 / rij
    damped = 1.0 / jnp.sqrt(rij * rij + 1.0)
    pw = fac * (f * damped + (1.0 - f) * coulomb) * jax.scipy.special.erfc(ALPHA * rij)
    return jax.ops.segment_sum(pw, idx_i, num_segments=N_NODES)

if __name__ == "__main__":
    import jax
    _d = setup_inputs()
    print(jax.jit(kernel)(*tuple(_d.values())))

</pallas_src>

<mosaic_0001>
#map = affine_map<(d0, d1) -> (0)>
#map1 = affine_map<(d0, d1) -> (0, 0)>
module attributes {stable_mosaic.version = 14 : i64} {
  func.func @_body(%arg0: i32, %arg1: i32, %arg2: memref<100000xf32, #tpu.memory_space<hbm>>, %arg3: memref<3200000xf32, #tpu.memory_space<hbm>>, %arg4: memref<3200000xi32, #tpu.memory_space<hbm>>, %arg5: memref<3200000xi32, #tpu.memory_space<hbm>>, %arg6: memref<48xi32, #tpu.memory_space<hbm>>, %arg7: memref<32x3136xf32, #tpu.memory_space<hbm>>, %arg8: memref<100000xf32, #tpu.memory_space<vmem>>, %arg9: memref<3136xf32, #tpu.memory_space<vmem>>, %arg10: memref<48xi32, #tpu.memory_space<vmem>>, %arg11: memref<3200xf32, #tpu.memory_space<vmem>>, %arg12: memref<3200xi32, #tpu.memory_space<vmem>>, %arg13: memref<3200xi32, #tpu.memory_space<vmem>>, %arg14: memref<3200xf32, #tpu.memory_space<vmem>>, %arg15: memref<3200xi32, #tpu.memory_space<vmem>>, %arg16: memref<3200xi32, #tpu.memory_space<vmem>>, %arg17: memref<!tpu.dma_semaphore, #tpu.memory_space<semaphore_mem>>, %arg18: memref<!tpu.dma_semaphore, #tpu.memory_space<semaphore_mem>>) attributes {dimension_semantics = [#tpu.dimension_semantics<core_parallel>, #tpu.dimension_semantics<subcore_parallel>], iteration_bounds = array<i64: 2, 16>, scalar_prefetch = 0 : i64, scratch_operands = 11 : i64, tpu.core_type = #tpu.core_type<sc_vector_subcore>, window_params = [{transform_indices = #map}, {transform_indices = #map}, {transform_indices = #map}, {transform_indices = #map}, {transform_indices = #map}, {transform_indices = #map1}]} {
    %mul3A = arith.constant 16 : i32
    %mul3A_0 = arith.muli %arg0, %mul3A : i32
    %add3A = arith.addi %mul3A_0, %arg1 : i32
    "tpu.region"() ({
      %run_scoped3A = tpu.sem_alloc : memref<!tpu.dma_semaphore, #tpu.memory_space<semaphore_mem>>
      tpu.enqueue_dma source(%arg2 : memref<100000xf32, #tpu.memory_space<hbm>>) target(%arg8 : memref<100000xf32, #tpu.memory_space<vmem>>) target_semaphore(%run_scoped3A : memref<!tpu.dma_semaphore, #tpu.memory_space<semaphore_mem>>)
      tpu.wait_dma2 semaphore(%run_scoped3A : memref<!tpu.dma_semaphore, #tpu.memory_space<semaphore_mem>>) src(%arg2 : memref<100000xf32, #tpu.memory_space<hbm>>) dst(%arg8 : memref<100000xf32, #tpu.memory_space<vmem>>)
      tpu.yield
    }) : () -> ()
    "tpu.region"() ({
      %run_scoped3A = tpu.sem_alloc : memref<!tpu.dma_semaphore, #tpu.memory_space<semaphore_mem>>
      tpu.enqueue_dma source(%arg6 : memref<48xi32, #tpu.memory_space<hbm>>) target(%arg10 : memref<48xi32, #tpu.memory_space<vmem>>) target_semaphore(%run_scoped3A : memref<!tpu.dma_semaphore, #tpu.memory_space<semaphore_mem>>)
      tpu.wait_dma2 semaphore(%run_scoped3A : memref<!tpu.dma_semaphore, #tpu.memory_space<semaphore_mem>>) src(%arg6 : memref<48xi32, #tpu.memory_space<hbm>>) dst(%arg10 : memref<48xi32, #tpu.memory_space<vmem>>)
      tpu.yield
    }) : () -> ()
    %scan3A = arith.constant 0 : i32
    %scan3A_1 = arith.constant 0 : i32
    %scan3A_2 = arith.constant 196 : i32
    %scan3A_3 = arith.addi %scan3A_1, %scan3A_2 : i32
    %scan3A_4 = arith.constant 1 : i32
    scf.for %scan3A_179 = %scan3A_1 to %scan3A_3 step %scan3A_4  : i32 {
      %broadcast_in_dim3A_180 = arith.constant 0.000000e+00 : f32
      %broadcast_in_dim3A_181 = vector.broadcast %broadcast_in_dim3A_180 : f32 to vector<16xf32>
      %mul3A_182 = arith.constant 16 : i32
      %mul3A_183 = arith.muli %scan3A_179, %mul3A_182 : i32
      %swap3A = arith.index_cast %mul3A_183 : i32 to index
      %swap3A_184 = tpu.vector_load %arg9[%swap3A] {strides = array<i32>} : memref<3136xf32, #tpu.memory_space<vmem>>, vector<16xf32>,
      tpu.vector_store %arg9[%swap3A], %broadcast_in_dim3A_181 {strides = array<i32>} : memref<3136xf32, #tpu.memory_space<vmem>>, vector<16xf32>,
    }
    %scan3A_5 = arith.constant 196 : i32
    %iota3A = tpu.iota {dimensions = array<i32: 0>} : vector<16xi32>
    %broadcast_in_dim3A = arith.constant 0 : i32
    %broadcast_in_dim3A_6 = vector.broadcast %broadcast_in_dim3A : i32 to vector<16xi32>
    %get3A = arith.constant 0 : index
    %get3A_7 = tpu.vector_load %arg10[%get3A] {strides = array<i32>} : memref<48xi32, #tpu.memory_space<vmem>>, vector<16xi32>,
    %add3A_8 = arith.constant 0 : i32
    %add3A_9 = vector.broadcast %add3A_8 : i32 to vector<16xi32>
    %add3A_10 = arith.addi %iota3A, %add3A_9 : vector<16xi32>
    %eq3A = vector.broadcast %add3A : i32 to vector<16xi32>
    %eq3A_11 = arith.cmpi eq, %add3A_10, %eq3A : vector<16xi32>
    %jit3A = arith.constant 0 : i32
    %broadcast_in_dim3A_12 = vector.broadcast %jit3A : i32 to vector<16xi32>
    %select_n3A = arith.select %eq3A_11, %get3A_7, %broadcast_in_dim3A_12 : vector<16xi1>, vector<16xi32>
    %add3A_13 = arith.addi %broadcast_in_dim3A_6, %select_n3A : vector<16xi32>
    %get3A_14 = arith.constant 16 : index
    %get3A_15 = tpu.vector_load %arg10[%get3A_14] {strides = array<i32>} : memref<48xi32, #tpu.memory_space<vmem>>, vector<16xi32>,
    %add3A_16 = arith.constant 16 : i32
    %add3A_17 = vector.broadcast %add3A_16 : i32 to vector<16xi32>
    %add3A_18 = arith.addi %iota3A, %add3A_17 : vector<16xi32>
    %eq3A_19 = vector.broadcast %add3A : i32 to vector<16xi32>
    %eq3A_20 = arith.cmpi eq, %add3A_18, %eq3A_19 : vector<16xi32>
    %jit3A_21 = arith.constant 0 : i32
    %broadcast_in_dim3A_22 = vector.broadcast %jit3A_21 : i32 to vector<16xi32>
    %select_n3A_23 = arith.select %eq3A_20, %get3A_15, %broadcast_in_dim3A_22 : vector<16xi1>, vector<16xi32>
    %add3A_24 = arith.addi %add3A_13, %select_n3A_23 : vector<16xi32>
    %get3A_25 = arith.constant 32 : index
    %get3A_26 = tpu.vector_load %arg10[%get3A_25] {strides = array<i32>} : memref<48xi32, #tpu.memory_space<vmem>>, vector<16xi32>,
    %add3A_27 = arith.constant 32 : i32
    %add3A_28 = vector.broadcast %add3A_27 : i32 to vector<16xi32>
    %add3A_29 = arith.addi %iota3A, %add3A_28 : vector<16xi32>
    %eq3A_30 = vector.broadcast %add3A : i32 to vector<16xi32>
    %eq3A_31 = arith.cmpi eq, %add3A_29, %eq3A_30 : vector<16xi32>
    %jit3A_32 = arith.constant 0 : i32
    %broadcast_in_dim3A_33 = vector.broadcast %jit3A_32 : i32 to vector<16xi32>
    %select_n3A_34 = arith.select %eq3A_31, %get3A_26, %broadcast_in_dim3A_33 : vector<16xi1>, vector<16xi32>
    %add3A_35 = arith.addi %add3A_24, %select_n3A_34 : vector<16xi32>
    %reduce_max3A = arith.constant true
    %reduce_max3A_36 = vector.broadcast %reduce_max3A : i1 to vector<16xi1>
    %reduce_max3A_37 = arith.constant -2147483648 : i32
    %reduce_max3A_38 = vector.broadcast %reduce_max3A_37 : i32 to vector<16xi32>
    %reduce_max3A_39 = arith.xori %add3A_35, %reduce_max3A_38 : vector<16xi32>
    %reduce_max3A_40 = tpu.scan <max>, %reduce_max3A_39 masked %reduce_max3A_36 : vector<16xi32>, vector<16xi1> -> vector<16xi32>
    %reduce_max3A_41 = arith.xori %reduce_max3A_40, %reduce_max3A_38 : vector<16xi32>
    %reduce_max3A_42 = vector.extract %reduce_max3A_41[15] : i32 from vector<16xi32>
    %add3A_43 = arith.constant 1 : i32
    %add3A_44 = arith.addi %add3A, %add3A_43 : i32
    %broadcast_in_dim3A_45 = arith.constant 0 : i32
    %broadcast_in_dim3A_46 = vector.broadcast %broadcast_in_dim3A_45 : i32 to vector<16xi32>
    %get3A_47 = arith.constant 0 : index
    %get3A_48 = tpu.vector_load %arg10[%get3A_47] {strides = array<i32>} : memref<48xi32, #tpu.memory_space<vmem>>, vector<16xi32>,
    %add3A_49 = arith.constant 0 : i32
    %add3A_50 = vector.broadcast %add3A_49 : i32 to vector<16xi32>
    %add3A_51 = arith.addi %iota3A, %add3A_50 : vector<16xi32>
    %eq3A_52 = vector.broadcast %add3A_44 : i32 to vector<16xi32>
    %eq3A_53 = arith.cmpi eq, %add3A_51, %eq3A_52 : vector<16xi32>
    %jit3A_54 = arith.constant 0 : i32
    %broadcast_in_dim3A_55 = vector.broadcast %jit3A_54 : i32 to vector<16xi32>
    %select_n3A_56 = arith.select %eq3A_53, %get3A_48, %broadcast_in_dim3A_55 : vector<16xi1>, vector<16xi32>
    %add3A_57 = arith.addi %broadcast_in_dim3A_46, %select_n3A_56 : vector<16xi32>
    %get3A_58 = arith.constant 16 : index
    %get3A_59 = tpu.vector_load %arg10[%get3A_58] {strides = array<i32>} : memref<48xi32, #tpu.memory_space<vmem>>, vector<16xi32>,
    %add3A_60 = arith.constant 16 : i32
    %add3A_61 = vector.broadcast %add3A_60 : i32 to vector<16xi32>
    %add3A_62 = arith.addi %iota3A, %add3A_61 : vector<16xi32>
    %eq3A_63 = vector.broadcast %add3A_44 : i32 to vector<16xi32>
    %eq3A_64 = arith.cmpi eq, %add3A_62, %eq3A_63 : vector<16xi32>
    %jit3A_65 = arith.constant 0 : i32
    %broadcast_in_dim3A_66 = vector.broadcast %jit3A_65 : i32 to vector<16xi32>
    %select_n3A_67 = arith.select %eq3A_64, %get3A_59, %broadcast_in_dim3A_66 : vector<16xi1>, vector<16xi32>
    %add3A_68 = arith.addi %add3A_57, %select_n3A_67 : vector<16xi32>
    %get3A_69 = arith.constant 32 : index
    %get3A_70 = tpu.vector_load %arg10[%get3A_69] {strides = array<i32>} : memref<48xi32, #tpu.memory_space<vmem>>, vector<16xi32>,
    %add3A_71 = arith.constant 32 : i32
    %add3A_72 = vector.broadcast %add3A_71 : i32 to vector<16xi32>
    %add3A_73 = arith.addi %iota3A, %add3A_72 : vector<16xi32>
    %eq3A_74 = vector.broadcast %add3A_44 : i32 to vector<16xi32>
    %eq3A_75 = arith.cmpi eq, %add3A_73, %eq3A_74 : vector<16xi32>
    %jit3A_76 = arith.constant 0 : i32
    %broadcast_in_dim3A_77 = vector.broadcast %jit3A_76 : i32 to vector<16xi32>
    %select_n3A_78 = arith.select %eq3A_75, %get3A_70, %broadcast_in_dim3A_77 : vector<16xi1>, vector<16xi32>
    %add3A_79 = arith.addi %add3A_68, %select_n3A_78 : vector<16xi32>
    %reduce_max3A_80 = arith.constant true
    %reduce_max3A_81 = vector.broadcast %reduce_max3A_80 : i1 to vector<16xi1>
    %reduce_max3A_82 = arith.constant -2147483648 : i32
    %reduce_max3A_83 = vector.broadcast %reduce_max3A_82 : i32 to vector<16xi32>
    %reduce_max3A_84 = arith.xori %add3A_79, %reduce_max3A_83 : vector<16xi32>
    %reduce_max3A_85 = tpu.scan <max>, %reduce_max3A_84 masked %reduce_max3A_81 : vector<16xi32>, vector<16xi1> -> vector<16xi32>
    %reduce_max3A_86 = arith.xori %reduce_max3A_85, %reduce_max3A_83 : vector<16xi32>
    %reduce_max3A_87 = vector.extract %reduce_max3A_86[15] : i32 from vector<16xi32>
    %mul3A_88 = arith.constant 3125 : i32
    %mul3A_89 = arith.muli %add3A, %mul3A_88 : i32
    %jit3A_90 = arith.constant 3200 : i32
    %div3A = arith.divsi %reduce_max3A_42, %jit3A_90 : i32
    %sign3A = arith.constant 0 : i32
    %sign3A_91 = arith.cmpi sgt, %reduce_max3A_42, %sign3A : i32
    %sign3A_92 = arith.extui %sign3A_91 : i1 to i32
    %sign3A_93 = arith.constant 0 : i32
    %sign3A_94 = arith.cmpi slt, %reduce_max3A_42, %sign3A_93 : i32
    %sign3A_95 = arith.extui %sign3A_94 : i1 to i32
    %sign3A_96 = arith.subi %sign3A_92, %sign3A_95 : i32
    %sign3A_97 = arith.constant 0 : i32
    %sign3A_98 = arith.cmpi sgt, %jit3A_90, %sign3A_97 : i32
    %sign3A_99 = arith.extui %sign3A_98 : i1 to i32
    %sign3A_100 = arith.constant 0 : i32
    %sign3A_101 = arith.cmpi slt, %jit3A_90, %sign3A_100 : i32
    %sign3A_102 = arith.extui %sign3A_101 : i1 to i32
    %sign3A_103 = arith.subi %sign3A_99, %sign3A_102 : i32
    %ne3A = arith.cmpi ne, %sign3A_96, %sign3A_103 : i32
    %rem3A = arith.remsi %reduce_max3A_42, %jit3A_90 : i32
    %ne3A_104 = arith.constant 0 : i32
    %ne3A_105 = arith.cmpi ne, %rem3A, %ne3A_104 : i32
    %and3A = arith.andi %ne3A, %ne3A_105 : i1
    %sub3A = arith.constant 1 : i32
    %sub3A_106 = arith.subi %div3A, %sub3A : i32
    %select_n3A_107 = arith.select %and3A, %sub3A_106, %div3A : i32
    %mul3A_108 = arith.constant 3200 : i32
    %mul3A_109 = arith.muli %select_n3A_107, %mul3A_108 : i32
    %sub3A_110 = arith.subi %reduce_max3A_87, %mul3A_109 : i32
    %add3A_111 = arith.constant 3199 : i32
    %add3A_112 = arith.addi %sub3A_110, %add3A_111 : i32
    %jit3A_113 = arith.constant 3200 : i32
    %div3A_114 = arith.divsi %add3A_112, %jit3A_113 : i32
    %sign3A_115 = arith.constant 0 : i32
    %sign3A_116 = arith.cmpi sgt, %add3A_112, %sign3A_115 : i32
    %sign3A_117 = arith.extui %sign3A_116 : i1 to i32
    %sign3A_118 = arith.constant 0 : i32
    %sign3A_119 = arith.cmpi slt, %add3A_112, %sign3A_118 : i32
    %sign3A_120 = arith.extui %sign3A_119 : i1 to i32
    %sign3A_121 = arith.subi %sign3A_117, %sign3A_120 : i32
    %sign3A_122 = arith.constant 0 : i32
    %sign3A_123 = arith.cmpi sgt, %jit3A_113, %sign3A_122 : i32
    %sign3A_124 = arith.extui %sign3A_123 : i1 to i32
    %sign3A_125 = arith.constant 0 : i32
    %sign3A_126 = arith.cmpi slt, %jit3A_113, %sign3A_125 : i32
    %sign3A_127 = arith.extui %sign3A_126 : i1 to i32
    %sign3A_128 = arith.subi %sign3A_124, %sign3A_127 : i32
    %ne3A_129 = arith.cmpi ne, %sign3A_121, %sign3A_128 : i32
    %rem3A_130 = arith.remsi %add3A_112, %jit3A_113 : i32
    %ne3A_131 = arith.constant 0 : i32
    %ne3A_132 = arith.cmpi ne, %rem3A_130, %ne3A_131 : i32
    %and3A_133 = arith.andi %ne3A_129, %ne3A_132 : i1
    %sub3A_134 = arith.constant 1 : i32
    %sub3A_135 = arith.subi %div3A_114, %sub3A_134 : i32
    %select_n3A_136 = arith.select %and3A_133, %sub3A_135, %div3A_114 : i32
    %max3A = arith.constant 0 : i32
    %max3A_137 = arith.maxsi %max3A, %select_n3A_136 : i32
    %broadcast_in_dim3A_138 = vector.broadcast %mul3A_89 : i32 to vector<16xi32>
    %add3A_139 = arith.constant 3125 : i32
    %add3A_140 = arith.addi %mul3A_89, %add3A_139 : i32
    %broadcast_in_dim3A_141 = vector.broadcast %add3A_140 : i32 to vector<16xi32>
    %gt3A = arith.constant 0 : i32
    %gt3A_142 = arith.cmpi sgt, %max3A_137, %gt3A : i32
    %convert_element_type3A = arith.extui %gt3A_142 : i1 to i32
    %cond3A = arith.constant 0 : i32
    %cond3A_143 = arith.cmpi ne, %convert_element_type3A, %cond3A : i32
    scf.if %cond3A_143 {
      %dma_start3A = tpu.memref_slice %arg3[%mul3A_109] : memref<3200000xf32, #tpu.memory_space<hbm>> -> memref<3200xf32, #tpu.memory_space<hbm>>
      %dma_start3A_179 = tpu.memref_slice %arg3[%mul3A_109] : memref<3200000xf32, #tpu.memory_space<hbm>> -> memref<3200xf32, #tpu.memory_space<hbm>>
      tpu.enqueue_dma source(%dma_start3A_179 : memref<3200xf32, #tpu.memory_space<hbm>>) target(%arg11 : memref<3200xf32, #tpu.memory_space<vmem>>) target_semaphore(%arg17 : memref<!tpu.dma_semaphore, #tpu.memory_space<semaphore_mem>>)
      %dma_start3A_180 = tpu.memref_slice %arg4[%mul3A_109] : memref<3200000xi32, #tpu.memory_space<hbm>> -> memref<3200xi32, #tpu.memory_space<hbm>>
      %dma_start3A_181 = tpu.memref_slice %arg4[%mul3A_109] : memref<3200000xi32, #tpu.memory_space<hbm>> -> memref<3200xi32, #tpu.memory_space<hbm>>
      tpu.enqueue_dma source(%dma_start3A_181 : memref<3200xi32, #tpu.memory_space<hbm>>) target(%arg12 : memref<3200xi32, #tpu.memory_space<vmem>>) target_semaphore(%arg17 : memref<!tpu.dma_semaphore, #tpu.memory_space<semaphore_mem>>)
      %dma_start3A_182 = tpu.memref_slice %arg5[%mul3A_109] : memref<3200000xi32, #tpu.memory_space<hbm>> -> memref<3200xi32, #tpu.memory_space<hbm>>
      %dma_start3A_183 = tpu.memref_slice %arg5[%mul3A_109] : memref<3200000xi32, #tpu.memory_space<hbm>> -> memref<3200xi32, #tpu.memory_space<hbm>>
      tpu.enqueue_dma source(%dma_start3A_183 : memref<3200xi32, #tpu.memory_space<hbm>>) target(%arg13 : memref<3200xi32, #tpu.memory_space<vmem>>) target_semaphore(%arg17 : memref<!tpu.dma_semaphore, #tpu.memory_space<semaphore_mem>>)
    } else {
    }
    %add3A_144 = arith.constant 1 : i32
    %add3A_145 = arith.addi %max3A_137, %add3A_144 : i32
    %jit3A_146 = arith.constant 2 : i32
    %div3A_147 = arith.divsi %add3A_145, %jit3A_146 : i32
    %sign3A_148 = arith.constant 0 : i32
    %sign3A_149 = arith.cmpi sgt, %add3A_145, %sign3A_148 : i32
    %sign3A_150 = arith.extui %sign3A_149 : i1 to i32
    %sign3A_151 = arith.constant 0 : i32
    %sign3A_152 = arith.cmpi slt, %add3A_145, %sign3A_151 : i32
    %sign3A_153 = arith.extui %sign3A_152 : i1 to i32
    %sign3A_154 = arith.subi %sign3A_150, %sign3A_153 : i32
    %sign3A_155 = arith.constant 0 : i32
    %sign3A_156 = arith.cmpi sgt, %jit3A_146, %sign3A_155 : i32
    %sign3A_157 = arith.extui %sign3A_156 : i1 to i32
    %sign3A_158 = arith.constant 0 : i32
    %sign3A_159 = arith.cmpi slt, %jit3A_146, %sign3A_158 : i32
    %sign3A_160 = arith.extui %sign3A_159 : i1 to i32
    %sign3A_161 = arith.subi %sign3A_157, %sign3A_160 : i32
    %ne3A_162 = arith.cmpi ne, %sign3A_154, %sign3A_161 : i32
    %rem3A_163 = arith.remsi %add3A_145, %jit3A_146 : i32
    %ne3A_164 = arith.constant 0 : i32
    %ne3A_165 = arith.cmpi ne, %rem3A_163, %ne3A_164 : i32
    %and3A_166 = arith.andi %ne3A_162, %ne3A_165 : i1
    %sub3A_167 = arith.constant 1 : i32
    %sub3A_168 = arith.subi %div3A_147, %sub3A_167 : i32
    %select_n3A_169 = arith.select %and3A_166, %sub3A_168, %div3A_147 : i32
    %while3A = arith.constant 0 : i32
    %while3A_170 = arith.constant 0 : i32
    %while3A_171 = arith.subi %select_n3A_169, %while3A_170 : i32
    %while3A_172 = arith.addi %while3A_170, %while3A_171 : i32
    %while3A_173 = arith.constant 1 : i32
    %while3A_174 = arith.divsi %while3A_171, %while3A_173 : i32
    %while3A_175 = arith.muli %while3A_174, %while3A_173 : i32
    %while3A_176 = arith.addi %while3A_170, %while3A_175 : i32
    %while3A_177 = arith.constant 1 : i32
    scf.for %while3A_179 = %while3A_170 to %while3A_176 step %while3A_177  : i32 {
      %mul3A_180 = arith.constant 2 : i32
      %mul3A_181 = arith.muli %mul3A_180, %while3A_179 : i32
      %add3A_182 = arith.constant 1 : i32
      %add3A_183 = arith.addi %mul3A_181, %add3A_182 : i32
      %mul3A_184 = arith.constant 3200 : i32
      %mul3A_185 = arith.muli %mul3A_181, %mul3A_184 : i32
      %add3A_186 = arith.addi %mul3A_109, %mul3A_185 : i32
      %mul3A_187 = arith.constant 3200 : i32
      %mul3A_188 = arith.muli %add3A_183, %mul3A_187 : i32
      %add3A_189 = arith.addi %mul3A_109, %mul3A_188 : i32
      %lt3A = arith.cmpi slt, %add3A_183, %max3A_137 : i32
      %convert_element_type3A_190 = arith.extui %lt3A : i1 to i32
      %cond3A_191 = arith.constant 0 : i32
      %cond3A_192 = arith.cmpi ne, %convert_element_type3A_190, %cond3A_191 : i32
      scf.if %cond3A_192 {
        %dma_start3A = tpu.memref_slice %arg3[%add3A_189] : memref<3200000xf32, #tpu.memory_space<hbm>> -> memref<3200xf32, #tpu.memory_space<hbm>>
        %dma_start3A_214 = tpu.memref_slice %arg3[%add3A_189] : memref<3200000xf32, #tpu.memory_space<hbm>> -> memref<3200xf32, #tpu.memory_space<hbm>>
        tpu.enqueue_dma source(%dma_start3A_214 : memref<3200xf32, #tpu.memory_space<hbm>>) target(%arg14 : memref<3200xf32, #tpu.memory_space<vmem>>) target_semaphore(%arg18 : memref<!tpu.dma_semaphore, #tpu.memory_space<semaphore_mem>>)
        %dma_start3A_215 = tpu.memref_slice %arg4[%add3A_189] : memref<3200000xi32, #tpu.memory_space<hbm>> -> memref<3200xi32, #tpu.memory_space<hbm>>
        %dma_start3A_216 = tpu.memref_slice %arg4[%add3A_189] : memref<3200000xi32, #tpu.memory_space<hbm>> -> memref<3200xi32, #tpu.memory_space<hbm>>
        tpu.enqueue_dma source(%dma_start3A_216 : memref<3200xi32, #tpu.memory_space<hbm>>) target(%arg15 : memref<3200xi32, #tpu.memory_space<vmem>>) target_semaphore(%arg18 : memref<!tpu.dma_semaphore, #tpu.memory_space<semaphore_mem>>)
        %dma_start3A_217 = tpu.memref_slice %arg5[%add3A_189] : memref<3200000xi32, #tpu.memory_space<hbm>> -> memref<3200xi32, #tpu.memory_space<hbm>>
        %dma_start3A_218 = tpu.memref_slice %arg5[%add3A_189] : memref<3200000xi32, #tpu.memory_space<hbm>> -> memref<3200xi32, #tpu.memory_space<hbm>>
        tpu.enqueue_dma source(%dma_start3A_218 : memref<3200xi32, #tpu.memory_space<hbm>>) target(%arg16 : memref<3200xi32, #tpu.memory_space<vmem>>) target_semaphore(%arg18 : memref<!tpu.dma_semaphore, #tpu.memory_space<semaphore_mem>>)
      } else {
      }
      %dma_wait3A = tpu.memref_slice %arg3[%add3A_186] : memref<3200000xf32, #tpu.memory_space<hbm>> -> memref<3200xf32, #tpu.memory_space<hbm>>
      %dma_wait3A_193 = tpu.memref_slice %arg3[%add3A_186] : memref<3200000xf32, #tpu.memory_space<hbm>> -> memref<3200xf32, #tpu.memory_space<hbm>>
      tpu.wait_dma2 semaphore(%arg17 : memref<!tpu.dma_semaphore, #tpu.memory_space<semaphore_mem>>) src(%dma_wait3A_193 : memref<3200xf32, #tpu.memory_space<hbm>>) dst(%arg11 : memref<3200xf32, #tpu.memory_space<vmem>>)
      %dma_wait3A_194 = tpu.memref_slice %arg4[%add3A_186] : memref<3200000xi32, #tpu.memory_space<hbm>> -> memref<3200xi32, #tpu.memory_space<hbm>>
      %dma_wait3A_195 = tpu.memref_slice %arg4[%add3A_186] : memref<3200000xi32, #tpu.memory_space<hbm>> -> memref<3200xi32, #tpu.memory_space<hbm>>
      tpu.wait_dma2 semaphore(%arg17 : memref<!tpu.dma_semaphore, #tpu.memory_space<semaphore_mem>>) src(%dma_wait3A_195 : memref<3200xi32, #tpu.memory_space<hbm>>) dst(%arg12 : memref<3200xi32, #tpu.memory_space<vmem>>)
      %dma_wait3A_196 = tpu.memref_slice %arg5[%add3A_186] : memref<3200000xi32, #tpu.memory_space<hbm>> -> memref<3200xi32, #tpu.memory_space<hbm>>
      %dma_wait3A_197 = tpu.memref_slice %arg5[%add3A_186] : memref<3200000xi32, #tpu.memory_space<hbm>> -> memref<3200xi32, #tpu.memory_space<hbm>>
      tpu.wait_dma2 semaphore(%arg17 : memref<!tpu.dma_semaphore, #tpu.memory_space<semaphore_mem>>) src(%dma_wait3A_197 : memref<3200xi32, #tpu.memory_space<hbm>>) dst(%arg13 : memref<3200xi32, #tpu.memory_space<vmem>>)
      %scan3A_198 = arith.constant 0 : i32
      %scan3A_199 = arith.constant 0 : i32
      %scan3A_200 = arith.constant 50 : i32
      %scan3A_201 = arith.addi %scan3A_199, %scan3A_200 : i32
      %scan3A_202 = arith.constant 1 : i32
      scf.for %scan3A_214 = %scan3A_199 to %scan3A_201 step %scan3A_202  : i32 {
        %mul3A_215 = arith.constant 4 : i32
        %mul3A_216 = arith.muli %mul3A_215, %scan3A_214 : i32
        %add3A_217 = arith.constant 0 : i32
        %add3A_218 = arith.addi %mul3A_216, %add3A_217 : i32
        %mul3A_219 = arith.constant 16 : i32
        %mul3A_220 = arith.muli %add3A_218, %mul3A_219 : i32
        %get3A_221 = arith.index_cast %mul3A_220 : i32 to index
        %get3A_222 = tpu.vector_load %arg12[%get3A_221] {strides = array<i32>} : memref<3200xi32, #tpu.memory_space<vmem>>, vector<16xi32>,
        %mul3A_223 = arith.constant 16 : i32
        %mul3A_224 = arith.muli %add3A_218, %mul3A_223 : i32
        %get3A_225 = arith.index_cast %mul3A_224 : i32 to index
        %get3A_226 = tpu.vector_load %arg13[%get3A_225] {strides = array<i32>} : memref<3200xi32, #tpu.memory_space<vmem>>, vector<16xi32>,
        %mul3A_227 = arith.constant 16 : i32
        %mul3A_228 = arith.muli %add3A_218, %mul3A_227 : i32
        %get3A_229 = arith.index_cast %mul3A_228 : i32 to index
        %get3A_230 = tpu.vector_load %arg11[%get3A_229] {strides = array<i32>} : memref<3200xf32, #tpu.memory_space<vmem>>, vector<16xf32>,
        %gather3A = tpu.vector_load_idx %arg8[%get3A_222] : memref<100000xf32, #tpu.memory_space<vmem>>[vector<16xi32>], vector<16xf32>,
        %gather3A_231 = tpu.vector_load_idx %arg8[%get3A_226] : memref<100000xf32, #tpu.memory_space<vmem>>[vector<16xi32>], vector<16xf32>,
        %sub3A_232 = arith.constant 2.500000e+00 : f32
        %sub3A_233 = vector.broadcast %sub3A_232 : f32 to vector<16xf32>
        %sub3A_234 = arith.subf %get3A_230, %sub3A_233 : vector<16xf32>
        %mul3A_235 = arith.constant 2.000000e-01 : f32
        %mul3A_236 = vector.broadcast %mul3A_235 : f32 to vector<16xf32>
        %mul3A_237 = arith.mulf %sub3A_234, %mul3A_236 : vector<16xf32>
        %add3A_238 = arith.addf %mul3A_237, %mul3A_237 : vector<16xf32>
        %sub3A_239 = arith.constant 1.000000e+00 : f32
        %sub3A_240 = vector.broadcast %sub3A_239 : f32 to vector<16xf32>
        %sub3A_241 = arith.subf %add3A_238, %sub3A_240 : vector<16xf32>
        %mul3A_242 = arith.mulf %mul3A_237, %mul3A_237 : vector<16xf32>
        %sub3A_243 = arith.subf %mul3A_237, %mul3A_242 : vector<16xf32>
        %div3A_244 = arith.divf %sub3A_241, %sub3A_243 : vector<16xf32>
        %min3A = arith.constant 8.000000e+01 : f32
        %min3A_245 = vector.broadcast %min3A : f32 to vector<16xf32>
        %min3A_246 = arith.minimumf %div3A_244, %min3A_245 : vector<16xf32>
        %exp3A = math.exp %min3A_246 : vector<16xf32>
        %add3A_247 = arith.constant 1.000000e+00 : f32
        %add3A_248 = vector.broadcast %add3A_247 : f32 to vector<16xf32>
        %add3A_249 = arith.addf %add3A_248, %exp3A : vector<16xf32>
        %div3A_250 = arith.constant 1.000000e+00 : f32
        %div3A_251 = vector.broadcast %div3A_250 : f32 to vector<16xf32>
        %div3A_252 = arith.divf %div3A_251, %add3A_249 : vector<16xf32>
        %le3A = arith.constant 0.000000e+00 : f32
        %le3A_253 = vector.broadcast %le3A : f32 to vector<16xf32>
        %le3A_254 = arith.cmpf ole, %mul3A_237, %le3A_253 : vector<16xf32>
        %ge3A = arith.constant 1.000000e+00 : f32
        %ge3A_255 = vector.broadcast %ge3A : f32 to vector<16xf32>
        %ge3A_256 = arith.cmpf oge, %mul3A_237, %ge3A_255 : vector<16xf32>
        %jit3A_257 = arith.constant 0.000000e+00 : f32
        %broadcast_in_dim3A_258 = vector.broadcast %jit3A_257 : f32 to vector<16xf32>
        %select_n3A_259 = arith.select %ge3A_256, %broadcast_in_dim3A_258, %div3A_252 : vector<16xi1>, vector<16xf32>
        %jit3A_260 = arith.constant 1.000000e+00 : f32
        %broadcast_in_dim3A_261 = vector.broadcast %jit3A_260 : f32 to vector<16xf32>
        %select_n3A_262 = arith.select %le3A_254, %broadcast_in_dim3A_261, %select_n3A_259 : vector<16xi1>, vector<16xf32>
        %mul3A_263 = arith.mulf %get3A_230, %get3A_230 : vector<16xf32>
        %add3A_264 = arith.constant 1.000000e+00 : f32
        %add3A_265 = vector.broadcast %add3A_264 : f32 to vector<16xf32>
        %add3A_266 = arith.addf %mul3A_263, %add3A_265 : vector<16xf32>
        %bitcast3A = vector.bitcast %add3A_266 : vector<16xf32> to vector<16xi32>
        %shift_right_arithmetic3A = arith.constant 1 : i32
        %shift_right_arithmetic3A_267 = vector.broadcast %shift_right_arithmetic3A : i32 to vector<16xi32>
        %shift_right_arithmetic3A_268 = arith.shrsi %bitcast3A, %shift_right_arithmetic3A_267 : vector<16xi32>
        %sub3A_269 = arith.constant 1597463007 : i32
        %sub3A_270 = vector.broadcast %sub3A_269 : i32 to vector<16xi32>
        %sub3A_271 = arith.subi %sub3A_270, %shift_right_arithmetic3A_268 : vector<16xi32>
        %bitcast3A_272 = vector.bitcast %sub3A_271 : vector<16xi32> to vector<16xf32>
        %mul3A_273 = arith.constant 5.000000e-01 : f32
        %mul3A_274 = vector.broadcast %mul3A_273 : f32 to vector<16xf32>
        %mul3A_275 = arith.mulf %mul3A_274, %add3A_266 : vector<16xf32>
        %mul3A_276 = arith.mulf %mul3A_275, %bitcast3A_272 : vector<16xf32>
        %mul3A_277 = arith.mulf %mul3A_276, %bitcast3A_272 : vector<16xf32>
        %sub3A_278 = arith.constant 1.500000e+00 : f32
        %sub3A_279 = vector.broadcast %sub3A_278 : f32 to vector<16xf32>
        %sub3A_280 = arith.subf %sub3A_279, %mul3A_277 : vector<16xf32>
        %mul3A_281 = arith.mulf %bitcast3A_272, %sub3A_280 : vector<16xf32>
        %mul3A_282 = arith.constant 4.010000e-01 : f32
        %mul3A_283 = vector.broadcast %mul3A_282 : f32 to vector<16xf32>
        %mul3A_284 = arith.mulf %mul3A_283, %get3A_230 : vector<16xf32>
        %mul3A_285 = arith.constant 0.188658476 : f32
        %mul3A_286 = vector.broadcast %mul3A_285 : f32 to vector<16xf32>
        %mul3A_287 = arith.mulf %mul3A_286, %mul3A_263 : vector<16xf32>
        %add3A_288 = arith.addf %get3A_230, %mul3A_287 : vector<16xf32>
        %div3A_289 = arith.constant 1.000000e+00 : f32
        %div3A_290 = vector.broadcast %div3A_289 : f32 to vector<16xf32>
        %div3A_291 = arith.divf %div3A_290, %add3A_288 : vector<16xf32>
        %mul3A_292 = arith.mulf %get3A_230, %div3A_291 : vector<16xf32>
        %mul3A_293 = arith.constant 4.704700e-01 : f32
        %mul3A_294 = vector.broadcast %mul3A_293 : f32 to vector<16xf32>
        %mul3A_295 = arith.mulf %mul3A_294, %mul3A_284 : vector<16xf32>
        %add3A_296 = arith.constant 1.000000e+00 : f32
        %add3A_297 = vector.broadcast %add3A_296 : f32 to vector<16xf32>
        %add3A_298 = arith.addf %add3A_297, %mul3A_295 : vector<16xf32>
        %mul3A_299 = arith.mulf %add3A_298, %div3A_291 : vector<16xf32>
        %mul3A_300 = arith.constant 0.747855603 : f32
        %mul3A_301 = vector.broadcast %mul3A_300 : f32 to vector<16xf32>
        %mul3A_302 = arith.mulf %mul3A_292, %mul3A_301 : vector<16xf32>
        %add3A_303 = arith.constant -9.587980e-02 : f32
        %add3A_304 = vector.broadcast %add3A_303 : f32 to vector<16xf32>
        %add3A_305 = arith.addf %add3A_304, %mul3A_302 : vector<16xf32>
        %mul3A_306 = arith.mulf %mul3A_292, %add3A_305 : vector<16xf32>
        %add3A_307 = arith.constant 0.348024189 : f32
        %add3A_308 = vector.broadcast %add3A_307 : f32 to vector<16xf32>
        %add3A_309 = arith.addf %add3A_308, %mul3A_306 : vector<16xf32>
        %mul3A_310 = arith.mulf %mul3A_292, %add3A_309 : vector<16xf32>
        %neg3A = arith.constant 0.000000e+00 : f32
        %neg3A_311 = vector.broadcast %neg3A : f32 to vector<16xf32>
        %neg3A_312 = arith.subf %neg3A_311, %mul3A_284 : vector<16xf32>
        %mul3A_313 = arith.mulf %neg3A_312, %mul3A_284 : vector<16xf32>
        %exp3A_314 = math.exp %mul3A_313 : vector<16xf32>
        %mul3A_315 = arith.mulf %mul3A_310, %exp3A_314 : vector<16xf32>
        %mul3A_316 = arith.mulf %gather3A, %gather3A_231 : vector<16xf32>
        %sub3A_317 = arith.subf %mul3A_281, %mul3A_299 : vector<16xf32>
        %mul3A_318 = arith.mulf %select_n3A_262, %sub3A_317 : vector<16xf32>
        %add3A_319 = arith.addf %mul3A_299, %mul3A_318 : vector<16xf32>
        %mul3A_320 = arith.mulf %mul3A_316, %add3A_319 : vector<16xf32>
        %mul3A_321 = arith.mulf %mul3A_320, %mul3A_315 : vector<16xf32>
        %ge3A_322 = arith.cmpi sge, %get3A_222, %broadcast_in_dim3A_138 : vector<16xi32>
        %lt3A_323 = arith.cmpi slt, %get3A_222, %broadcast_in_dim3A_141 : vector<16xi32>
        %and3A_324 = arith.andi %ge3A_322, %lt3A_323 : vector<16xi1>
        %sub3A_325 = arith.subi %get3A_222, %broadcast_in_dim3A_138 : vector<16xi32>
        %jit3A_326 = arith.constant 0 : i32
        %jit3A_327 = arith.constant 3135 : i32
        %max3A_328 = vector.broadcast %jit3A_326 : i32 to vector<16xi32>
        %max3A_329 = arith.maxsi %max3A_328, %sub3A_325 : vector<16xi32>
        %min3A_330 = vector.broadcast %jit3A_327 : i32 to vector<16xi32>
        %min3A_331 = arith.minsi %min3A_330, %max3A_329 : vector<16xi32>
        tpu.vector_store_idx %arg9[%min3A_331], %mul3A_321 masked %and3A_324 {add = true} : memref<3136xf32, #tpu.memory_space<vmem>>[vector<16xi32>], vector<16xf32>, vector<16xi1>
        %mul3A_332 = arith.constant 4 : i32
        %mul3A_333 = arith.muli %mul3A_332, %scan3A_214 : i32
        %add3A_334 = arith.constant 1 : i32
        %add3A_335 = arith.addi %mul3A_333, %add3A_334 : i32
        %mul3A_336 = arith.constant 16 : i32
        %mul3A_337 = arith.muli %add3A_335, %mul3A_336 : i32
        %get3A_338 = arith.index_cast %mul3A_337 : i32 to index
        %get3A_339 = tpu.vector_load %arg12[%get3A_338] {strides = array<i32>} : memref<3200xi32, #tpu.memory_space<vmem>>, vector<16xi32>,
        %mul3A_340 = arith.constant 16 : i32
        %mul3A_341 = arith.muli %add3A_335, %mul3A_340 : i32
        %get3A_342 = arith.index_cast %mul3A_341 : i32 to index
        %get3A_343 = tpu.vector_load %arg13[%get3A_342] {strides = array<i32>} : memref<3200xi32, #tpu.memory_space<vmem>>, vector<16xi32>,
        %mul3A_344 = arith.constant 16 : i32
        %mul3A_345 = arith.muli %add3A_335, %mul3A_344 : i32
        %get3A_346 = arith.index_cast %mul3A_345 : i32 to index
        %get3A_347 = tpu.vector_load %arg11[%get3A_346] {strides = array<i32>} : memref<3200xf32, #tpu.memory_space<vmem>>, vector<16xf32>,
        %gather3A_348 = tpu.vector_load_idx %arg8[%get3A_339] : memref<100000xf32, #tpu.memory_space<vmem>>[vector<16xi32>], vector<16xf32>,
        %gather3A_349 = tpu.vector_load_idx %arg8[%get3A_343] : memref<100000xf32, #tpu.memory_space<vmem>>[vector<16xi32>], vector<16xf32>,
        %sub3A_350 = arith.constant 2.500000e+00 : f32
        %sub3A_351 = vector.broadcast %sub3A_350 : f32 to vector<16xf32>
        %sub3A_352 = arith.subf %get3A_347, %sub3A_351 : vector<16xf32>
        %mul3A_353 = arith.constant 2.000000e-01 : f32
        %mul3A_354 = vector.broadcast %mul3A_353 : f32 to vector<16xf32>
        %mul3A_355 = arith.mulf %sub3A_352, %mul3A_354 : vector<16xf32>
        %add3A_356 = arith.addf %mul3A_355, %mul3A_355 : vector<16xf32>
        %sub3A_357 = arith.constant 1.000000e+00 : f32
        %sub3A_358 = vector.broadcast %sub3A_357 : f32 to vector<16xf32>
        %sub3A_359 = arith.subf %add3A_356, %sub3A_358 : vector<16xf32>
        %mul3A_360 = arith.mulf %mul3A_355, %mul3A_355 : vector<16xf32>
        %sub3A_361 = arith.subf %mul3A_355, %mul3A_360 : vector<16xf32>
        %div3A_362 = arith.divf %sub3A_359, %sub3A_361 : vector<16xf32>
        %min3A_363 = arith.constant 8.000000e+01 : f32
        %min3A_364 = vector.broadcast %min3A_363 : f32 to vector<16xf32>
        %min3A_365 = arith.minimumf %div3A_362, %min3A_364 : vector<16xf32>
        %exp3A_366 = math.exp %min3A_365 : vector<16xf32>
        %add3A_367 = arith.constant 1.000000e+00 : f32
        %add3A_368 = vector.broadcast %add3A_367 : f32 to vector<16xf32>
        %add3A_369 = arith.addf %add3A_368, %exp3A_366 : vector<16xf32>
        %div3A_370 = arith.constant 1.000000e+00 : f32
        %div3A_371 = vector.broadcast %div3A_370 : f32 to vector<16xf32>
        %div3A_372 = arith.divf %div3A_371, %add3A_369 : vector<16xf32>
        %le3A_373 = arith.constant 0.000000e+00 : f32
        %le3A_374 = vector.broadcast %le3A_373 : f32 to vector<16xf32>
        %le3A_375 = arith.cmpf ole, %mul3A_355, %le3A_374 : vector<16xf32>
        %ge3A_376 = arith.constant 1.000000e+00 : f32
        %ge3A_377 = vector.broadcast %ge3A_376 : f32 to vector<16xf32>
        %ge3A_378 = arith.cmpf oge, %mul3A_355, %ge3A_377 : vector<16xf32>
        %jit3A_379 = arith.constant 0.000000e+00 : f32
        %broadcast_in_dim3A_380 = vector.broadcast %jit3A_379 : f32 to vector<16xf32>
        %select_n3A_381 = arith.select %ge3A_378, %broadcast_in_dim3A_380, %div3A_372 : vector<16xi1>, vector<16xf32>
        %jit3A_382 = arith.constant 1.000000e+00 : f32
        %broadcast_in_dim3A_383 = vector.broadcast %jit3A_382 : f32 to vector<16xf32>
        %select_n3A_384 = arith.select %le3A_375, %broadcast_in_dim3A_383, %select_n3A_381 : vector<16xi1>, vector<16xf32>
        %mul3A_385 = arith.mulf %get3A_347, %get3A_347 : vector<16xf32>
        %add3A_386 = arith.constant 1.000000e+00 : f32
        %add3A_387 = vector.broadcast %add3A_386 : f32 to vector<16xf32>
        %add3A_388 = arith.addf %mul3A_385, %add3A_387 : vector<16xf32>
        %bitcast3A_389 = vector.bitcast %add3A_388 : vector<16xf32> to vector<16xi32>
        %shift_right_arithmetic3A_390 = arith.constant 1 : i32
        %shift_right_arithmetic3A_391 = vector.broadcast %shift_right_arithmetic3A_390 : i32 to vector<16xi32>
        %shift_right_arithmetic3A_392 = arith.shrsi %bitcast3A_389, %shift_right_arithmetic3A_391 : vector<16xi32>
        %sub3A_393 = arith.constant 1597463007 : i32
        %sub3A_394 = vector.broadcast %sub3A_393 : i32 to vector<16xi32>
        %sub3A_395 = arith.subi %sub3A_394, %shift_right_arithmetic3A_392 : vector<16xi32>
        %bitcast3A_396 = vector.bitcast %sub3A_395 : vector<16xi32> to vector<16xf32>
        %mul3A_397 = arith.constant 5.000000e-01 : f32
        %mul3A_398 = vector.broadcast %mul3A_397 : f32 to vector<16xf32>
        %mul3A_399 = arith.mulf %mul3A_398, %add3A_388 : vector<16xf32>
        %mul3A_400 = arith.mulf %mul3A_399, %bitcast3A_396 : vector<16xf32>
        %mul3A_401 = arith.mulf %mul3A_400, %bitcast3A_396 : vector<16xf32>
        %sub3A_402 = arith.constant 1.500000e+00 : f32
        %sub3A_403 = vector.broadcast %sub3A_402 : f32 to vector<16xf32>
        %sub3A_404 = arith.subf %sub3A_403, %mul3A_401 : vector<16xf32>
        %mul3A_405 = arith.mulf %bitcast3A_396, %sub3A_404 : vector<16xf32>
        %mul3A_406 = arith.constant 4.010000e-01 : f32
        %mul3A_407 = vector.broadcast %mul3A_406 : f32 to vector<16xf32>
        %mul3A_408 = arith.mulf %mul3A_407, %get3A_347 : vector<16xf32>
        %mul3A_409 = arith.constant 0.188658476 : f32
        %mul3A_410 = vector.broadcast %mul3A_409 : f32 to vector<16xf32>
        %mul3A_411 = arith.mulf %mul3A_410, %mul3A_385 : vector<16xf32>
        %add3A_412 = arith.addf %get3A_347, %mul3A_411 : vector<16xf32>
        %div3A_413 = arith.constant 1.000000e+00 : f32
        %div3A_414 = vector.broadcast %div3A_413 : f32 to vector<16xf32>
        %div3A_415 = arith.divf %div3A_414, %add3A_412 : vector<16xf32>
        %mul3A_416 = arith.mulf %get3A_347, %div3A_415 : vector<16xf32>
        %mul3A_417 = arith.constant 4.704700e-01 : f32
        %mul3A_418 = vector.broadcast %mul3A_417 : f32 to vector<16xf32>
        %mul3A_419 = arith.mulf %mul3A_418, %mul3A_408 : vector<16xf32>
        %add3A_420 = arith.constant 1.000000e+00 : f32
        %add3A_421 = vector.broadcast %add3A_420 : f32 to vector<16xf32>
        %add3A_422 = arith.addf %add3A_421, %mul3A_419 : vector<16xf32>
        %mul3A_423 = arith.mulf %add3A_422, %div3A_415 : vector<16xf32>
        %mul3A_424 = arith.constant 0.747855603 : f32
        %mul3A_425 = vector.broadcast %mul3A_424 : f32 to vector<16xf32>
        %mul3A_426 = arith.mulf %mul3A_416, %mul3A_425 : vector<16xf32>
        %add3A_427 = arith.constant -9.587980e-02 : f32
        %add3A_428 = vector.broadcast %add3A_427 : f32 to vector<16xf32>
        %add3A_429 = arith.addf %add3A_428, %mul3A_426 : vector<16xf32>
        %mul3A_430 = arith.mulf %mul3A_416, %add3A_429 : vector<16xf32>
        %add3A_431 = arith.constant 0.348024189 : f32
        %add3A_432 = vector.broadcast %add3A_431 : f32 to vector<16xf32>
        %add3A_433 = arith.addf %add3A_432, %mul3A_430 : vector<16xf32>
        %mul3A_434 = arith.mulf %mul3A_416, %add3A_433 : vector<16xf32>
        %neg3A_435 = arith.constant 0.000000e+00 : f32
        %neg3A_436 = vector.broadcast %neg3A_435 : f32 to vector<16xf32>
        %neg3A_437 = arith.subf %neg3A_436, %mul3A_408 : vector<16xf32>
        %mul3A_438 = arith.mulf %neg3A_437, %mul3A_408 : vector<16xf32>
        %exp3A_439 = math.exp %mul3A_438 : vector<16xf32>
        %mul3A_440 = arith.mulf %mul3A_434, %exp3A_439 : vector<16xf32>
        %mul3A_441 = arith.mulf %gather3A_348, %gather3A_349 : vector<16xf32>
        %sub3A_442 = arith.subf %mul3A_405, %mul3A_423 : vector<16xf32>
        %mul3A_443 = arith.mulf %select_n3A_384, %sub3A_442 : vector<16xf32>
        %add3A_444 = arith.addf %mul3A_423, %mul3A_443 : vector<16xf32>
        %mul3A_445 = arith.mulf %mul3A_441, %add3A_444 : vector<16xf32>
        %mul3A_446 = arith.mulf %mul3A_445, %mul3A_440 : vector<16xf32>
        %ge3A_447 = arith.cmpi sge, %get3A_339, %broadcast_in_dim3A_138 : vector<16xi32>
        %lt3A_448 = arith.cmpi slt, %get3A_339, %broadcast_in_dim3A_141 : vector<16xi32>
        %and3A_449 = arith.andi %ge3A_447, %lt3A_448 : vector<16xi1>
        %sub3A_450 = arith.subi %get3A_339, %broadcast_in_dim3A_138 : vector<16xi32>
        %jit3A_451 = arith.constant 0 : i32
        %jit3A_452 = arith.constant 3135 : i32
        %max3A_453 = vector.broadcast %jit3A_451 : i32 to vector<16xi32>
        %max3A_454 = arith.maxsi %max3A_453, %sub3A_450 : vector<16xi32>
        %min3A_455 = vector.broadcast %jit3A_452 : i32 to vector<16xi32>
        %min3A_456 = arith.minsi %min3A_455, %max3A_454 : vector<16xi32>
        tpu.vector_store_idx %arg9[%min3A_456], %mul3A_446 masked %and3A_449 {add = true} : memref<3136xf32, #tpu.memory_space<vmem>>[vector<16xi32>], vector<16xf32>, vector<16xi1>
        %mul3A_457 = arith.constant 4 : i32
        %mul3A_458 = arith.muli %mul3A_457, %scan3A_214 : i32
        %add3A_459 = arith.constant 2 : i32
        %add3A_460 = arith.addi %mul3A_458, %add3A_459 : i32
        %mul3A_461 = arith.constant 16 : i32
        %mul3A_462 = arith.muli %add3A_460, %mul3A_461 : i32
        %get3A_463 = arith.index_cast %mul3A_462 : i32 to index
        %get3A_464 = tpu.vector_load %arg12[%get3A_463] {strides = array<i32>} : memref<3200xi32, #tpu.memory_space<vmem>>, vector<16xi32>,
        %mul3A_465 = arith.constant 16 : i32
        %mul3A_466 = arith.muli %add3A_460, %mul3A_465 : i32
        %get3A_467 = arith.index_cast %mul3A_466 : i32 to index
        %get3A_468 = tpu.vector_load %arg13[%get3A_467] {strides = array<i32>} : memref<3200xi32, #tpu.memory_space<vmem>>, vector<16xi32>,
        %mul3A_469 = arith.constant 16 : i32
        %mul3A_470 = arith.muli %add3A_460, %mul3A_469 : i32
        %get3A_471 = arith.index_cast %mul3A_470 : i32 to index
        %get3A_472 = tpu.vector_load %arg11[%get3A_471] {strides = array<i32>} : memref<3200xf32, #tpu.memory_space<vmem>>, vector<16xf32>,
        %gather3A_473 = tpu.vector_load_idx %arg8[%get3A_464] : memref<100000xf32, #tpu.memory_space<vmem>>[vector<16xi32>], vector<16xf32>,
        %gather3A_474 = tpu.vector_load_idx %arg8[%get3A_468] : memref<100000xf32, #tpu.memory_space<vmem>>[vector<16xi32>], vector<16xf32>,
        %sub3A_475 = arith.constant 2.500000e+00 : f32
        %sub3A_476 = vector.broadcast %sub3A_475 : f32 to vector<16xf32>
        %sub3A_477 = arith.subf %get3A_472, %sub3A_476 : vector<16xf32>
        %mul3A_478 = arith.constant 2.000000e-01 : f32
        %mul3A_479 = vector.broadcast %mul3A_478 : f32 to vector<16xf32>
        %mul3A_480 = arith.mulf %sub3A_477, %mul3A_479 : vector<16xf32>
        %add3A_481 = arith.addf %mul3A_480, %mul3A_480 : vector<16xf32>
        %sub3A_482 = arith.constant 1.000000e+00 : f32
        %sub3A_483 = vector.broadcast %sub3A_482 : f32 to vector<16xf32>
        %sub3A_484 = arith.subf %add3A_481, %sub3A_483 : vector<16xf32>
        %mul3A_485 = arith.mulf %mul3A_480, %mul3A_480 : vector<16xf32>
        %sub3A_486 = arith.subf %mul3A_480, %mul3A_485 : vector<16xf32>
        %div3A_487 = arith.divf %sub3A_484, %sub3A_486 : vector<16xf32>
        %min3A_488 = arith.constant 8.000000e+01 : f32
        %min3A_489 = vector.broadcast %min3A_488 : f32 to vector<16xf32>
        %min3A_490 = arith.minimumf %div3A_487, %min3A_489 : vector<16xf32>
        %exp3A_491 = math.exp %min3A_490 : vector<16xf32>
        %add3A_492 = arith.constant 1.000000e+00 : f32
        %add3A_493 = vector.broadcast %add3A_492 : f32 to vector<16xf32>
        %add3A_494 = arith.addf %add3A_493, %exp3A_491 : vector<16xf32>
        %div3A_495 = arith.constant 1.000000e+00 : f32
        %div3A_496 = vector.broadcast %div3A_495 : f32 to vector<16xf32>
        %div3A_497 = arith.divf %div3A_496, %add3A_494 : vector<16xf32>
        %le3A_498 = arith.constant 0.000000e+00 : f32
        %le3A_499 = vector.broadcast %le3A_498 : f32 to vector<16xf32>
        %le3A_500 = arith.cmpf ole, %mul3A_480, %le3A_499 : vector<16xf32>
        %ge3A_501 = arith.constant 1.000000e+00 : f32
        %ge3A_502 = vector.broadcast %ge3A_501 : f32 to vector<16xf32>
        %ge3A_503 = arith.cmpf oge, %mul3A_480, %ge3A_502 : vector<16xf32>
        %jit3A_504 = arith.constant 0.000000e+00 : f32
        %broadcast_in_dim3A_505 = vector.broadcast %jit3A_504 : f32 to vector<16xf32>
        %select_n3A_506 = arith.select %ge3A_503, %broadcast_in_dim3A_505, %div3A_497 : vector<16xi1>, vector<16xf32>
        %jit3A_507 = arith.constant 1.000000e+00 : f32
        %broadcast_in_dim3A_508 = vector.broadcast %jit3A_507 : f32 to vector<16xf32>
        %select_n3A_509 = arith.select %le3A_500, %broadcast_in_dim3A_508, %select_n3A_506 : vector<16xi1>, vector<16xf32>
        %mul3A_510 = arith.mulf %get3A_472, %get3A_472 : vector<16xf32>
        %add3A_511 = arith.constant 1.000000e+00 : f32
        %add3A_512 = vector.broadcast %add3A_511 : f32 to vector<16xf32>
        %add3A_513 = arith.addf %mul3A_510, %add3A_512 : vector<16xf32>
        %bitcast3A_514 = vector.bitcast %add3A_513 : vector<16xf32> to vector<16xi32>
        %shift_right_arithmetic3A_515 = arith.constant 1 : i32
        %shift_right_arithmetic3A_516 = vector.broadcast %shift_right_arithmetic3A_515 : i32 to vector<16xi32>
        %shift_right_arithmetic3A_517 = arith.shrsi %bitcast3A_514, %shift_right_arithmetic3A_516 : vector<16xi32>
        %sub3A_518 = arith.constant 1597463007 : i32
        %sub3A_519 = vector.broadcast %sub3A_518 : i32 to vector<16xi32>
        %sub3A_520 = arith.subi %sub3A_519, %shift_right_arithmetic3A_517 : vector<16xi32>
        %bitcast3A_521 = vector.bitcast %sub3A_520 : vector<16xi32> to vector<16xf32>
        %mul3A_522 = arith.constant 5.000000e-01 : f32
        %mul3A_523 = vector.broadcast %mul3A_522 : f32 to vector<16xf32>
        %mul3A_524 = arith.mulf %mul3A_523, %add3A_513 : vector<16xf32>
        %mul3A_525 = arith.mulf %mul3A_524, %bitcast3A_521 : vector<16xf32>
        %mul3A_526 = arith.mulf %mul3A_525, %bitcast3A_521 : vector<16xf32>
        %sub3A_527 = arith.constant 1.500000e+00 : f32
        %sub3A_528 = vector.broadcast %sub3A_527 : f32 to vector<16xf32>
        %sub3A_529 = arith.subf %sub3A_528, %mul3A_526 : vector<16xf32>
        %mul3A_530 = arith.mulf %bitcast3A_521, %sub3A_529 : vector<16xf32>
        %mul3A_531 = arith.constant 4.010000e-01 : f32
        %mul3A_532 = vector.broadcast %mul3A_531 : f32 to vector<16xf32>
        %mul3A_533 = arith.mulf %mul3A_532, %get3A_472 : vector<16xf32>
        %mul3A_534 = arith.constant 0.188658476 : f32
        %mul3A_535 = vector.broadcast %mul3A_534 : f32 to vector<16xf32>
        %mul3A_536 = arith.mulf %mul3A_535, %mul3A_510 : vector<16xf32>
        %add3A_537 = arith.addf %get3A_472, %mul3A_536 : vector<16xf32>
        %div3A_538 = arith.constant 1.000000e+00 : f32
        %div3A_539 = vector.broadcast %div3A_538 : f32 to vector<16xf32>
        %div3A_540 = arith.divf %div3A_539, %add3A_537 : vector<16xf32>
        %mul3A_541 = arith.mulf %get3A_472, %div3A_540 : vector<16xf32>
        %mul3A_542 = arith.constant 4.704700e-01 : f32
        %mul3A_543 = vector.broadcast %mul3A_542 : f32 to vector<16xf32>
        %mul3A_544 = arith.mulf %mul3A_543, %mul3A_533 : vector<16xf32>
        %add3A_545 = arith.constant 1.000000e+00 : f32
        %add3A_546 = vector.broadcast %add3A_545 : f32 to vector<16xf32>
        %add3A_547 = arith.addf %add3A_546, %mul3A_544 : vector<16xf32>
        %mul3A_548 = arith.mulf %add3A_547, %div3A_540 : vector<16xf32>
        %mul3A_549 = arith.constant 0.747855603 : f32
        %mul3A_550 = vector.broadcast %mul3A_549 : f32 to vector<16xf32>
        %mul3A_551 = arith.mulf %mul3A_541, %mul3A_550 : vector<16xf32>
        %add3A_552 = arith.constant -9.587980e-02 : f32
        %add3A_553 = vector.broadcast %add3A_552 : f32 to vector<16xf32>
        %add3A_554 = arith.addf %add3A_553, %mul3A_551 : vector<16xf32>
        %mul3A_555 = arith.mulf %mul3A_541, %add3A_554 : vector<16xf32>
        %add3A_556 = arith.constant 0.348024189 : f32
        %add3A_557 = vector.broadcast %add3A_556 : f32 to vector<16xf32>
        %add3A_558 = arith.addf %add3A_557, %mul3A_555 : vector<16xf32>
        %mul3A_559 = arith.mulf %mul3A_541, %add3A_558 : vector<16xf32>
        %neg3A_560 = arith.constant 0.000000e+00 : f32
        %neg3A_561 = vector.broadcast %neg3A_560 : f32 to vector<16xf32>
        %neg3A_562 = arith.subf %neg3A_561, %mul3A_533 : vector<16xf32>
        %mul3A_563 = arith.mulf %neg3A_562, %mul3A_533 : vector<16xf32>
        %exp3A_564 = math.exp %mul3A_563 : vector<16xf32>
        %mul3A_565 = arith.mulf %mul3A_559, %exp3A_564 : vector<16xf32>
        %mul3A_566 = arith.mulf %gather3A_473, %gather3A_474 : vector<16xf32>
        %sub3A_567 = arith.subf %mul3A_530, %mul3A_548 : vector<16xf32>
        %mul3A_568 = arith.mulf %select_n3A_509, %sub3A_567 : vector<16xf32>
        %add3A_569 = arith.addf %mul3A_548, %mul3A_568 : vector<16xf32>
        %mul3A_570 = arith.mulf %mul3A_566, %add3A_569 : vector<16xf32>
        %mul3A_571 = arith.mulf %mul3A_570, %mul3A_565 : vector<16xf32>
        %ge3A_572 = arith.cmpi sge, %get3A_464, %broadcast_in_dim3A_138 : vector<16xi32>
        %lt3A_573 = arith.cmpi slt, %get3A_464, %broadcast_in_dim3A_141 : vector<16xi32>
        %and3A_574 = arith.andi %ge3A_572, %lt3A_573 : vector<16xi1>
        %sub3A_575 = arith.subi %get3A_464, %broadcast_in_dim3A_138 : vector<16xi32>
        %jit3A_576 = arith.constant 0 : i32
        %jit3A_577 = arith.constant 3135 : i32
        %max3A_578 = vector.broadcast %jit3A_576 : i32 to vector<16xi32>
        %max3A_579 = arith.maxsi %max3A_578, %sub3A_575 : vector<16xi32>
        %min3A_580 = vector.broadcast %jit3A_577 : i32 to vector<16xi32>
        %min3A_581 = arith.minsi %min3A_580, %max3A_579 : vector<16xi32>
        tpu.vector_store_idx %arg9[%min3A_581], %mul3A_571 masked %and3A_574 {add = true} : memref<3136xf32, #tpu.memory_space<vmem>>[vector<16xi32>], vector<16xf32>, vector<16xi1>
        %mul3A_582 = arith.constant 4 : i32
        %mul3A_583 = arith.muli %mul3A_582, %scan3A_214 : i32
        %add3A_584 = arith.constant 3 : i32
        %add3A_585 = arith.addi %mul3A_583, %add3A_584 : i32
        %mul3A_586 = arith.constant 16 : i32
        %mul3A_587 = arith.muli %add3A_585, %mul3A_586 : i32
        %get3A_588 = arith.index_cast %mul3A_587 : i32 to index
        %get3A_589 = tpu.vector_load %arg12[%get3A_588] {strides = array<i32>} : memref<3200xi32, #tpu.memory_space<vmem>>, vector<16xi32>,
        %mul3A_590 = arith.constant 16 : i32
        %mul3A_591 = arith.muli %add3A_585, %mul3A_590 : i32
        %get3A_592 = arith.index_cast %mul3A_591 : i32 to index
        %get3A_593 = tpu.vector_load %arg13[%get3A_592] {strides = array<i32>} : memref<3200xi32, #tpu.memory_space<vmem>>, vector<16xi32>,
        %mul3A_594 = arith.constant 16 : i32
        %mul3A_595 = arith.muli %add3A_585, %mul3A_594 : i32
        %get3A_596 = arith.index_cast %mul3A_595 : i32 to index
        %get3A_597 = tpu.vector_load %arg11[%get3A_596] {strides = array<i32>} : memref<3200xf32, #tpu.memory_space<vmem>>, vector<16xf32>,
        %gather3A_598 = tpu.vector_load_idx %arg8[%get3A_589] : memref<100000xf32, #tpu.memory_space<vmem>>[vector<16xi32>], vector<16xf32>,
        %gather3A_599 = tpu.vector_load_idx %arg8[%get3A_593] : memref<100000xf32, #tpu.memory_space<vmem>>[vector<16xi32>], vector<16xf32>,
        %sub3A_600 = arith.constant 2.500000e+00 : f32
        %sub3A_601 = vector.broadcast %sub3A_600 : f32 to vector<16xf32>
        %sub3A_602 = arith.subf %get3A_597, %sub3A_601 : vector<16xf32>
        %mul3A_603 = arith.constant 2.000000e-01 : f32
        %mul3A_604 = vector.broadcast %mul3A_603 : f32 to vector<16xf32>
        %mul3A_605 = arith.mulf %sub3A_602, %mul3A_604 : vector<16xf32>
        %add3A_606 = arith.addf %mul3A_605, %mul3A_605 : vector<16xf32>
        %sub3A_607 = arith.constant 1.000000e+00 : f32
        %sub3A_608 = vector.broadcast %sub3A_607 : f32 to vector<16xf32>
        %sub3A_609 = arith.subf %add3A_606, %sub3A_608 : vector<16xf32>
        %mul3A_610 = arith.mulf %mul3A_605, %mul3A_605 : vector<16xf32>
        %sub3A_611 = arith.subf %mul3A_605, %mul3A_610 : vector<16xf32>
        %div3A_612 = arith.divf %sub3A_609, %sub3A_611 : vector<16xf32>
        %min3A_613 = arith.constant 8.000000e+01 : f32
        %min3A_614 = vector.broadcast %min3A_613 : f32 to vector<16xf32>
        %min3A_615 = arith.minimumf %div3A_612, %min3A_614 : vector<16xf32>
        %exp3A_616 = math.exp %min3A_615 : vector<16xf32>
        %add3A_617 = arith.constant 1.000000e+00 : f32
        %add3A_618 = vector.broadcast %add3A_617 : f32 to vector<16xf32>
        %add3A_619 = arith.addf %add3A_618, %exp3A_616 : vector<16xf32>
        %div3A_620 = arith.constant 1.000000e+00 : f32
        %div3A_621 = vector.broadcast %div3A_620 : f32 to vector<16xf32>
        %div3A_622 = arith.divf %div3A_621, %add3A_619 : vector<16xf32>
        %le3A_623 = arith.constant 0.000000e+00 : f32
        %le3A_624 = vector.broadcast %le3A_623 : f32 to vector<16xf32>
        %le3A_625 = arith.cmpf ole, %mul3A_605, %le3A_624 : vector<16xf32>
        %ge3A_626 = arith.constant 1.000000e+00 : f32
        %ge3A_627 = vector.broadcast %ge3A_626 : f32 to vector<16xf32>
        %ge3A_628 = arith.cmpf oge, %mul3A_605, %ge3A_627 : vector<16xf32>
        %jit3A_629 = arith.constant 0.000000e+00 : f32
        %broadcast_in_dim3A_630 = vector.broadcast %jit3A_629 : f32 to vector<16xf32>
        %select_n3A_631 = arith.select %ge3A_628, %broadcast_in_dim3A_630, %div3A_622 : vector<16xi1>, vector<16xf32>
        %jit3A_632 = arith.constant 1.000000e+00 : f32
        %broadcast_in_dim3A_633 = vector.broadcast %jit3A_632 : f32 to vector<16xf32>
        %select_n3A_634 = arith.select %le3A_625, %broadcast_in_dim3A_633, %select_n3A_631 : vector<16xi1>, vector<16xf32>
        %mul3A_635 = arith.mulf %get3A_597, %get3A_597 : vector<16xf32>
        %add3A_636 = arith.constant 1.000000e+00 : f32
        %add3A_637 = vector.broadcast %add3A_636 : f32 to vector<16xf32>
        %add3A_638 = arith.addf %mul3A_635, %add3A_637 : vector<16xf32>
        %bitcast3A_639 = vector.bitcast %add3A_638 : vector<16xf32> to vector<16xi32>
        %shift_right_arithmetic3A_640 = arith.constant 1 : i32
        %shift_right_arithmetic3A_641 = vector.broadcast %shift_right_arithmetic3A_640 : i32 to vector<16xi32>
        %shift_right_arithmetic3A_642 = arith.shrsi %bitcast3A_639, %shift_right_arithmetic3A_641 : vector<16xi32>
        %sub3A_643 = arith.constant 1597463007 : i32
        %sub3A_644 = vector.broadcast %sub3A_643 : i32 to vector<16xi32>
        %sub3A_645 = arith.subi %sub3A_644, %shift_right_arithmetic3A_642 : vector<16xi32>
        %bitcast3A_646 = vector.bitcast %sub3A_645 : vector<16xi32> to vector<16xf32>
        %mul3A_647 = arith.constant 5.000000e-01 : f32
        %mul3A_648 = vector.broadcast %mul3A_647 : f32 to vector<16xf32>
        %mul3A_649 = arith.mulf %mul3A_648, %add3A_638 : vector<16xf32>
        %mul3A_650 = arith.mulf %mul3A_649, %bitcast3A_646 : vector<16xf32>
        %mul3A_651 = arith.mulf %mul3A_650, %bitcast3A_646 : vector<16xf32>
        %sub3A_652 = arith.constant 1.500000e+00 : f32
        %sub3A_653 = vector.broadcast %sub3A_652 : f32 to vector<16xf32>
        %sub3A_654 = arith.subf %sub3A_653, %mul3A_651 : vector<16xf32>
        %mul3A_655 = arith.mulf %bitcast3A_646, %sub3A_654 : vector<16xf32>
        %mul3A_656 = arith.constant 4.010000e-01 : f32
        %mul3A_657 = vector.broadcast %mul3A_656 : f32 to vector<16xf32>
        %mul3A_658 = arith.mulf %mul3A_657, %get3A_597 : vector<16xf32>
        %mul3A_659 = arith.constant 0.188658476 : f32
        %mul3A_660 = vector.broadcast %mul3A_659 : f32 to vector<16xf32>
        %mul3A_661 = arith.mulf %mul3A_660, %mul3A_635 : vector<16xf32>
        %add3A_662 = arith.addf %get3A_597, %mul3A_661 : vector<16xf32>
        %div3A_663 = arith.constant 1.000000e+00 : f32
        %div3A_664 = vector.broadcast %div3A_663 : f32 to vector<16xf32>
        %div3A_665 = arith.divf %div3A_664, %add3A_662 : vector<16xf32>
        %mul3A_666 = arith.mulf %get3A_597, %div3A_665 : vector<16xf32>
        %mul3A_667 = arith.constant 4.704700e-01 : f32
        %mul3A_668 = vector.broadcast %mul3A_667 : f32 to vector<16xf32>
        %mul3A_669 = arith.mulf %mul3A_668, %mul3A_658 : vector<16xf32>
        %add3A_670 = arith.constant 1.000000e+00 : f32
        %add3A_671 = vector.broadcast %add3A_670 : f32 to vector<16xf32>
        %add3A_672 = arith.addf %add3A_671, %mul3A_669 : vector<16xf32>
        %mul3A_673 = arith.mulf %add3A_672, %div3A_665 : vector<16xf32>
        %mul3A_674 = arith.constant 0.747855603 : f32
        %mul3A_675 = vector.broadcast %mul3A_674 : f32 to vector<16xf32>
        %mul3A_676 = arith.mulf %mul3A_666, %mul3A_675 : vector<16xf32>
        %add3A_677 = arith.constant -9.587980e-02 : f32
        %add3A_678 = vector.broadcast %add3A_677 : f32 to vector<16xf32>
        %add3A_679 = arith.addf %add3A_678, %mul3A_676 : vector<16xf32>
        %mul3A_680 = arith.mulf %mul3A_666, %add3A_679 : vector<16xf32>
        %add3A_681 = arith.constant 0.348024189 : f32
        %add3A_682 = vector.broadcast %add3A_681 : f32 to vector<16xf32>
        %add3A_683 = arith.addf %add3A_682, %mul3A_680 : vector<16xf32>
        %mul3A_684 = arith.mulf %mul3A_666, %add3A_683 : vector<16xf32>
        %neg3A_685 = arith.constant 0.000000e+00 : f32
        %neg3A_686 = vector.broadcast %neg3A_685 : f32 to vector<16xf32>
        %neg3A_687 = arith.subf %neg3A_686, %mul3A_658 : vector<16xf32>
        %mul3A_688 = arith.mulf %neg3A_687, %mul3A_658 : vector<16xf32>
        %exp3A_689 = math.exp %mul3A_688 : vector<16xf32>
        %mul3A_690 = arith.mulf %mul3A_684, %exp3A_689 : vector<16xf32>
        %mul3A_691 = arith.mulf %gather3A_598, %gather3A_599 : vector<16xf32>
        %sub3A_692 = arith.subf %mul3A_655, %mul3A_673 : vector<16xf32>
        %mul3A_693 = arith.mulf %select_n3A_634, %sub3A_692 : vector<16xf32>
        %add3A_694 = arith.addf %mul3A_673, %mul3A_693 : vector<16xf32>
        %mul3A_695 = arith.mulf %mul3A_691, %add3A_694 : vector<16xf32>
        %mul3A_696 = arith.mulf %mul3A_695, %mul3A_690 : vector<16xf32>
        %ge3A_697 = arith.cmpi sge, %get3A_589, %broadcast_in_dim3A_138 : vector<16xi32>
        %lt3A_698 = arith.cmpi slt, %get3A_589, %broadcast_in_dim3A_141 : vector<16xi32>
        %and3A_699 = arith.andi %ge3A_697, %lt3A_698 : vector<16xi1>
        %sub3A_700 = arith.subi %get3A_589, %broadcast_in_dim3A_138 : vector<16xi32>
        %jit3A_701 = arith.constant 0 : i32
        %jit3A_702 = arith.constant 3135 : i32
        %max3A_703 = vector.broadcast %jit3A_701 : i32 to vector<16xi32>
        %max3A_704 = arith.maxsi %max3A_703, %sub3A_700 : vector<16xi32>
        %min3A_705 = vector.broadcast %jit3A_702 : i32 to vector<16xi32>
        %min3A_706 = arith.minsi %min3A_705, %max3A_704 : vector<16xi32>
        tpu.vector_store_idx %arg9[%min3A_706], %mul3A_696 masked %and3A_699 {add = true} : memref<3136xf32, #tpu.memory_space<vmem>>[vector<16xi32>], vector<16xf32>, vector<16xi1>
      }
      %scan3A_203 = arith.constant 50 : i32
      %add3A_204 = arith.constant 2 : i32
      %add3A_205 = arith.addi %mul3A_181, %add3A_204 : i32
      %lt3A_206 = arith.cmpi slt, %add3A_205, %max3A_137 : i32
      %convert_element_type3A_207 = arith.extui %lt3A_206 : i1 to i32
      %cond3A_208 = arith.constant 0 : i32
      %cond3A_209 = arith.cmpi ne, %convert_element_type3A_207, %cond3A_208 : i32
      scf.if %cond3A_209 {
        %add3A_214 = arith.constant 6400 : i32
        %add3A_215 = arith.addi %add3A_186, %add3A_214 : i32
        %dma_start3A = tpu.memref_slice %arg3[%add3A_215] : memref<3200000xf32, #tpu.memory_space<hbm>> -> memref<3200xf32, #tpu.memory_space<hbm>>
        %dma_start3A_216 = tpu.memref_slice %arg3[%add3A_215] : memref<3200000xf32, #tpu.memory_space<hbm>> -> memref<3200xf32, #tpu.memory_space<hbm>>
        tpu.enqueue_dma source(%dma_start3A_216 : memref<3200xf32, #tpu.memory_space<hbm>>) target(%arg11 : memref<3200xf32, #tpu.memory_space<vmem>>) target_semaphore(%arg17 : memref<!tpu.dma_semaphore, #tpu.memory_space<semaphore_mem>>)
        %dma_start3A_217 = tpu.memref_slice %arg4[%add3A_215] : memref<3200000xi32, #tpu.memory_space<hbm>> -> memref<3200xi32, #tpu.memory_space<hbm>>
        %dma_start3A_218 = tpu.memref_slice %arg4[%add3A_215] : memref<3200000xi32, #tpu.memory_space<hbm>> -> memref<3200xi32, #tpu.memory_space<hbm>>
        tpu.enqueue_dma source(%dma_start3A_218 : memref<3200xi32, #tpu.memory_space<hbm>>) target(%arg12 : memref<3200xi32, #tpu.memory_space<vmem>>) target_semaphore(%arg17 : memref<!tpu.dma_semaphore, #tpu.memory_space<semaphore_mem>>)
        %dma_start3A_219 = tpu.memref_slice %arg5[%add3A_215] : memref<3200000xi32, #tpu.memory_space<hbm>> -> memref<3200xi32, #tpu.memory_space<hbm>>
        %dma_start3A_220 = tpu.memref_slice %arg5[%add3A_215] : memref<3200000xi32, #tpu.memory_space<hbm>> -> memref<3200xi32, #tpu.memory_space<hbm>>
        tpu.enqueue_dma source(%dma_start3A_220 : memref<3200xi32, #tpu.memory_space<hbm>>) target(%arg13 : memref<3200xi32, #tpu.memory_space<vmem>>) target_semaphore(%arg17 : memref<!tpu.dma_semaphore, #tpu.memory_space<semaphore_mem>>)
      } else {
      }
      %lt3A_210 = arith.cmpi slt, %add3A_183, %max3A_137 : i32
      %convert_element_type3A_211 = arith.extui %lt3A_210 : i1 to i32
      %cond3A_212 = arith.constant 0 : i32
      %cond3A_213 = arith.cmpi ne, %convert_element_type3A_211, %cond3A_212 : i32
      scf.if %cond3A_213 {
        %dma_wait3A_214 = tpu.memref_slice %arg3[%add3A_189] : memref<3200000xf32, #tpu.memory_space<hbm>> -> memref<3200xf32, #tpu.memory_space<hbm>>
        %dma_wait3A_215 = tpu.memref_slice %arg3[%add3A_189] : memref<3200000xf32, #tpu.memory_space<hbm>> -> memref<3200xf32, #tpu.memory_space<hbm>>
        tpu.wait_dma2 semaphore(%arg18 : memref<!tpu.dma_semaphore, #tpu.memory_space<semaphore_mem>>) src(%dma_wait3A_215 : memref<3200xf32, #tpu.memory_space<hbm>>) dst(%arg14 : memref<3200xf32, #tpu.memory_space<vmem>>)
        %dma_wait3A_216 = tpu.memref_slice %arg4[%add3A_189] : memref<3200000xi32, #tpu.memory_space<hbm>> -> memref<3200xi32, #tpu.memory_space<hbm>>
        %dma_wait3A_217 = tpu.memref_slice %arg4[%add3A_189] : memref<3200000xi32, #tpu.memory_space<hbm>> -> memref<3200xi32, #tpu.memory_space<hbm>>
        tpu.wait_dma2 semaphore(%arg18 : memref<!tpu.dma_semaphore, #tpu.memory_space<semaphore_mem>>) src(%dma_wait3A_217 : memref<3200xi32, #tpu.memory_space<hbm>>) dst(%arg15 : memref<3200xi32, #tpu.memory_space<vmem>>)
        %dma_wait3A_218 = tpu.memref_slice %arg5[%add3A_189] : memref<3200000xi32, #tpu.memory_space<hbm>> -> memref<3200xi32, #tpu.memory_space<hbm>>
        %dma_wait3A_219 = tpu.memref_slice %arg5[%add3A_189] : memref<3200000xi32, #tpu.memory_space<hbm>> -> memref<3200xi32, #tpu.memory_space<hbm>>
        tpu.wait_dma2 semaphore(%arg18 : memref<!tpu.dma_semaphore, #tpu.memory_space<semaphore_mem>>) src(%dma_wait3A_219 : memref<3200xi32, #tpu.memory_space<hbm>>) dst(%arg16 : memref<3200xi32, #tpu.memory_space<vmem>>)
        %scan3A_220 = arith.constant 0 : i32
        %scan3A_221 = arith.constant 0 : i32
        %scan3A_222 = arith.constant 50 : i32
        %scan3A_223 = arith.addi %scan3A_221, %scan3A_222 : i32
        %scan3A_224 = arith.constant 1 : i32
        scf.for %scan3A_226 = %scan3A_221 to %scan3A_223 step %scan3A_224  : i32 {
          %mul3A_227 = arith.constant 4 : i32
          %mul3A_228 = arith.muli %mul3A_227, %scan3A_226 : i32
          %add3A_229 = arith.constant 0 : i32
          %add3A_230 = arith.addi %mul3A_228, %add3A_229 : i32
          %mul3A_231 = arith.constant 16 : i32
          %mul3A_232 = arith.muli %add3A_230, %mul3A_231 : i32
          %get3A_233 = arith.index_cast %mul3A_232 : i32 to index
          %get3A_234 = tpu.vector_load %arg15[%get3A_233] {strides = array<i32>} : memref<3200xi32, #tpu.memory_space<vmem>>, vector<16xi32>,
          %mul3A_235 = arith.constant 16 : i32
          %mul3A_236 = arith.muli %add3A_230, %mul3A_235 : i32
          %get3A_237 = arith.index_cast %mul3A_236 : i32 to index
          %get3A_238 = tpu.vector_load %arg16[%get3A_237] {strides = array<i32>} : memref<3200xi32, #tpu.memory_space<vmem>>, vector<16xi32>,
          %mul3A_239 = arith.constant 16 : i32
          %mul3A_240 = arith.muli %add3A_230, %mul3A_239 : i32
          %get3A_241 = arith.index_cast %mul3A_240 : i32 to index
          %get3A_242 = tpu.vector_load %arg14[%get3A_241] {strides = array<i32>} : memref<3200xf32, #tpu.memory_space<vmem>>, vector<16xf32>,
          %gather3A = tpu.vector_load_idx %arg8[%get3A_234] : memref<100000xf32, #tpu.memory_space<vmem>>[vector<16xi32>], vector<16xf32>,
          %gather3A_243 = tpu.vector_load_idx %arg8[%get3A_238] : memref<100000xf32, #tpu.memory_space<vmem>>[vector<16xi32>], vector<16xf32>,
          %sub3A_244 = arith.constant 2.500000e+00 : f32
          %sub3A_245 = vector.broadcast %sub3A_244 : f32 to vector<16xf32>
          %sub3A_246 = arith.subf %get3A_242, %sub3A_245 : vector<16xf32>
          %mul3A_247 = arith.constant 2.000000e-01 : f32
          %mul3A_248 = vector.broadcast %mul3A_247 : f32 to vector<16xf32>
          %mul3A_249 = arith.mulf %sub3A_246, %mul3A_248 : vector<16xf32>
          %add3A_250 = arith.addf %mul3A_249, %mul3A_249 : vector<16xf32>
          %sub3A_251 = arith.constant 1.000000e+00 : f32
          %sub3A_252 = vector.broadcast %sub3A_251 : f32 to vector<16xf32>
          %sub3A_253 = arith.subf %add3A_250, %sub3A_252 : vector<16xf32>
          %mul3A_254 = arith.mulf %mul3A_249, %mul3A_249 : vector<16xf32>
          %sub3A_255 = arith.subf %mul3A_249, %mul3A_254 : vector<16xf32>
          %div3A_256 = arith.divf %sub3A_253, %sub3A_255 : vector<16xf32>
          %min3A = arith.constant 8.000000e+01 : f32
          %min3A_257 = vector.broadcast %min3A : f32 to vector<16xf32>
          %min3A_258 = arith.minimumf %div3A_256, %min3A_257 : vector<16xf32>
          %exp3A = math.exp %min3A_258 : vector<16xf32>
          %add3A_259 = arith.constant 1.000000e+00 : f32
          %add3A_260 = vector.broadcast %add3A_259 : f32 to vector<16xf32>
          %add3A_261 = arith.addf %add3A_260, %exp3A : vector<16xf32>
          %div3A_262 = arith.constant 1.000000e+00 : f32
          %div3A_263 = vector.broadcast %div3A_262 : f32 to vector<16xf32>
          %div3A_264 = arith.divf %div3A_263, %add3A_261 : vector<16xf32>
          %le3A = arith.constant 0.000000e+00 : f32
          %le3A_265 = vector.broadcast %le3A : f32 to vector<16xf32>
          %le3A_266 = arith.cmpf ole, %mul3A_249, %le3A_265 : vector<16xf32>
          %ge3A = arith.constant 1.000000e+00 : f32
          %ge3A_267 = vector.broadcast %ge3A : f32 to vector<16xf32>
          %ge3A_268 = arith.cmpf oge, %mul3A_249, %ge3A_267 : vector<16xf32>
          %jit3A_269 = arith.constant 0.000000e+00 : f32
          %broadcast_in_dim3A_270 = vector.broadcast %jit3A_269 : f32 to vector<16xf32>
          %select_n3A_271 = arith.select %ge3A_268, %broadcast_in_dim3A_270, %div3A_264 : vector<16xi1>, vector<16xf32>
          %jit3A_272 = arith.constant 1.000000e+00 : f32
          %broadcast_in_dim3A_273 = vector.broadcast %jit3A_272 : f32 to vector<16xf32>
          %select_n3A_274 = arith.select %le3A_266, %broadcast_in_dim3A_273, %select_n3A_271 : vector<16xi1>, vector<16xf32>
          %mul3A_275 = arith.mulf %get3A_242, %get3A_242 : vector<16xf32>
          %add3A_276 = arith.constant 1.000000e+00 : f32
          %add3A_277 = vector.broadcast %add3A_276 : f32 to vector<16xf32>
          %add3A_278 = arith.addf %mul3A_275, %add3A_277 : vector<16xf32>
          %bitcast3A = vector.bitcast %add3A_278 : vector<16xf32> to vector<16xi32>
          %shift_right_arithmetic3A = arith.constant 1 : i32
          %shift_right_arithmetic3A_279 = vector.broadcast %shift_right_arithmetic3A : i32 to vector<16xi32>
          %shift_right_arithmetic3A_280 = arith.shrsi %bitcast3A, %shift_right_arithmetic3A_279 : vector<16xi32>
          %sub3A_281 = arith.constant 1597463007 : i32
          %sub3A_282 = vector.broadcast %sub3A_281 : i32 to vector<16xi32>
          %sub3A_283 = arith.subi %sub3A_282, %shift_right_arithmetic3A_280 : vector<16xi32>
          %bitcast3A_284 = vector.bitcast %sub3A_283 : vector<16xi32> to vector<16xf32>
          %mul3A_285 = arith.constant 5.000000e-01 : f32
          %mul3A_286 = vector.broadcast %mul3A_285 : f32 to vector<16xf32>
          %mul3A_287 = arith.mulf %mul3A_286, %add3A_278 : vector<16xf32>
          %mul3A_288 = arith.mulf %mul3A_287, %bitcast3A_284 : vector<16xf32>
          %mul3A_289 = arith.mulf %mul3A_288, %bitcast3A_284 : vector<16xf32>
          %sub3A_290 = arith.constant 1.500000e+00 : f32
          %sub3A_291 = vector.broadcast %sub3A_290 : f32 to vector<16xf32>
          %sub3A_292 = arith.subf %sub3A_291, %mul3A_289 : vector<16xf32>
          %mul3A_293 = arith.mulf %bitcast3A_284, %sub3A_292 : vector<16xf32>
          %mul3A_294 = arith.constant 4.010000e-01 : f32
          %mul3A_295 = vector.broadcast %mul3A_294 : f32 to vector<16xf32>
          %mul3A_296 = arith.mulf %mul3A_295, %get3A_242 : vector<16xf32>
          %mul3A_297 = arith.constant 0.188658476 : f32
          %mul3A_298 = vector.broadcast %mul3A_297 : f32 to vector<16xf32>
          %mul3A_299 = arith.mulf %mul3A_298, %mul3A_275 : vector<16xf32>
          %add3A_300 = arith.addf %get3A_242, %mul3A_299 : vector<16xf32>
          %div3A_301 = arith.constant 1.000000e+00 : f32
          %div3A_302 = vector.broadcast %div3A_301 : f32 to vector<16xf32>
          %div3A_303 = arith.divf %div3A_302, %add3A_300 : vector<16xf32>
          %mul3A_304 = arith.mulf %get3A_242, %div3A_303 : vector<16xf32>
          %mul3A_305 = arith.constant 4.704700e-01 : f32
          %mul3A_306 = vector.broadcast %mul3A_305 : f32 to vector<16xf32>
          %mul3A_307 = arith.mulf %mul3A_306, %mul3A_296 : vector<16xf32>
          %add3A_308 = arith.constant 1.000000e+00 : f32
          %add3A_309 = vector.broadcast %add3A_308 : f32 to vector<16xf32>
          %add3A_310 = arith.addf %add3A_309, %mul3A_307 : vector<16xf32>
          %mul3A_311 = arith.mulf %add3A_310, %div3A_303 : vector<16xf32>
          %mul3A_312 = arith.constant 0.747855603 : f32
          %mul3A_313 = vector.broadcast %mul3A_312 : f32 to vector<16xf32>
          %mul3A_314 = arith.mulf %mul3A_304, %mul3A_313 : vector<16xf32>
          %add3A_315 = arith.constant -9.587980e-02 : f32
          %add3A_316 = vector.broadcast %add3A_315 : f32 to vector<16xf32>
          %add3A_317 = arith.addf %add3A_316, %mul3A_314 : vector<16xf32>
          %mul3A_318 = arith.mulf %mul3A_304, %add3A_317 : vector<16xf32>
          %add3A_319 = arith.constant 0.348024189 : f32
          %add3A_320 = vector.broadcast %add3A_319 : f32 to vector<16xf32>
          %add3A_321 = arith.addf %add3A_320, %mul3A_318 : vector<16xf32>
          %mul3A_322 = arith.mulf %mul3A_304, %add3A_321 : vector<16xf32>
          %neg3A = arith.constant 0.000000e+00 : f32
          %neg3A_323 = vector.broadcast %neg3A : f32 to vector<16xf32>
          %neg3A_324 = arith.subf %neg3A_323, %mul3A_296 : vector<16xf32>
          %mul3A_325 = arith.mulf %neg3A_324, %mul3A_296 : vector<16xf32>
          %exp3A_326 = math.exp %mul3A_325 : vector<16xf32>
          %mul3A_327 = arith.mulf %mul3A_322, %exp3A_326 : vector<16xf32>
          %mul3A_328 = arith.mulf %gather3A, %gather3A_243 : vector<16xf32>
          %sub3A_329 = arith.subf %mul3A_293, %mul3A_311 : vector<16xf32>
          %mul3A_330 = arith.mulf %select_n3A_274, %sub3A_329 : vector<16xf32>
          %add3A_331 = arith.addf %mul3A_311, %mul3A_330 : vector<16xf32>
          %mul3A_332 = arith.mulf %mul3A_328, %add3A_331 : vector<16xf32>
          %mul3A_333 = arith.mulf %mul3A_332, %mul3A_327 : vector<16xf32>
          %ge3A_334 = arith.cmpi sge, %get3A_234, %broadcast_in_dim3A_138 : vector<16xi32>
          %lt3A_335 = arith.cmpi slt, %get3A_234, %broadcast_in_dim3A_141 : vector<16xi32>
          %and3A_336 = arith.andi %ge3A_334, %lt3A_335 : vector<16xi1>
          %sub3A_337 = arith.subi %get3A_234, %broadcast_in_dim3A_138 : vector<16xi32>
          %jit3A_338 = arith.constant 0 : i32
          %jit3A_339 = arith.constant 3135 : i32
          %max3A_340 = vector.broadcast %jit3A_338 : i32 to vector<16xi32>
          %max3A_341 = arith.maxsi %max3A_340, %sub3A_337 : vector<16xi32>
          %min3A_342 = vector.broadcast %jit3A_339 : i32 to vector<16xi32>
          %min3A_343 = arith.minsi %min3A_342, %max3A_341 : vector<16xi32>
          tpu.vector_store_idx %arg9[%min3A_343], %mul3A_333 masked %and3A_336 {add = true} : memref<3136xf32, #tpu.memory_space<vmem>>[vector<16xi32>], vector<16xf32>, vector<16xi1>
          %mul3A_344 = arith.constant 4 : i32
          %mul3A_345 = arith.muli %mul3A_344, %scan3A_226 : i32
          %add3A_346 = arith.constant 1 : i32
          %add3A_347 = arith.addi %mul3A_345, %add3A_346 : i32
          %mul3A_348 = arith.constant 16 : i32
          %mul3A_349 = arith.muli %add3A_347, %mul3A_348 : i32
          %get3A_350 = arith.index_cast %mul3A_349 : i32 to index
          %get3A_351 = tpu.vector_load %arg15[%get3A_350] {strides = array<i32>} : memref<3200xi32, #tpu.memory_space<vmem>>, vector<16xi32>,
          %mul3A_352 = arith.constant 16 : i32
          %mul3A_353 = arith.muli %add3A_347, %mul3A_352 : i32
          %get3A_354 = arith.index_cast %mul3A_353 : i32 to index
          %get3A_355 = tpu.vector_load %arg16[%get3A_354] {strides = array<i32>} : memref<3200xi32, #tpu.memory_space<vmem>>, vector<16xi32>,
          %mul3A_356 = arith.constant 16 : i32
          %mul3A_357 = arith.muli %add3A_347, %mul3A_356 : i32
          %get3A_358 = arith.index_cast %mul3A_357 : i32 to index
          %get3A_359 = tpu.vector_load %arg14[%get3A_358] {strides = array<i32>} : memref<3200xf32, #tpu.memory_space<vmem>>, vector<16xf32>,
          %gather3A_360 = tpu.vector_load_idx %arg8[%get3A_351] : memref<100000xf32, #tpu.memory_space<vmem>>[vector<16xi32>], vector<16xf32>,
          %gather3A_361 = tpu.vector_load_idx %arg8[%get3A_355] : memref<100000xf32, #tpu.memory_space<vmem>>[vector<16xi32>], vector<16xf32>,
          %sub3A_362 = arith.constant 2.500000e+00 : f32
          %sub3A_363 = vector.broadcast %sub3A_362 : f32 to vector<16xf32>
          %sub3A_364 = arith.subf %get3A_359, %sub3A_363 : vector<16xf32>
          %mul3A_365 = arith.constant 2.000000e-01 : f32
          %mul3A_366 = vector.broadcast %mul3A_365 : f32 to vector<16xf32>
          %mul3A_367 = arith.mulf %sub3A_364, %mul3A_366 : vector<16xf32>
          %add3A_368 = arith.addf %mul3A_367, %mul3A_367 : vector<16xf32>
          %sub3A_369 = arith.constant 1.000000e+00 : f32
          %sub3A_370 = vector.broadcast %sub3A_369 : f32 to vector<16xf32>
          %sub3A_371 = arith.subf %add3A_368, %sub3A_370 : vector<16xf32>
          %mul3A_372 = arith.mulf %mul3A_367, %mul3A_367 : vector<16xf32>
          %sub3A_373 = arith.subf %mul3A_367, %mul3A_372 : vector<16xf32>
          %div3A_374 = arith.divf %sub3A_371, %sub3A_373 : vector<16xf32>
          %min3A_375 = arith.constant 8.000000e+01 : f32
          %min3A_376 = vector.broadcast %min3A_375 : f32 to vector<16xf32>
          %min3A_377 = arith.minimumf %div3A_374, %min3A_376 : vector<16xf32>
          %exp3A_378 = math.exp %min3A_377 : vector<16xf32>
          %add3A_379 = arith.constant 1.000000e+00 : f32
          %add3A_380 = vector.broadcast %add3A_379 : f32 to vector<16xf32>
          %add3A_381 = arith.addf %add3A_380, %exp3A_378 : vector<16xf32>
          %div3A_382 = arith.constant 1.000000e+00 : f32
          %div3A_383 = vector.broadcast %div3A_382 : f32 to vector<16xf32>
          %div3A_384 = arith.divf %div3A_383, %add3A_381 : vector<16xf32>
          %le3A_385 = arith.constant 0.000000e+00 : f32
          %le3A_386 = vector.broadcast %le3A_385 : f32 to vector<16xf32>
          %le3A_387 = arith.cmpf ole, %mul3A_367, %le3A_386 : vector<16xf32>
          %ge3A_388 = arith.constant 1.000000e+00 : f32
          %ge3A_389 = vector.broadcast %ge3A_388 : f32 to vector<16xf32>
          %ge3A_390 = arith.cmpf oge, %mul3A_367, %ge3A_389 : vector<16xf32>
          %jit3A_391 = arith.constant 0.000000e+00 : f32
          %broadcast_in_dim3A_392 = vector.broadcast %jit3A_391 : f32 to vector<16xf32>
          %select_n3A_393 = arith.select %ge3A_390, %broadcast_in_dim3A_392, %div3A_384 : vector<16xi1>, vector<16xf32>
          %jit3A_394 = arith.constant 1.000000e+00 : f32
          %broadcast_in_dim3A_395 = vector.broadcast %jit3A_394 : f32 to vector<16xf32>
          %select_n3A_396 = arith.select %le3A_387, %broadcast_in_dim3A_395, %select_n3A_393 : vector<16xi1>, vector<16xf32>
          %mul3A_397 = arith.mulf %get3A_359, %get3A_359 : vector<16xf32>
          %add3A_398 = arith.constant 1.000000e+00 : f32
          %add3A_399 = vector.broadcast %add3A_398 : f32 to vector<16xf32>
          %add3A_400 = arith.addf %mul3A_397, %add3A_399 : vector<16xf32>
          %bitcast3A_401 = vector.bitcast %add3A_400 : vector<16xf32> to vector<16xi32>
          %shift_right_arithmetic3A_402 = arith.constant 1 : i32
          %shift_right_arithmetic3A_403 = vector.broadcast %shift_right_arithmetic3A_402 : i32 to vector<16xi32>
          %shift_right_arithmetic3A_404 = arith.shrsi %bitcast3A_401, %shift_right_arithmetic3A_403 : vector<16xi32>
          %sub3A_405 = arith.constant 1597463007 : i32
          %sub3A_406 = vector.broadcast %sub3A_405 : i32 to vector<16xi32>
          %sub3A_407 = arith.subi %sub3A_406, %shift_right_arithmetic3A_404 : vector<16xi32>
          %bitcast3A_408 = vector.bitcast %sub3A_407 : vector<16xi32> to vector<16xf32>
          %mul3A_409 = arith.constant 5.000000e-01 : f32
          %mul3A_410 = vector.broadcast %mul3A_409 : f32 to vector<16xf32>
          %mul3A_411 = arith.mulf %mul3A_410, %add3A_400 : vector<16xf32>
          %mul3A_412 = arith.mulf %mul3A_411, %bitcast3A_408 : vector<16xf32>
          %mul3A_413 = arith.mulf %mul3A_412, %bitcast3A_408 : vector<16xf32>
          %sub3A_414 = arith.constant 1.500000e+00 : f32
          %sub3A_415 = vector.broadcast %sub3A_414 : f32 to vector<16xf32>
          %sub3A_416 = arith.subf %sub3A_415, %mul3A_413 : vector<16xf32>
          %mul3A_417 = arith.mulf %bitcast3A_408, %sub3A_416 : vector<16xf32>
          %mul3A_418 = arith.constant 4.010000e-01 : f32
          %mul3A_419 = vector.broadcast %mul3A_418 : f32 to vector<16xf32>
          %mul3A_420 = arith.mulf %mul3A_419, %get3A_359 : vector<16xf32>
          %mul3A_421 = arith.constant 0.188658476 : f32
          %mul3A_422 = vector.broadcast %mul3A_421 : f32 to vector<16xf32>
          %mul3A_423 = arith.mulf %mul3A_422, %mul3A_397 : vector<16xf32>
          %add3A_424 = arith.addf %get3A_359, %mul3A_423 : vector<16xf32>
          %div3A_425 = arith.constant 1.000000e+00 : f32
          %div3A_426 = vector.broadcast %div3A_425 : f32 to vector<16xf32>
          %div3A_427 = arith.divf %div3A_426, %add3A_424 : vector<16xf32>
          %mul3A_428 = arith.mulf %get3A_359, %div3A_427 : vector<16xf32>
          %mul3A_429 = arith.constant 4.704700e-01 : f32
          %mul3A_430 = vector.broadcast %mul3A_429 : f32 to vector<16xf32>
          %mul3A_431 = arith.mulf %mul3A_430, %mul3A_420 : vector<16xf32>
          %add3A_432 = arith.constant 1.000000e+00 : f32
          %add3A_433 = vector.broadcast %add3A_432 : f32 to vector<16xf32>
          %add3A_434 = arith.addf %add3A_433, %mul3A_431 : vector<16xf32>
          %mul3A_435 = arith.mulf %add3A_434, %div3A_427 : vector<16xf32>
          %mul3A_436 = arith.constant 0.747855603 : f32
          %mul3A_437 = vector.broadcast %mul3A_436 : f32 to vector<16xf32>
          %mul3A_438 = arith.mulf %mul3A_428, %mul3A_437 : vector<16xf32>
          %add3A_439 = arith.constant -9.587980e-02 : f32
          %add3A_440 = vector.broadcast %add3A_439 : f32 to vector<16xf32>
          %add3A_441 = arith.addf %add3A_440, %mul3A_438 : vector<16xf32>
          %mul3A_442 = arith.mulf %mul3A_428, %add3A_441 : vector<16xf32>
          %add3A_443 = arith.constant 0.348024189 : f32
          %add3A_444 = vector.broadcast %add3A_443 : f32 to vector<16xf32>
          %add3A_445 = arith.addf %add3A_444, %mul3A_442 : vector<16xf32>
          %mul3A_446 = arith.mulf %mul3A_428, %add3A_445 : vector<16xf32>
          %neg3A_447 = arith.constant 0.000000e+00 : f32
          %neg3A_448 = vector.broadcast %neg3A_447 : f32 to vector<16xf32>
          %neg3A_449 = arith.subf %neg3A_448, %mul3A_420 : vector<16xf32>
          %mul3A_450 = arith.mulf %neg3A_449, %mul3A_420 : vector<16xf32>
          %exp3A_451 = math.exp %mul3A_450 : vector<16xf32>
          %mul3A_452 = arith.mulf %mul3A_446, %exp3A_451 : vector<16xf32>
          %mul3A_453 = arith.mulf %gather3A_360, %gather3A_361 : vector<16xf32>
          %sub3A_454 = arith.subf %mul3A_417, %mul3A_435 : vector<16xf32>
          %mul3A_455 = arith.mulf %select_n3A_396, %sub3A_454 : vector<16xf32>
          %add3A_456 = arith.addf %mul3A_435, %mul3A_455 : vector<16xf32>
          %mul3A_457 = arith.mulf %mul3A_453, %add3A_456 : vector<16xf32>
          %mul3A_458 = arith.mulf %mul3A_457, %mul3A_452 : vector<16xf32>
          %ge3A_459 = arith.cmpi sge, %get3A_351, %broadcast_in_dim3A_138 : vector<16xi32>
          %lt3A_460 = arith.cmpi slt, %get3A_351, %broadcast_in_dim3A_141 : vector<16xi32>
          %and3A_461 = arith.andi %ge3A_459, %lt3A_460 : vector<16xi1>
          %sub3A_462 = arith.subi %get3A_351, %broadcast_in_dim3A_138 : vector<16xi32>
          %jit3A_463 = arith.constant 0 : i32
          %jit3A_464 = arith.constant 3135 : i32
          %max3A_465 = vector.broadcast %jit3A_463 : i32 to vector<16xi32>
          %max3A_466 = arith.maxsi %max3A_465, %sub3A_462 : vector<16xi32>
          %min3A_467 = vector.broadcast %jit3A_464 : i32 to vector<16xi32>
          %min3A_468 = arith.minsi %min3A_467, %max3A_466 : vector<16xi32>
          tpu.vector_store_idx %arg9[%min3A_468], %mul3A_458 masked %and3A_461 {add = true} : memref<3136xf32, #tpu.memory_space<vmem>>[vector<16xi32>], vector<16xf32>, vector<16xi1>
          %mul3A_469 = arith.constant 4 : i32
          %mul3A_470 = arith.muli %mul3A_469, %scan3A_226 : i32
          %add3A_471 = arith.constant 2 : i32
          %add3A_472 = arith.addi %mul3A_470, %add3A_471 : i32
          %mul3A_473 = arith.constant 16 : i32
          %mul3A_474 = arith.muli %add3A_472, %mul3A_473 : i32
          %get3A_475 = arith.index_cast %mul3A_474 : i32 to index
          %get3A_476 = tpu.vector_load %arg15[%get3A_475] {strides = array<i32>} : memref<3200xi32, #tpu.memory_space<vmem>>, vector<16xi32>,
          %mul3A_477 = arith.constant 16 : i32
          %mul3A_478 = arith.muli %add3A_472, %mul3A_477 : i32
          %get3A_479 = arith.index_cast %mul3A_478 : i32 to index
          %get3A_480 = tpu.vector_load %arg16[%get3A_479] {strides = array<i32>} : memref<3200xi32, #tpu.memory_space<vmem>>, vector<16xi32>,
          %mul3A_481 = arith.constant 16 : i32
          %mul3A_482 = arith.muli %add3A_472, %mul3A_481 : i32
          %get3A_483 = arith.index_cast %mul3A_482 : i32 to index
          %get3A_484 = tpu.vector_load %arg14[%get3A_483] {strides = array<i32>} : memref<3200xf32, #tpu.memory_space<vmem>>, vector<16xf32>,
          %gather3A_485 = tpu.vector_load_idx %arg8[%get3A_476] : memref<100000xf32, #tpu.memory_space<vmem>>[vector<16xi32>], vector<16xf32>,
          %gather3A_486 = tpu.vector_load_idx %arg8[%get3A_480] : memref<100000xf32, #tpu.memory_space<vmem>>[vector<16xi32>], vector<16xf32>,
          %sub3A_487 = arith.constant 2.500000e+00 : f32
          %sub3A_488 = vector.broadcast %sub3A_487 : f32 to vector<16xf32>
          %sub3A_489 = arith.subf %get3A_484, %sub3A_488 : vector<16xf32>
          %mul3A_490 = arith.constant 2.000000e-01 : f32
          %mul3A_491 = vector.broadcast %mul3A_490 : f32 to vector<16xf32>
          %mul3A_492 = arith.mulf %sub3A_489, %mul3A_491 : vector<16xf32>
          %add3A_493 = arith.addf %mul3A_492, %mul3A_492 : vector<16xf32>
          %sub3A_494 = arith.constant 1.000000e+00 : f32
          %sub3A_495 = vector.broadcast %sub3A_494 : f32 to vector<16xf32>
          %sub3A_496 = arith.subf %add3A_493, %sub3A_495 : vector<16xf32>
          %mul3A_497 = arith.mulf %mul3A_492, %mul3A_492 : vector<16xf32>
          %sub3A_498 = arith.subf %mul3A_492, %mul3A_497 : vector<16xf32>
          %div3A_499 = arith.divf %sub3A_496, %sub3A_498 : vector<16xf32>
          %min3A_500 = arith.constant 8.000000e+01 : f32
          %min3A_501 = vector.broadcast %min3A_500 : f32 to vector<16xf32>
          %min3A_502 = arith.minimumf %div3A_499, %min3A_501 : vector<16xf32>
          %exp3A_503 = math.exp %min3A_502 : vector<16xf32>
          %add3A_504 = arith.constant 1.000000e+00 : f32
          %add3A_505 = vector.broadcast %add3A_504 : f32 to vector<16xf32>
          %add3A_506 = arith.addf %add3A_505, %exp3A_503 : vector<16xf32>
          %div3A_507 = arith.constant 1.000000e+00 : f32
          %div3A_508 = vector.broadcast %div3A_507 : f32 to vector<16xf32>
          %div3A_509 = arith.divf %div3A_508, %add3A_506 : vector<16xf32>
          %le3A_510 = arith.constant 0.000000e+00 : f32
          %le3A_511 = vector.broadcast %le3A_510 : f32 to vector<16xf32>
          %le3A_512 = arith.cmpf ole, %mul3A_492, %le3A_511 : vector<16xf32>
          %ge3A_513 = arith.constant 1.000000e+00 : f32
          %ge3A_514 = vector.broadcast %ge3A_513 : f32 to vector<16xf32>
          %ge3A_515 = arith.cmpf oge, %mul3A_492, %ge3A_514 : vector<16xf32>
          %jit3A_516 = arith.constant 0.000000e+00 : f32
          %broadcast_in_dim3A_517 = vector.broadcast %jit3A_516 : f32 to vector<16xf32>
          %select_n3A_518 = arith.select %ge3A_515, %broadcast_in_dim3A_517, %div3A_509 : vector<16xi1>, vector<16xf32>
          %jit3A_519 = arith.constant 1.000000e+00 : f32
          %broadcast_in_dim3A_520 = vector.broadcast %jit3A_519 : f32 to vector<16xf32>
          %select_n3A_521 = arith.select %le3A_512, %broadcast_in_dim3A_520, %select_n3A_518 : vector<16xi1>, vector<16xf32>
          %mul3A_522 = arith.mulf %get3A_484, %get3A_484 : vector<16xf32>
          %add3A_523 = arith.constant 1.000000e+00 : f32
          %add3A_524 = vector.broadcast %add3A_523 : f32 to vector<16xf32>
          %add3A_525 = arith.addf %mul3A_522, %add3A_524 : vector<16xf32>
          %bitcast3A_526 = vector.bitcast %add3A_525 : vector<16xf32> to vector<16xi32>
          %shift_right_arithmetic3A_527 = arith.constant 1 : i32
          %shift_right_arithmetic3A_528 = vector.broadcast %shift_right_arithmetic3A_527 : i32 to vector<16xi32>
          %shift_right_arithmetic3A_529 = arith.shrsi %bitcast3A_526, %shift_right_arithmetic3A_528 : vector<16xi32>
          %sub3A_530 = arith.constant 1597463007 : i32
          %sub3A_531 = vector.broadcast %sub3A_530 : i32 to vector<16xi32>
          %sub3A_532 = arith.subi %sub3A_531, %shift_right_arithmetic3A_529 : vector<16xi32>
          %bitcast3A_533 = vector.bitcast %sub3A_532 : vector<16xi32> to vector<16xf32>
          %mul3A_534 = arith.constant 5.000000e-01 : f32
          %mul3A_535 = vector.broadcast %mul3A_534 : f32 to vector<16xf32>
          %mul3A_536 = arith.mulf %mul3A_535, %add3A_525 : vector<16xf32>
          %mul3A_537 = arith.mulf %mul3A_536, %bitcast3A_533 : vector<16xf32>
          %mul3A_538 = arith.mulf %mul3A_537, %bitcast3A_533 : vector<16xf32>
          %sub3A_539 = arith.constant 1.500000e+00 : f32
          %sub3A_540 = vector.broadcast %sub3A_539 : f32 to vector<16xf32>
          %sub3A_541 = arith.subf %sub3A_540, %mul3A_538 : vector<16xf32>
          %mul3A_542 = arith.mulf %bitcast3A_533, %sub3A_541 : vector<16xf32>
          %mul3A_543 = arith.constant 4.010000e-01 : f32
          %mul3A_544 = vector.broadcast %mul3A_543 : f32 to vector<16xf32>
          %mul3A_545 = arith.mulf %mul3A_544, %get3A_484 : vector<16xf32>
          %mul3A_546 = arith.constant 0.188658476 : f32
          %mul3A_547 = vector.broadcast %mul3A_546 : f32 to vector<16xf32>
          %mul3A_548 = arith.mulf %mul3A_547, %mul3A_522 : vector<16xf32>
          %add3A_549 = arith.addf %get3A_484, %mul3A_548 : vector<16xf32>
          %div3A_550 = arith.constant 1.000000e+00 : f32
          %div3A_551 = vector.broadcast %div3A_550 : f32 to vector<16xf32>
          %div3A_552 = arith.divf %div3A_551, %add3A_549 : vector<16xf32>
          %mul3A_553 = arith.mulf %get3A_484, %div3A_552 : vector<16xf32>
          %mul3A_554 = arith.constant 4.704700e-01 : f32
          %mul3A_555 = vector.broadcast %mul3A_554 : f32 to vector<16xf32>
          %mul3A_556 = arith.mulf %mul3A_555, %mul3A_545 : vector<16xf32>
          %add3A_557 = arith.constant 1.000000e+00 : f32
          %add3A_558 = vector.broadcast %add3A_557 : f32 to vector<16xf32>
          %add3A_559 = arith.addf %add3A_558, %mul3A_556 : vector<16xf32>
          %mul3A_560 = arith.mulf %add3A_559, %div3A_552 : vector<16xf32>
          %mul3A_561 = arith.constant 0.747855603 : f32
          %mul3A_562 = vector.broadcast %mul3A_561 : f32 to vector<16xf32>
          %mul3A_563 = arith.mulf %mul3A_553, %mul3A_562 : vector<16xf32>
          %add3A_564 = arith.constant -9.587980e-02 : f32
          %add3A_565 = vector.broadcast %add3A_564 : f32 to vector<16xf32>
          %add3A_566 = arith.addf %add3A_565, %mul3A_563 : vector<16xf32>
          %mul3A_567 = arith.mulf %mul3A_553, %add3A_566 : vector<16xf32>
          %add3A_568 = arith.constant 0.348024189 : f32
          %add3A_569 = vector.broadcast %add3A_568 : f32 to vector<16xf32>
          %add3A_570 = arith.addf %add3A_569, %mul3A_567 : vector<16xf32>
          %mul3A_571 = arith.mulf %mul3A_553, %add3A_570 : vector<16xf32>
          %neg3A_572 = arith.constant 0.000000e+00 : f32
          %neg3A_573 = vector.broadcast %neg3A_572 : f32 to vector<16xf32>
          %neg3A_574 = arith.subf %neg3A_573, %mul3A_545 : vector<16xf32>
          %mul3A_575 = arith.mulf %neg3A_574, %mul3A_545 : vector<16xf32>
          %exp3A_576 = math.exp %mul3A_575 : vector<16xf32>
          %mul3A_577 = arith.mulf %mul3A_571, %exp3A_576 : vector<16xf32>
          %mul3A_578 = arith.mulf %gather3A_485, %gather3A_486 : vector<16xf32>
          %sub3A_579 = arith.subf %mul3A_542, %mul3A_560 : vector<16xf32>
          %mul3A_580 = arith.mulf %select_n3A_521, %sub3A_579 : vector<16xf32>
          %add3A_581 = arith.addf %mul3A_560, %mul3A_580 : vector<16xf32>
          %mul3A_582 = arith.mulf %mul3A_578, %add3A_581 : vector<16xf32>
          %mul3A_583 = arith.mulf %mul3A_582, %mul3A_577 : vector<16xf32>
          %ge3A_584 = arith.cmpi sge, %get3A_476, %broadcast_in_dim3A_138 : vector<16xi32>
          %lt3A_585 = arith.cmpi slt, %get3A_476, %broadcast_in_dim3A_141 : vector<16xi32>
          %and3A_586 = arith.andi %ge3A_584, %lt3A_585 : vector<16xi1>
          %sub3A_587 = arith.subi %get3A_476, %broadcast_in_dim3A_138 : vector<16xi32>
          %jit3A_588 = arith.constant 0 : i32
          %jit3A_589 = arith.constant 3135 : i32
          %max3A_590 = vector.broadcast %jit3A_588 : i32 to vector<16xi32>
          %max3A_591 = arith.maxsi %max3A_590, %sub3A_587 : vector<16xi32>
          %min3A_592 = vector.broadcast %jit3A_589 : i32 to vector<16xi32>
          %min3A_593 = arith.minsi %min3A_592, %max3A_591 : vector<16xi32>
          tpu.vector_store_idx %arg9[%min3A_593], %mul3A_583 masked %and3A_586 {add = true} : memref<3136xf32, #tpu.memory_space<vmem>>[vector<16xi32>], vector<16xf32>, vector<16xi1>
          %mul3A_594 = arith.constant 4 : i32
          %mul3A_595 = arith.muli %mul3A_594, %scan3A_226 : i32
          %add3A_596 = arith.constant 3 : i32
          %add3A_597 = arith.addi %mul3A_595, %add3A_596 : i32
          %mul3A_598 = arith.constant 16 : i32
          %mul3A_599 = arith.muli %add3A_597, %mul3A_598 : i32
          %get3A_600 = arith.index_cast %mul3A_599 : i32 to index
          %get3A_601 = tpu.vector_load %arg15[%get3A_600] {strides = array<i32>} : memref<3200xi32, #tpu.memory_space<vmem>>, vector<16xi32>,
          %mul3A_602 = arith.constant 16 : i32
          %mul3A_603 = arith.muli %add3A_597, %mul3A_602 : i32
          %get3A_604 = arith.index_cast %mul3A_603 : i32 to index
          %get3A_605 = tpu.vector_load %arg16[%get3A_604] {strides = array<i32>} : memref<3200xi32, #tpu.memory_space<vmem>>, vector<16xi32>,
          %mul3A_606 = arith.constant 16 : i32
          %mul3A_607 = arith.muli %add3A_597, %mul3A_606 : i32
          %get3A_608 = arith.index_cast %mul3A_607 : i32 to index
          %get3A_609 = tpu.vector_load %arg14[%get3A_608] {strides = array<i32>} : memref<3200xf32, #tpu.memory_space<vmem>>, vector<16xf32>,
          %gather3A_610 = tpu.vector_load_idx %arg8[%get3A_601] : memref<100000xf32, #tpu.memory_space<vmem>>[vector<16xi32>], vector<16xf32>,
          %gather3A_611 = tpu.vector_load_idx %arg8[%get3A_605] : memref<100000xf32, #tpu.memory_space<vmem>>[vector<16xi32>], vector<16xf32>,
          %sub3A_612 = arith.constant 2.500000e+00 : f32
          %sub3A_613 = vector.broadcast %sub3A_612 : f32 to vector<16xf32>
          %sub3A_614 = arith.subf %get3A_609, %sub3A_613 : vector<16xf32>
          %mul3A_615 = arith.constant 2.000000e-01 : f32
          %mul3A_616 = vector.broadcast %mul3A_615 : f32 to vector<16xf32>
          %mul3A_617 = arith.mulf %sub3A_614, %mul3A_616 : vector<16xf32>
          %add3A_618 = arith.addf %mul3A_617, %mul3A_617 : vector<16xf32>
          %sub3A_619 = arith.constant 1.000000e+00 : f32
          %sub3A_620 = vector.broadcast %sub3A_619 : f32 to vector<16xf32>
          %sub3A_621 = arith.subf %add3A_618, %sub3A_620 : vector<16xf32>
          %mul3A_622 = arith.mulf %mul3A_617, %mul3A_617 : vector<16xf32>
          %sub3A_623 = arith.subf %mul3A_617, %mul3A_622 : vector<16xf32>
          %div3A_624 = arith.divf %sub3A_621, %sub3A_623 : vector<16xf32>
          %min3A_625 = arith.constant 8.000000e+01 : f32
          %min3A_626 = vector.broadcast %min3A_625 : f32 to vector<16xf32>
          %min3A_627 = arith.minimumf %div3A_624, %min3A_626 : vector<16xf32>
          %exp3A_628 = math.exp %min3A_627 : vector<16xf32>
          %add3A_629 = arith.constant 1.000000e+00 : f32
          %add3A_630 = vector.broadcast %add3A_629 : f32 to vector<16xf32>
          %add3A_631 = arith.addf %add3A_630, %exp3A_628 : vector<16xf32>
          %div3A_632 = arith.constant 1.000000e+00 : f32
          %div3A_633 = vector.broadcast %div3A_632 : f32 to vector<16xf32>
          %div3A_634 = arith.divf %div3A_633, %add3A_631 : vector<16xf32>
          %le3A_635 = arith.constant 0.000000e+00 : f32
          %le3A_636 = vector.broadcast %le3A_635 : f32 to vector<16xf32>
          %le3A_637 = arith.cmpf ole, %mul3A_617, %le3A_636 : vector<16xf32>
          %ge3A_638 = arith.constant 1.000000e+00 : f32
          %ge3A_639 = vector.broadcast %ge3A_638 : f32 to vector<16xf32>
          %ge3A_640 = arith.cmpf oge, %mul3A_617, %ge3A_639 : vector<16xf32>
          %jit3A_641 = arith.constant 0.000000e+00 : f32
          %broadcast_in_dim3A_642 = vector.broadcast %jit3A_641 : f32 to vector<16xf32>
          %select_n3A_643 = arith.select %ge3A_640, %broadcast_in_dim3A_642, %div3A_634 : vector<16xi1>, vector<16xf32>
          %jit3A_644 = arith.constant 1.000000e+00 : f32
          %broadcast_in_dim3A_645 = vector.broadcast %jit3A_644 : f32 to vector<16xf32>
          %select_n3A_646 = arith.select %le3A_637, %broadcast_in_dim3A_645, %select_n3A_643 : vector<16xi1>, vector<16xf32>
          %mul3A_647 = arith.mulf %get3A_609, %get3A_609 : vector<16xf32>
          %add3A_648 = arith.constant 1.000000e+00 : f32
          %add3A_649 = vector.broadcast %add3A_648 : f32 to vector<16xf32>
          %add3A_650 = arith.addf %mul3A_647, %add3A_649 : vector<16xf32>
          %bitcast3A_651 = vector.bitcast %add3A_650 : vector<16xf32> to vector<16xi32>
          %shift_right_arithmetic3A_652 = arith.constant 1 : i32
          %shift_right_arithmetic3A_653 = vector.broadcast %shift_right_arithmetic3A_652 : i32 to vector<16xi32>
          %shift_right_arithmetic3A_654 = arith.shrsi %bitcast3A_651, %shift_right_arithmetic3A_653 : vector<16xi32>
          %sub3A_655 = arith.constant 1597463007 : i32
          %sub3A_656 = vector.broadcast %sub3A_655 : i32 to vector<16xi32>
          %sub3A_657 = arith.subi %sub3A_656, %shift_right_arithmetic3A_654 : vector<16xi32>
          %bitcast3A_658 = vector.bitcast %sub3A_657 : vector<16xi32> to vector<16xf32>
          %mul3A_659 = arith.constant 5.000000e-01 : f32
          %mul3A_660 = vector.broadcast %mul3A_659 : f32 to vector<16xf32>
          %mul3A_661 = arith.mulf %mul3A_660, %add3A_650 : vector<16xf32>
          %mul3A_662 = arith.mulf %mul3A_661, %bitcast3A_658 : vector<16xf32>
          %mul3A_663 = arith.mulf %mul3A_662, %bitcast3A_658 : vector<16xf32>
          %sub3A_664 = arith.constant 1.500000e+00 : f32
          %sub3A_665 = vector.broadcast %sub3A_664 : f32 to vector<16xf32>
          %sub3A_666 = arith.subf %sub3A_665, %mul3A_663 : vector<16xf32>
          %mul3A_667 = arith.mulf %bitcast3A_658, %sub3A_666 : vector<16xf32>
          %mul3A_668 = arith.constant 4.010000e-01 : f32
          %mul3A_669 = vector.broadcast %mul3A_668 : f32 to vector<16xf32>
          %mul3A_670 = arith.mulf %mul3A_669, %get3A_609 : vector<16xf32>
          %mul3A_671 = arith.constant 0.188658476 : f32
          %mul3A_672 = vector.broadcast %mul3A_671 : f32 to vector<16xf32>
          %mul3A_673 = arith.mulf %mul3A_672, %mul3A_647 : vector<16xf32>
          %add3A_674 = arith.addf %get3A_609, %mul3A_673 : vector<16xf32>
          %div3A_675 = arith.constant 1.000000e+00 : f32
          %div3A_676 = vector.broadcast %div3A_675 : f32 to vector<16xf32>
          %div3A_677 = arith.divf %div3A_676, %add3A_674 : vector<16xf32>
          %mul3A_678 = arith.mulf %get3A_609, %div3A_677 : vector<16xf32>
          %mul3A_679 = arith.constant 4.704700e-01 : f32
          %mul3A_680 = vector.broadcast %mul3A_679 : f32 to vector<16xf32>
          %mul3A_681 = arith.mulf %mul3A_680, %mul3A_670 : vector<16xf32>
          %add3A_682 = arith.constant 1.000000e+00 : f32
          %add3A_683 = vector.broadcast %add3A_682 : f32 to vector<16xf32>
          %add3A_684 = arith.addf %add3A_683, %mul3A_681 : vector<16xf32>
          %mul3A_685 = arith.mulf %add3A_684, %div3A_677 : vector<16xf32>
          %mul3A_686 = arith.constant 0.747855603 : f32
          %mul3A_687 = vector.broadcast %mul3A_686 : f32 to vector<16xf32>
          %mul3A_688 = arith.mulf %mul3A_678, %mul3A_687 : vector<16xf32>
          %add3A_689 = arith.constant -9.587980e-02 : f32
          %add3A_690 = vector.broadcast %add3A_689 : f32 to vector<16xf32>
          %add3A_691 = arith.addf %add3A_690, %mul3A_688 : vector<16xf32>
          %mul3A_692 = arith.mulf %mul3A_678, %add3A_691 : vector<16xf32>
          %add3A_693 = arith.constant 0.348024189 : f32
          %add3A_694 = vector.broadcast %add3A_693 : f32 to vector<16xf32>
          %add3A_695 = arith.addf %add3A_694, %mul3A_692 : vector<16xf32>
          %mul3A_696 = arith.mulf %mul3A_678, %add3A_695 : vector<16xf32>
          %neg3A_697 = arith.constant 0.000000e+00 : f32
          %neg3A_698 = vector.broadcast %neg3A_697 : f32 to vector<16xf32>
          %neg3A_699 = arith.subf %neg3A_698, %mul3A_670 : vector<16xf32>
          %mul3A_700 = arith.mulf %neg3A_699, %mul3A_670 : vector<16xf32>
          %exp3A_701 = math.exp %mul3A_700 : vector<16xf32>
          %mul3A_702 = arith.mulf %mul3A_696, %exp3A_701 : vector<16xf32>
          %mul3A_703 = arith.mulf %gather3A_610, %gather3A_611 : vector<16xf32>
          %sub3A_704 = arith.subf %mul3A_667, %mul3A_685 : vector<16xf32>
          %mul3A_705 = arith.mulf %select_n3A_646, %sub3A_704 : vector<16xf32>
          %add3A_706 = arith.addf %mul3A_685, %mul3A_705 : vector<16xf32>
          %mul3A_707 = arith.mulf %mul3A_703, %add3A_706 : vector<16xf32>
          %mul3A_708 = arith.mulf %mul3A_707, %mul3A_702 : vector<16xf32>
          %ge3A_709 = arith.cmpi sge, %get3A_601, %broadcast_in_dim3A_138 : vector<16xi32>
          %lt3A_710 = arith.cmpi slt, %get3A_601, %broadcast_in_dim3A_141 : vector<16xi32>
          %and3A_711 = arith.andi %ge3A_709, %lt3A_710 : vector<16xi1>
          %sub3A_712 = arith.subi %get3A_601, %broadcast_in_dim3A_138 : vector<16xi32>
          %jit3A_713 = arith.constant 0 : i32
          %jit3A_714 = arith.constant 3135 : i32
          %max3A_715 = vector.broadcast %jit3A_713 : i32 to vector<16xi32>
          %max3A_716 = arith.maxsi %max3A_715, %sub3A_712 : vector<16xi32>
          %min3A_717 = vector.broadcast %jit3A_714 : i32 to vector<16xi32>
          %min3A_718 = arith.minsi %min3A_717, %max3A_716 : vector<16xi32>
          tpu.vector_store_idx %arg9[%min3A_718], %mul3A_708 masked %and3A_711 {add = true} : memref<3136xf32, #tpu.memory_space<vmem>>[vector<16xi32>], vector<16xf32>, vector<16xi1>
        }
        %scan3A_225 = arith.constant 50 : i32
      } else {
      }
    }
    %while3A_178 = arith.constant 1 : i32
    scf.for %while3A_179 = %while3A_176 to %while3A_172 step %while3A_178  : i32 {
      %mul3A_180 = arith.constant 2 : i32
      %mul3A_181 = arith.muli %mul3A_180, %while3A_179 : i32
      %add3A_182 = arith.constant 1 : i32
      %add3A_183 = arith.addi %mul3A_181, %add3A_182 : i32
      %mul3A_184 = arith.constant 3200 : i32
      %mul3A_185 = arith.muli %mul3A_181, %mul3A_184 : i32
      %add3A_186 = arith.addi %mul3A_109, %mul3A_185 : i32
      %mul3A_187 = arith.constant 3200 : i32
      %mul3A_188 = arith.muli %add3A_183, %mul3A_187 : i32
      %add3A_189 = arith.addi %mul3A_109, %mul3A_188 : i32
      %lt3A = arith.cmpi slt, %add3A_183, %max3A_137 : i32
      %convert_element_type3A_190 = arith.extui %lt3A : i1 to i32
      %cond3A_191 = arith.constant 0 : i32
      %cond3A_192 = arith.cmpi ne, %convert_element_type3A_190, %cond3A_191 : i32
      scf.if %cond3A_192 {
        %dma_start3A = tpu.memref_slice %arg3[%add3A_189] : memref<3200000xf32, #tpu.memory_space<hbm>> -> memref<3200xf32, #tpu.memory_space<hbm>>
        %dma_start3A_214 = tpu.memref_slice %arg3[%add3A_189] : memref<3200000xf32, #tpu.memory_space<hbm>> -> memref<3200xf32, #tpu.memory_space<hbm>>
        tpu.enqueue_dma source(%dma_start3A_214 : memref<3200xf32, #tpu.memory_space<hbm>>) target(%arg14 : memref<3200xf32, #tpu.memory_space<vmem>>) target_semaphore(%arg18 : memref<!tpu.dma_semaphore, #tpu.memory_space<semaphore_mem>>)
        %dma_start3A_215 = tpu.memref_slice %arg4[%add3A_189] : memref<3200000xi32, #tpu.memory_space<hbm>> -> memref<3200xi32, #tpu.memory_space<hbm>>
        %dma_start3A_216 = tpu.memref_slice %arg4[%add3A_189] : memref<3200000xi32, #tpu.memory_space<hbm>> -> memref<3200xi32, #tpu.memory_space<hbm>>
        tpu.enqueue_dma source(%dma_start3A_216 : memref<3200xi32, #tpu.memory_space<hbm>>) target(%arg15 : memref<3200xi32, #tpu.memory_space<vmem>>) target_semaphore(%arg18 : memref<!tpu.dma_semaphore, #tpu.memory_space<semaphore_mem>>)
        %dma_start3A_217 = tpu.memref_slice %arg5[%add3A_189] : memref<3200000xi32, #tpu.memory_space<hbm>> -> memref<3200xi32, #tpu.memory_space<hbm>>
        %dma_start3A_218 = tpu.memref_slice %arg5[%add3A_189] : memref<3200000xi32, #tpu.memory_space<hbm>> -> memref<3200xi32, #tpu.memory_space<hbm>>
        tpu.enqueue_dma source(%dma_start3A_218 : memref<3200xi32, #tpu.memory_space<hbm>>) target(%arg16 : memref<3200xi32, #tpu.memory_space<vmem>>) target_semaphore(%arg18 : memref<!tpu.dma_semaphore, #tpu.memory_space<semaphore_mem>>)
      } else {
      }
      %dma_wait3A = tpu.memref_slice %arg3[%add3A_186] : memref<3200000xf32, #tpu.memory_space<hbm>> -> memref<3200xf32, #tpu.memory_space<hbm>>
      %dma_wait3A_193 = tpu.memref_slice %arg3[%add3A_186] : memref<3200000xf32, #tpu.memory_space<hbm>> -> memref<3200xf32, #tpu.memory_space<hbm>>
      tpu.wait_dma2 semaphore(%arg17 : memref<!tpu.dma_semaphore, #tpu.memory_space<semaphore_mem>>) src(%dma_wait3A_193 : memref<3200xf32, #tpu.memory_space<hbm>>) dst(%arg11 : memref<3200xf32, #tpu.memory_space<vmem>>)
      %dma_wait3A_194 = tpu.memref_slice %arg4[%add3A_186] : memref<3200000xi32, #tpu.memory_space<hbm>> -> memref<3200xi32, #tpu.memory_space<hbm>>
      %dma_wait3A_195 = tpu.memref_slice %arg4[%add3A_186] : memref<3200000xi32, #tpu.memory_space<hbm>> -> memref<3200xi32, #tpu.memory_space<hbm>>
      tpu.wait_dma2 semaphore(%arg17 : memref<!tpu.dma_semaphore, #tpu.memory_space<semaphore_mem>>) src(%dma_wait3A_195 : memref<3200xi32, #tpu.memory_space<hbm>>) dst(%arg12 : memref<3200xi32, #tpu.memory_space<vmem>>)
      %dma_wait3A_196 = tpu.memref_slice %arg5[%add3A_186] : memref<3200000xi32, #tpu.memory_space<hbm>> -> memref<3200xi32, #tpu.memory_space<hbm>>
      %dma_wait3A_197 = tpu.memref_slice %arg5[%add3A_186] : memref<3200000xi32, #tpu.memory_space<hbm>> -> memref<3200xi32, #tpu.memory_space<hbm>>
      tpu.wait_dma2 semaphore(%arg17 : memref<!tpu.dma_semaphore, #tpu.memory_space<semaphore_mem>>) src(%dma_wait3A_197 : memref<3200xi32, #tpu.memory_space<hbm>>) dst(%arg13 : memref<3200xi32, #tpu.memory_space<vmem>>)
      %scan3A_198 = arith.constant 0 : i32
      %scan3A_199 = arith.constant 0 : i32
      %scan3A_200 = arith.constant 50 : i32
      %scan3A_201 = arith.addi %scan3A_199, %scan3A_200 : i32
      %scan3A_202 = arith.constant 1 : i32
      scf.for %scan3A_214 = %scan3A_199 to %scan3A_201 step %scan3A_202  : i32 {
        %mul3A_215 = arith.constant 4 : i32
        %mul3A_216 = arith.muli %mul3A_215, %scan3A_214 : i32
        %add3A_217 = arith.constant 0 : i32
        %add3A_218 = arith.addi %mul3A_216, %add3A_217 : i32
        %mul3A_219 = arith.constant 16 : i32
        %mul3A_220 = arith.muli %add3A_218, %mul3A_219 : i32
        %get3A_221 = arith.index_cast %mul3A_220 : i32 to index
        %get3A_222 = tpu.vector_load %arg12[%get3A_221] {strides = array<i32>} : memref<3200xi32, #tpu.memory_space<vmem>>, vector<16xi32>,
        %mul3A_223 = arith.constant 16 : i32
        %mul3A_224 = arith.muli %add3A_218, %mul3A_223 : i32
        %get3A_225 = arith.index_cast %mul3A_224 : i32 to index
        %get3A_226 = tpu.vector_load %arg13[%get3A_225] {strides = array<i32>} : memref<3200xi32, #tpu.memory_space<vmem>>, vector<16xi32>,
        %mul3A_227 = arith.constant 16 : i32
        %mul3A_228 = arith.muli %add3A_218, %mul3A_227 : i32
        %get3A_229 = arith.index_cast %mul3A_228 : i32 to index
        %get3A_230 = tpu.vector_load %arg11[%get3A_229] {strides = array<i32>} : memref<3200xf32, #tpu.memory_space<vmem>>, vector<16xf32>,
        %gather3A = tpu.vector_load_idx %arg8[%get3A_222] : memref<100000xf32, #tpu.memory_space<vmem>>[vector<16xi32>], vector<16xf32>,
        %gather3A_231 = tpu.vector_load_idx %arg8[%get3A_226] : memref<100000xf32, #tpu.memory_space<vmem>>[vector<16xi32>], vector<16xf32>,
        %sub3A_232 = arith.constant 2.500000e+00 : f32
        %sub3A_233 = vector.broadcast %sub3A_232 : f32 to vector<16xf32>
        %sub3A_234 = arith.subf %get3A_230, %sub3A_233 : vector<16xf32>
        %mul3A_235 = arith.constant 2.000000e-01 : f32
        %mul3A_236 = vector.broadcast %mul3A_235 : f32 to vector<16xf32>
        %mul3A_237 = arith.mulf %sub3A_234, %mul3A_236 : vector<16xf32>
        %add3A_238 = arith.addf %mul3A_237, %mul3A_237 : vector<16xf32>
        %sub3A_239 = arith.constant 1.000000e+00 : f32
        %sub3A_240 = vector.broadcast %sub3A_239 : f32 to vector<16xf32>
        %sub3A_241 = arith.subf %add3A_238, %sub3A_240 : vector<16xf32>
        %mul3A_242 = arith.mulf %mul3A_237, %mul3A_237 : vector<16xf32>
        %sub3A_243 = arith.subf %mul3A_237, %mul3A_242 : vector<16xf32>
        %div3A_244 = arith.divf %sub3A_241, %sub3A_243 : vector<16xf32>
        %min3A = arith.constant 8.000000e+01 : f32
        %min3A_245 = vector.broadcast %min3A : f32 to vector<16xf32>
        %min3A_246 = arith.minimumf %div3A_244, %min3A_245 : vector<16xf32>
        %exp3A = math.exp %min3A_246 : vector<16xf32>
        %add3A_247 = arith.constant 1.000000e+00 : f32
        %add3A_248 = vector.broadcast %add3A_247 : f32 to vector<16xf32>
        %add3A_249 = arith.addf %add3A_248, %exp3A : vector<16xf32>
        %div3A_250 = arith.constant 1.000000e+00 : f32
        %div3A_251 = vector.broadcast %div3A_250 : f32 to vector<16xf32>
        %div3A_252 = arith.divf %div3A_251, %add3A_249 : vector<16xf32>
        %le3A = arith.constant 0.000000e+00 : f32
        %le3A_253 = vector.broadcast %le3A : f32 to vector<16xf32>
        %le3A_254 = arith.cmpf ole, %mul3A_237, %le3A_253 : vector<16xf32>
        %ge3A = arith.constant 1.000000e+00 : f32
        %ge3A_255 = vector.broadcast %ge3A : f32 to vector<16xf32>
        %ge3A_256 = arith.cmpf oge, %mul3A_237, %ge3A_255 : vector<16xf32>
        %jit3A_257 = arith.constant 0.000000e+00 : f32
        %broadcast_in_dim3A_258 = vector.broadcast %jit3A_257 : f32 to vector<16xf32>
        %select_n3A_259 = arith.select %ge3A_256, %broadcast_in_dim3A_258, %div3A_252 : vector<16xi1>, vector<16xf32>
        %jit3A_260 = arith.constant 1.000000e+00 : f32
        %broadcast_in_dim3A_261 = vector.broadcast %jit3A_260 : f32 to vector<16xf32>
        %select_n3A_262 = arith.select %le3A_254, %broadcast_in_dim3A_261, %select_n3A_259 : vector<16xi1>, vector<16xf32>
        %mul3A_263 = arith.mulf %get3A_230, %get3A_230 : vector<16xf32>
        %add3A_264 = arith.constant 1.000000e+00 : f32
        %add3A_265 = vector.broadcast %add3A_264 : f32 to vector<16xf32>
        %add3A_266 = arith.addf %mul3A_263, %add3A_265 : vector<16xf32>
        %bitcast3A = vector.bitcast %add3A_266 : vector<16xf32> to vector<16xi32>
        %shift_right_arithmetic3A = arith.constant 1 : i32
        %shift_right_arithmetic3A_267 = vector.broadcast %shift_right_arithmetic3A : i32 to vector<16xi32>
        %shift_right_arithmetic3A_268 = arith.shrsi %bitcast3A, %shift_right_arithmetic3A_267 : vector<16xi32>
        %sub3A_269 = arith.constant 1597463007 : i32
        %sub3A_270 = vector.broadcast %sub3A_269 : i32 to vector<16xi32>
        %sub3A_271 = arith.subi %sub3A_270, %shift_right_arithmetic3A_268 : vector<16xi32>
        %bitcast3A_272 = vector.bitcast %sub3A_271 : vector<16xi32> to vector<16xf32>
        %mul3A_273 = arith.constant 5.000000e-01 : f32
        %mul3A_274 = vector.broadcast %mul3A_273 : f32 to vector<16xf32>
        %mul3A_275 = arith.mulf %mul3A_274, %add3A_266 : vector<16xf32>
        %mul3A_276 = arith.mulf %mul3A_275, %bitcast3A_272 : vector<16xf32>
        %mul3A_277 = arith.mulf %mul3A_276, %bitcast3A_272 : vector<16xf32>
        %sub3A_278 = arith.constant 1.500000e+00 : f32
        %sub3A_279 = vector.broadcast %sub3A_278 : f32 to vector<16xf32>
        %sub3A_280 = arith.subf %sub3A_279, %mul3A_277 : vector<16xf32>
        %mul3A_281 = arith.mulf %bitcast3A_272, %sub3A_280 : vector<16xf32>
        %mul3A_282 = arith.constant 4.010000e-01 : f32
        %mul3A_283 = vector.broadcast %mul3A_282 : f32 to vector<16xf32>
        %mul3A_284 = arith.mulf %mul3A_283, %get3A_230 : vector<16xf32>
        %mul3A_285 = arith.constant 0.188658476 : f32
        %mul3A_286 = vector.broadcast %mul3A_285 : f32 to vector<16xf32>
        %mul3A_287 = arith.mulf %mul3A_286, %mul3A_263 : vector<16xf32>
        %add3A_288 = arith.addf %get3A_230, %mul3A_287 : vector<16xf32>
        %div3A_289 = arith.constant 1.000000e+00 : f32
        %div3A_290 = vector.broadcast %div3A_289 : f32 to vector<16xf32>
        %div3A_291 = arith.divf %div3A_290, %add3A_288 : vector<16xf32>
        %mul3A_292 = arith.mulf %get3A_230, %div3A_291 : vector<16xf32>
        %mul3A_293 = arith.constant 4.704700e-01 : f32
        %mul3A_294 = vector.broadcast %mul3A_293 : f32 to vector<16xf32>
        %mul3A_295 = arith.mulf %mul3A_294, %mul3A_284 : vector<16xf32>
        %add3A_296 = arith.constant 1.000000e+00 : f32
        %add3A_297 = vector.broadcast %add3A_296 : f32 to vector<16xf32>
        %add3A_298 = arith.addf %add3A_297, %mul3A_295 : vector<16xf32>
        %mul3A_299 = arith.mulf %add3A_298, %div3A_291 : vector<16xf32>
        %mul3A_300 = arith.constant 0.747855603 : f32
        %mul3A_301 = vector.broadcast %mul3A_300 : f32 to vector<16xf32>
        %mul3A_302 = arith.mulf %mul3A_292, %mul3A_301 : vector<16xf32>
        %add3A_303 = arith.constant -9.587980e-02 : f32
        %add3A_304 = vector.broadcast %add3A_303 : f32 to vector<16xf32>
        %add3A_305 = arith.addf %add3A_304, %mul3A_302 : vector<16xf32>
        %mul3A_306 = arith.mulf %mul3A_292, %add3A_305 : vector<16xf32>
        %add3A_307 = arith.constant 0.348024189 : f32
        %add3A_308 = vector.broadcast %add3A_307 : f32 to vector<16xf32>
        %add3A_309 = arith.addf %add3A_308, %mul3A_306 : vector<16xf32>
        %mul3A_310 = arith.mulf %mul3A_292, %add3A_309 : vector<16xf32>
        %neg3A = arith.constant 0.000000e+00 : f32
        %neg3A_311 = vector.broadcast %neg3A : f32 to vector<16xf32>
        %neg3A_312 = arith.subf %neg3A_311, %mul3A_284 : vector<16xf32>
        %mul3A_313 = arith.mulf %neg3A_312, %mul3A_284 : vector<16xf32>
        %exp3A_314 = math.exp %mul3A_313 : vector<16xf32>
        %mul3A_315 = arith.mulf %mul3A_310, %exp3A_314 : vector<16xf32>
        %mul3A_316 = arith.mulf %gather3A, %gather3A_231 : vector<16xf32>
        %sub3A_317 = arith.subf %mul3A_281, %mul3A_299 : vector<16xf32>
        %mul3A_318 = arith.mulf %select_n3A_262, %sub3A_317 : vector<16xf32>
        %add3A_319 = arith.addf %mul3A_299, %mul3A_318 : vector<16xf32>
        %mul3A_320 = arith.mulf %mul3A_316, %add3A_319 : vector<16xf32>
        %mul3A_321 = arith.mulf %mul3A_320, %mul3A_315 : vector<16xf32>
        %ge3A_322 = arith.cmpi sge, %get3A_222, %broadcast_in_dim3A_138 : vector<16xi32>
        %lt3A_323 = arith.cmpi slt, %get3A_222, %broadcast_in_dim3A_141 : vector<16xi32>
        %and3A_324 = arith.andi %ge3A_322, %lt3A_323 : vector<16xi1>
        %sub3A_325 = arith.subi %get3A_222, %broadcast_in_dim3A_138 : vector<16xi32>
        %jit3A_326 = arith.constant 0 : i32
        %jit3A_327 = arith.constant 3135 : i32
        %max3A_328 = vector.broadcast %jit3A_326 : i32 to vector<16xi32>
        %max3A_329 = arith.maxsi %max3A_328, %sub3A_325 : vector<16xi32>
        %min3A_330 = vector.broadcast %jit3A_327 : i32 to vector<16xi32>
        %min3A_331 = arith.minsi %min3A_330, %max3A_329 : vector<16xi32>
        tpu.vector_store_idx %arg9[%min3A_331], %mul3A_321 masked %and3A_324 {add = true} : memref<3136xf32, #tpu.memory_space<vmem>>[vector<16xi32>], vector<16xf32>, vector<16xi1>
        %mul3A_332 = arith.constant 4 : i32
        %mul3A_333 = arith.muli %mul3A_332, %scan3A_214 : i32
        %add3A_334 = arith.constant 1 : i32
        %add3A_335 = arith.addi %mul3A_333, %add3A_334 : i32
        %mul3A_336 = arith.constant 16 : i32
        %mul3A_337 = arith.muli %add3A_335, %mul3A_336 : i32
        %get3A_338 = arith.index_cast %mul3A_337 : i32 to index
        %get3A_339 = tpu.vector_load %arg12[%get3A_338] {strides = array<i32>} : memref<3200xi32, #tpu.memory_space<vmem>>, vector<16xi32>,
        %mul3A_340 = arith.constant 16 : i32
        %mul3A_341 = arith.muli %add3A_335, %mul3A_340 : i32
        %get3A_342 = arith.index_cast %mul3A_341 : i32 to index
        %get3A_343 = tpu.vector_load %arg13[%get3A_342] {strides = array<i32>} : memref<3200xi32, #tpu.memory_space<vmem>>, vector<16xi32>,
        %mul3A_344 = arith.constant 16 : i32
        %mul3A_345 = arith.muli %add3A_335, %mul3A_344 : i32
        %get3A_346 = arith.index_cast %mul3A_345 : i32 to index
        %get3A_347 = tpu.vector_load %arg11[%get3A_346] {strides = array<i32>} : memref<3200xf32, #tpu.memory_space<vmem>>, vector<16xf32>,
        %gather3A_348 = tpu.vector_load_idx %arg8[%get3A_339] : memref<100000xf32, #tpu.memory_space<vmem>>[vector<16xi32>], vector<16xf32>,
        %gather3A_349 = tpu.vector_load_idx %arg8[%get3A_343] : memref<100000xf32, #tpu.memory_space<vmem>>[vector<16xi32>], vector<16xf32>,
        %sub3A_350 = arith.constant 2.500000e+00 : f32
        %sub3A_351 = vector.broadcast %sub3A_350 : f32 to vector<16xf32>
        %sub3A_352 = arith.subf %get3A_347, %sub3A_351 : vector<16xf32>
        %mul3A_353 = arith.constant 2.000000e-01 : f32
        %mul3A_354 = vector.broadcast %mul3A_353 : f32 to vector<16xf32>
        %mul3A_355 = arith.mulf %sub3A_352, %mul3A_354 : vector<16xf32>
        %add3A_356 = arith.addf %mul3A_355, %mul3A_355 : vector<16xf32>
        %sub3A_357 = arith.constant 1.000000e+00 : f32
        %sub3A_358 = vector.broadcast %sub3A_357 : f32 to vector<16xf32>
        %sub3A_359 = arith.subf %add3A_356, %sub3A_358 : vector<16xf32>
        %mul3A_360 = arith.mulf %mul3A_355, %mul3A_355 : vector<16xf32>
        %sub3A_361 = arith.subf %mul3A_355, %mul3A_360 : vector<16xf32>
        %div3A_362 = arith.divf %sub3A_359, %sub3A_361 : vector<16xf32>
        %min3A_363 = arith.constant 8.000000e+01 : f32
        %min3A_364 = vector.broadcast %min3A_363 : f32 to vector<16xf32>
        %min3A_365 = arith.minimumf %div3A_362, %min3A_364 : vector<16xf32>
        %exp3A_366 = math.exp %min3A_365 : vector<16xf32>
        %add3A_367 = arith.constant 1.000000e+00 : f32
        %add3A_368 = vector.broadcast %add3A_367 : f32 to vector<16xf32>
        %add3A_369 = arith.addf %add3A_368, %exp3A_366 : vector<16xf32>
        %div3A_370 = arith.constant 1.000000e+00 : f32
        %div3A_371 = vector.broadcast %div3A_370 : f32 to vector<16xf32>
        %div3A_372 = arith.divf %div3A_371, %add3A_369 : vector<16xf32>
        %le3A_373 = arith.constant 0.000000e+00 : f32
        %le3A_374 = vector.broadcast %le3A_373 : f32 to vector<16xf32>
        %le3A_375 = arith.cmpf ole, %mul3A_355, %le3A_374 : vector<16xf32>
        %ge3A_376 = arith.constant 1.000000e+00 : f32
        %ge3A_377 = vector.broadcast %ge3A_376 : f32 to vector<16xf32>
        %ge3A_378 = arith.cmpf oge, %mul3A_355, %ge3A_377 : vector<16xf32>
        %jit3A_379 = arith.constant 0.000000e+00 : f32
        %broadcast_in_dim3A_380 = vector.broadcast %jit3A_379 : f32 to vector<16xf32>
        %select_n3A_381 = arith.select %ge3A_378, %broadcast_in_dim3A_380, %div3A_372 : vector<16xi1>, vector<16xf32>
        %jit3A_382 = arith.constant 1.000000e+00 : f32
        %broadcast_in_dim3A_383 = vector.broadcast %jit3A_382 : f32 to vector<16xf32>
        %select_n3A_384 = arith.select %le3A_375, %broadcast_in_dim3A_383, %select_n3A_381 : vector<16xi1>, vector<16xf32>
        %mul3A_385 = arith.mulf %get3A_347, %get3A_347 : vector<16xf32>
        %add3A_386 = arith.constant 1.000000e+00 : f32
        %add3A_387 = vector.broadcast %add3A_386 : f32 to vector<16xf32>
        %add3A_388 = arith.addf %mul3A_385, %add3A_387 : vector<16xf32>
        %bitcast3A_389 = vector.bitcast %add3A_388 : vector<16xf32> to vector<16xi32>
        %shift_right_arithmetic3A_390 = arith.constant 1 : i32
        %shift_right_arithmetic3A_391 = vector.broadcast %shift_right_arithmetic3A_390 : i32 to vector<16xi32>
        %shift_right_arithmetic3A_392 = arith.shrsi %bitcast3A_389, %shift_right_arithmetic3A_391 : vector<16xi32>
        %sub3A_393 = arith.constant 1597463007 : i32
        %sub3A_394 = vector.broadcast %sub3A_393 : i32 to vector<16xi32>
        %sub3A_395 = arith.subi %sub3A_394, %shift_right_arithmetic3A_392 : vector<16xi32>
        %bitcast3A_396 = vector.bitcast %sub3A_395 : vector<16xi32> to vector<16xf32>
        %mul3A_397 = arith.constant 5.000000e-01 : f32
        %mul3A_398 = vector.broadcast %mul3A_397 : f32 to vector<16xf32>
        %mul3A_399 = arith.mulf %mul3A_398, %add3A_388 : vector<16xf32>
        %mul3A_400 = arith.mulf %mul3A_399, %bitcast3A_396 : vector<16xf32>
        %mul3A_401 = arith.mulf %mul3A_400, %bitcast3A_396 : vector<16xf32>
        %sub3A_402 = arith.constant 1.500000e+00 : f32
        %sub3A_403 = vector.broadcast %sub3A_402 : f32 to vector<16xf32>
        %sub3A_404 = arith.subf %sub3A_403, %mul3A_401 : vector<16xf32>
        %mul3A_405 = arith.mulf %bitcast3A_396, %sub3A_404 : vector<16xf32>
        %mul3A_406 = arith.constant 4.010000e-01 : f32
        %mul3A_407 = vector.broadcast %mul3A_406 : f32 to vector<16xf32>
        %mul3A_408 = arith.mulf %mul3A_407, %get3A_347 : vector<16xf32>
        %mul3A_409 = arith.constant 0.188658476 : f32
        %mul3A_410 = vector.broadcast %mul3A_409 : f32 to vector<16xf32>
        %mul3A_411 = arith.mulf %mul3A_410, %mul3A_385 : vector<16xf32>
        %add3A_412 = arith.addf %get3A_347, %mul3A_411 : vector<16xf32>
        %div3A_413 = arith.constant 1.000000e+00 : f32
        %div3A_414 = vector.broadcast %div3A_413 : f32 to vector<16xf32>
        %div3A_415 = arith.divf %div3A_414, %add3A_412 : vector<16xf32>
        %mul3A_416 = arith.mulf %get3A_347, %div3A_415 : vector<16xf32>
        %mul3A_417 = arith.constant 4.704700e-01 : f32
        %mul3A_418 = vector.broadcast %mul3A_417 : f32 to vector<16xf32>
        %mul3A_419 = arith.mulf %mul3A_418, %mul3A_408 : vector<16xf32>
        %add3A_420 = arith.constant 1.000000e+00 : f32
        %add3A_421 = vector.broadcast %add3A_420 : f32 to vector<16xf32>
        %add3A_422 = arith.addf %add3A_421, %mul3A_419 : vector<16xf32>
        %mul3A_423 = arith.mulf %add3A_422, %div3A_415 : vector<16xf32>
        %mul3A_424 = arith.constant 0.747855603 : f32
        %mul3A_425 = vector.broadcast %mul3A_424 : f32 to vector<16xf32>
        %mul3A_426 = arith.mulf %mul3A_416, %mul3A_425 : vector<16xf32>
        %add3A_427 = arith.constant -9.587980e-02 : f32
        %add3A_428 = vector.broadcast %add3A_427 : f32 to vector<16xf32>
        %add3A_429 = arith.addf %add3A_428, %mul3A_426 : vector<16xf32>
        %mul3A_430 = arith.mulf %mul3A_416, %add3A_429 : vector<16xf32>
        %add3A_431 = arith.constant 0.348024189 : f32
        %add3A_432 = vector.broadcast %add3A_431 : f32 to vector<16xf32>
        %add3A_433 = arith.addf %add3A_432, %mul3A_430 : vector<16xf32>
        %mul3A_434 = arith.mulf %mul3A_416, %add3A_433 : vector<16xf32>
        %neg3A_435 = arith.constant 0.000000e+00 : f32
        %neg3A_436 = vector.broadcast %neg3A_435 : f32 to vector<16xf32>
        %neg3A_437 = arith.subf %neg3A_436, %mul3A_408 : vector<16xf32>
        %mul3A_438 = arith.mulf %neg3A_437, %mul3A_408 : vector<16xf32>
        %exp3A_439 = math.exp %mul3A_438 : vector<16xf32>
        %mul3A_440 = arith.mulf %mul3A_434, %exp3A_439 : vector<16xf32>
        %mul3A_441 = arith.mulf %gather3A_348, %gather3A_349 : vector<16xf32>
        %sub3A_442 = arith.subf %mul3A_405, %mul3A_423 : vector<16xf32>
        %mul3A_443 = arith.mulf %select_n3A_384, %sub3A_442 : vector<16xf32>
        %add3A_444 = arith.addf %mul3A_423, %mul3A_443 : vector<16xf32>
        %mul3A_445 = arith.mulf %mul3A_441, %add3A_444 : vector<16xf32>
        %mul3A_446 = arith.mulf %mul3A_445, %mul3A_440 : vector<16xf32>
        %ge3A_447 = arith.cmpi sge, %get3A_339, %broadcast_in_dim3A_138 : vector<16xi32>
        %lt3A_448 = arith.cmpi slt, %get3A_339, %broadcast_in_dim3A_141 : vector<16xi32>
        %and3A_449 = arith.andi %ge3A_447, %lt3A_448 : vector<16xi1>
        %sub3A_450 = arith.subi %get3A_339, %broadcast_in_dim3A_138 : vector<16xi32>
        %jit3A_451 = arith.constant 0 : i32
        %jit3A_452 = arith.constant 3135 : i32
        %max3A_453 = vector.broadcast %jit3A_451 : i32 to vector<16xi32>
        %max3A_454 = arith.maxsi %max3A_453, %sub3A_450 : vector<16xi32>
        %min3A_455 = vector.broadcast %jit3A_452 : i32 to vector<16xi32>
        %min3A_456 = arith.minsi %min3A_455, %max3A_454 : vector<16xi32>
        tpu.vector_store_idx %arg9[%min3A_456], %mul3A_446 masked %and3A_449 {add = true} : memref<3136xf32, #tpu.memory_space<vmem>>[vector<16xi32>], vector<16xf32>, vector<16xi1>
        %mul3A_457 = arith.constant 4 : i32
        %mul3A_458 = arith.muli %mul3A_457, %scan3A_214 : i32
        %add3A_459 = arith.constant 2 : i32
        %add3A_460 = arith.addi %mul3A_458, %add3A_459 : i32
        %mul3A_461 = arith.constant 16 : i32
        %mul3A_462 = arith.muli %add3A_460, %mul3A_461 : i32
        %get3A_463 = arith.index_cast %mul3A_462 : i32 to index
        %get3A_464 = tpu.vector_load %arg12[%get3A_463] {strides = array<i32>} : memref<3200xi32, #tpu.memory_space<vmem>>, vector<16xi32>,
        %mul3A_465 = arith.constant 16 : i32
        %mul3A_466 = arith.muli %add3A_460, %mul3A_465 : i32
        %get3A_467 = arith.index_cast %mul3A_466 : i32 to index
        %get3A_468 = tpu.vector_load %arg13[%get3A_467] {strides = array<i32>} : memref<3200xi32, #tpu.memory_space<vmem>>, vector<16xi32>,
        %mul3A_469 = arith.constant 16 : i32
        %mul3A_470 = arith.muli %add3A_460, %mul3A_469 : i32
        %get3A_471 = arith.index_cast %mul3A_470 : i32 to index
        %get3A_472 = tpu.vector_load %arg11[%get3A_471] {strides = array<i32>} : memref<3200xf32, #tpu.memory_space<vmem>>, vector<16xf32>,
        %gather3A_473 = tpu.vector_load_idx %arg8[%get3A_464] : memref<100000xf32, #tpu.memory_space<vmem>>[vector<16xi32>], vector<16xf32>,
        %gather3A_474 = tpu.vector_load_idx %arg8[%get3A_468] : memref<100000xf32, #tpu.memory_space<vmem>>[vector<16xi32>], vector<16xf32>,
        %sub3A_475 = arith.constant 2.500000e+00 : f32
        %sub3A_476 = vector.broadcast %sub3A_475 : f32 to vector<16xf32>
        %sub3A_477 = arith.subf %get3A_472, %sub3A_476 : vector<16xf32>
        %mul3A_478 = arith.constant 2.000000e-01 : f32
        %mul3A_479 = vector.broadcast %mul3A_478 : f32 to vector<16xf32>
        %mul3A_480 = arith.mulf %sub3A_477, %mul3A_479 : vector<16xf32>
        %add3A_481 = arith.addf %mul3A_480, %mul3A_480 : vector<16xf32>
        %sub3A_482 = arith.constant 1.000000e+00 : f32
        %sub3A_483 = vector.broadcast %sub3A_482 : f32 to vector<16xf32>
        %sub3A_484 = arith.subf %add3A_481, %sub3A_483 : vector<16xf32>
        %mul3A_485 = arith.mulf %mul3A_480, %mul3A_480 : vector<16xf32>
        %sub3A_486 = arith.subf %mul3A_480, %mul3A_485 : vector<16xf32>
        %div3A_487 = arith.divf %sub3A_484, %sub3A_486 : vector<16xf32>
        %min3A_488 = arith.constant 8.000000e+01 : f32
        %min3A_489 = vector.broadcast %min3A_488 : f32 to vector<16xf32>
        %min3A_490 = arith.minimumf %div3A_487, %min3A_489 : vector<16xf32>
        %exp3A_491 = math.exp %min3A_490 : vector<16xf32>
        %add3A_492 = arith.constant 1.000000e+00 : f32
        %add3A_493 = vector.broadcast %add3A_492 : f32 to vector<16xf32>
        %add3A_494 = arith.addf %add3A_493, %exp3A_491 : vector<16xf32>
        %div3A_495 = arith.constant 1.000000e+00 : f32
        %div3A_496 = vector.broadcast %div3A_495 : f32 to vector<16xf32>
        %div3A_497 = arith.divf %div3A_496, %add3A_494 : vector<16xf32>
        %le3A_498 = arith.constant 0.000000e+00 : f32
        %le3A_499 = vector.broadcast %le3A_498 : f32 to vector<16xf32>
        %le3A_500 = arith.cmpf ole, %mul3A_480, %le3A_499 : vector<16xf32>
        %ge3A_501 = arith.constant 1.000000e+00 : f32
        %ge3A_502 = vector.broadcast %ge3A_501 : f32 to vector<16xf32>
        %ge3A_503 = arith.cmpf oge, %mul3A_480, %ge3A_502 : vector<16xf32>
        %jit3A_504 = arith.constant 0.000000e+00 : f32
        %broadcast_in_dim3A_505 = vector.broadcast %jit3A_504 : f32 to vector<16xf32>
        %select_n3A_506 = arith.select %ge3A_503, %broadcast_in_dim3A_505, %div3A_497 : vector<16xi1>, vector<16xf32>
        %jit3A_507 = arith.constant 1.000000e+00 : f32
        %broadcast_in_dim3A_508 = vector.broadcast %jit3A_507 : f32 to vector<16xf32>
        %select_n3A_509 = arith.select %le3A_500, %broadcast_in_dim3A_508, %select_n3A_506 : vector<16xi1>, vector<16xf32>
        %mul3A_510 = arith.mulf %get3A_472, %get3A_472 : vector<16xf32>
        %add3A_511 = arith.constant 1.000000e+00 : f32
        %add3A_512 = vector.broadcast %add3A_511 : f32 to vector<16xf32>
        %add3A_513 = arith.addf %mul3A_510, %add3A_512 : vector<16xf32>
        %bitcast3A_514 = vector.bitcast %add3A_513 : vector<16xf32> to vector<16xi32>
        %shift_right_arithmetic3A_515 = arith.constant 1 : i32
        %shift_right_arithmetic3A_516 = vector.broadcast %shift_right_arithmetic3A_515 : i32 to vector<16xi32>
        %shift_right_arithmetic3A_517 = arith.shrsi %bitcast3A_514, %shift_right_arithmetic3A_516 : vector<16xi32>
        %sub3A_518 = arith.constant 1597463007 : i32
        %sub3A_519 = vector.broadcast %sub3A_518 : i32 to vector<16xi32>
        %sub3A_520 = arith.subi %sub3A_519, %shift_right_arithmetic3A_517 : vector<16xi32>
        %bitcast3A_521 = vector.bitcast %sub3A_520 : vector<16xi32> to vector<16xf32>
        %mul3A_522 = arith.constant 5.000000e-01 : f32
        %mul3A_523 = vector.broadcast %mul3A_522 : f32 to vector<16xf32>
        %mul3A_524 = arith.mulf %mul3A_523, %add3A_513 : vector<16xf32>
        %mul3A_525 = arith.mulf %mul3A_524, %bitcast3A_521 : vector<16xf32>
        %mul3A_526 = arith.mulf %mul3A_525, %bitcast3A_521 : vector<16xf32>
        %sub3A_527 = arith.constant 1.500000e+00 : f32
        %sub3A_528 = vector.broadcast %sub3A_527 : f32 to vector<16xf32>
        %sub3A_529 = arith.subf %sub3A_528, %mul3A_526 : vector<16xf32>
        %mul3A_530 = arith.mulf %bitcast3A_521, %sub3A_529 : vector<16xf32>
        %mul3A_531 = arith.constant 4.010000e-01 : f32
        %mul3A_532 = vector.broadcast %mul3A_531 : f32 to vector<16xf32>
        %mul3A_533 = arith.mulf %mul3A_532, %get3A_472 : vector<16xf32>
        %mul3A_534 = arith.constant 0.188658476 : f32
        %mul3A_535 = vector.broadcast %mul3A_534 : f32 to vector<16xf32>
        %mul3A_536 = arith.mulf %mul3A_535, %mul3A_510 : vector<16xf32>
        %add3A_537 = arith.addf %get3A_472, %mul3A_536 : vector<16xf32>
        %div3A_538 = arith.constant 1.000000e+00 : f32
        %div3A_539 = vector.broadcast %div3A_538 : f32 to vector<16xf32>
        %div3A_540 = arith.divf %div3A_539, %add3A_537 : vector<16xf32>
        %mul3A_541 = arith.mulf %get3A_472, %div3A_540 : vector<16xf32>
        %mul3A_542 = arith.constant 4.704700e-01 : f32
        %mul3A_543 = vector.broadcast %mul3A_542 : f32 to vector<16xf32>
        %mul3A_544 = arith.mulf %mul3A_543, %mul3A_533 : vector<16xf32>
        %add3A_545 = arith.constant 1.000000e+00 : f32
        %add3A_546 = vector.broadcast %add3A_545 : f32 to vector<16xf32>
        %add3A_547 = arith.addf %add3A_546, %mul3A_544 : vector<16xf32>
        %mul3A_548 = arith.mulf %add3A_547, %div3A_540 : vector<16xf32>
        %mul3A_549 = arith.constant 0.747855603 : f32
        %mul3A_550 = vector.broadcast %mul3A_549 : f32 to vector<16xf32>
        %mul3A_551 = arith.mulf %mul3A_541, %mul3A_550 : vector<16xf32>
        %add3A_552 = arith.constant -9.587980e-02 : f32
        %add3A_553 = vector.broadcast %add3A_552 : f32 to vector<16xf32>
        %add3A_554 = arith.addf %add3A_553, %mul3A_551 : vector<16xf32>
        %mul3A_555 = arith.mulf %mul3A_541, %add3A_554 : vector<16xf32>
        %add3A_556 = arith.constant 0.348024189 : f32
        %add3A_557 = vector.broadcast %add3A_556 : f32 to vector<16xf32>
        %add3A_558 = arith.addf %add3A_557, %mul3A_555 : vector<16xf32>
        %mul3A_559 = arith.mulf %mul3A_541, %add3A_558 : vector<16xf32>
        %neg3A_560 = arith.constant 0.000000e+00 : f32
        %neg3A_561 = vector.broadcast %neg3A_560 : f32 to vector<16xf32>
        %neg3A_562 = arith.subf %neg3A_561, %mul3A_533 : vector<16xf32>
        %mul3A_563 = arith.mulf %neg3A_562, %mul3A_533 : vector<16xf32>
        %exp3A_564 = math.exp %mul3A_563 : vector<16xf32>
        %mul3A_565 = arith.mulf %mul3A_559, %exp3A_564 : vector<16xf32>
        %mul3A_566 = arith.mulf %gather3A_473, %gather3A_474 : vector<16xf32>
        %sub3A_567 = arith.subf %mul3A_530, %mul3A_548 : vector<16xf32>
        %mul3A_568 = arith.mulf %select_n3A_509, %sub3A_567 : vector<16xf32>
        %add3A_569 = arith.addf %mul3A_548, %mul3A_568 : vector<16xf32>
        %mul3A_570 = arith.mulf %mul3A_566, %add3A_569 : vector<16xf32>
        %mul3A_571 = arith.mulf %mul3A_570, %mul3A_565 : vector<16xf32>
        %ge3A_572 = arith.cmpi sge, %get3A_464, %broadcast_in_dim3A_138 : vector<16xi32>
        %lt3A_573 = arith.cmpi slt, %get3A_464, %broadcast_in_dim3A_141 : vector<16xi32>
        %and3A_574 = arith.andi %ge3A_572, %lt3A_573 : vector<16xi1>
        %sub3A_575 = arith.subi %get3A_464, %broadcast_in_dim3A_138 : vector<16xi32>
        %jit3A_576 = arith.constant 0 : i32
        %jit3A_577 = arith.constant 3135 : i32
        %max3A_578 = vector.broadcast %jit3A_576 : i32 to vector<16xi32>
        %max3A_579 = arith.maxsi %max3A_578, %sub3A_575 : vector<16xi32>
        %min3A_580 = vector.broadcast %jit3A_577 : i32 to vector<16xi32>
        %min3A_581 = arith.minsi %min3A_580, %max3A_579 : vector<16xi32>
        tpu.vector_store_idx %arg9[%min3A_581], %mul3A_571 masked %and3A_574 {add = true} : memref<3136xf32, #tpu.memory_space<vmem>>[vector<16xi32>], vector<16xf32>, vector<16xi1>
        %mul3A_582 = arith.constant 4 : i32
        %mul3A_583 = arith.muli %mul3A_582, %scan3A_214 : i32
        %add3A_584 = arith.constant 3 : i32
        %add3A_585 = arith.addi %mul3A_583, %add3A_584 : i32
        %mul3A_586 = arith.constant 16 : i32
        %mul3A_587 = arith.muli %add3A_585, %mul3A_586 : i32
        %get3A_588 = arith.index_cast %mul3A_587 : i32 to index
        %get3A_589 = tpu.vector_load %arg12[%get3A_588] {strides = array<i32>} : memref<3200xi32, #tpu.memory_space<vmem>>, vector<16xi32>,
        %mul3A_590 = arith.constant 16 : i32
        %mul3A_591 = arith.muli %add3A_585, %mul3A_590 : i32
        %get3A_592 = arith.index_cast %mul3A_591 : i32 to index
        %get3A_593 = tpu.vector_load %arg13[%get3A_592] {strides = array<i32>} : memref<3200xi32, #tpu.memory_space<vmem>>, vector<16xi32>,
        %mul3A_594 = arith.constant 16 : i32
        %mul3A_595 = arith.muli %add3A_585, %mul3A_594 : i32
        %get3A_596 = arith.index_cast %mul3A_595 : i32 to index
        %get3A_597 = tpu.vector_load %arg11[%get3A_596] {strides = array<i32>} : memref<3200xf32, #tpu.memory_space<vmem>>, vector<16xf32>,
        %gather3A_598 = tpu.vector_load_idx %arg8[%get3A_589] : memref<100000xf32, #tpu.memory_space<vmem>>[vector<16xi32>], vector<16xf32>,
        %gather3A_599 = tpu.vector_load_idx %arg8[%get3A_593] : memref<100000xf32, #tpu.memory_space<vmem>>[vector<16xi32>], vector<16xf32>,
        %sub3A_600 = arith.constant 2.500000e+00 : f32
        %sub3A_601 = vector.broadcast %sub3A_600 : f32 to vector<16xf32>
        %sub3A_602 = arith.subf %get3A_597, %sub3A_601 : vector<16xf32>
        %mul3A_603 = arith.constant 2.000000e-01 : f32
        %mul3A_604 = vector.broadcast %mul3A_603 : f32 to vector<16xf32>
        %mul3A_605 = arith.mulf %sub3A_602, %mul3A_604 : vector<16xf32>
        %add3A_606 = arith.addf %mul3A_605, %mul3A_605 : vector<16xf32>
        %sub3A_607 = arith.constant 1.000000e+00 : f32
        %sub3A_608 = vector.broadcast %sub3A_607 : f32 to vector<16xf32>
        %sub3A_609 = arith.subf %add3A_606, %sub3A_608 : vector<16xf32>
        %mul3A_610 = arith.mulf %mul3A_605, %mul3A_605 : vector<16xf32>
        %sub3A_611 = arith.subf %mul3A_605, %mul3A_610 : vector<16xf32>
        %div3A_612 = arith.divf %sub3A_609, %sub3A_611 : vector<16xf32>
        %min3A_613 = arith.constant 8.000000e+01 : f32
        %min3A_614 = vector.broadcast %min3A_613 : f32 to vector<16xf32>
        %min3A_615 = arith.minimumf %div3A_612, %min3A_614 : vector<16xf32>
        %exp3A_616 = math.exp %min3A_615 : vector<16xf32>
        %add3A_617 = arith.constant 1.000000e+00 : f32
        %add3A_618 = vector.broadcast %add3A_617 : f32 to vector<16xf32>
        %add3A_619 = arith.addf %add3A_618, %exp3A_616 : vector<16xf32>
        %div3A_620 = arith.constant 1.000000e+00 : f32
        %div3A_621 = vector.broadcast %div3A_620 : f32 to vector<16xf32>
        %div3A_622 = arith.divf %div3A_621, %add3A_619 : vector<16xf32>
        %le3A_623 = arith.constant 0.000000e+00 : f32
        %le3A_624 = vector.broadcast %le3A_623 : f32 to vector<16xf32>
        %le3A_625 = arith.cmpf ole, %mul3A_605, %le3A_624 : vector<16xf32>
        %ge3A_626 = arith.constant 1.000000e+00 : f32
        %ge3A_627 = vector.broadcast %ge3A_626 : f32 to vector<16xf32>
        %ge3A_628 = arith.cmpf oge, %mul3A_605, %ge3A_627 : vector<16xf32>
        %jit3A_629 = arith.constant 0.000000e+00 : f32
        %broadcast_in_dim3A_630 = vector.broadcast %jit3A_629 : f32 to vector<16xf32>
        %select_n3A_631 = arith.select %ge3A_628, %broadcast_in_dim3A_630, %div3A_622 : vector<16xi1>, vector<16xf32>
        %jit3A_632 = arith.constant 1.000000e+00 : f32
        %broadcast_in_dim3A_633 = vector.broadcast %jit3A_632 : f32 to vector<16xf32>
        %select_n3A_634 = arith.select %le3A_625, %broadcast_in_dim3A_633, %select_n3A_631 : vector<16xi1>, vector<16xf32>
        %mul3A_635 = arith.mulf %get3A_597, %get3A_597 : vector<16xf32>
        %add3A_636 = arith.constant 1.000000e+00 : f32
        %add3A_637 = vector.broadcast %add3A_636 : f32 to vector<16xf32>
        %add3A_638 = arith.addf %mul3A_635, %add3A_637 : vector<16xf32>
        %bitcast3A_639 = vector.bitcast %add3A_638 : vector<16xf32> to vector<16xi32>
        %shift_right_arithmetic3A_640 = arith.constant 1 : i32
        %shift_right_arithmetic3A_641 = vector.broadcast %shift_right_arithmetic3A_640 : i32 to vector<16xi32>
        %shift_right_arithmetic3A_642 = arith.shrsi %bitcast3A_639, %shift_right_arithmetic3A_641 : vector<16xi32>
        %sub3A_643 = arith.constant 1597463007 : i32
        %sub3A_644 = vector.broadcast %sub3A_643 : i32 to vector<16xi32>
        %sub3A_645 = arith.subi %sub3A_644, %shift_right_arithmetic3A_642 : vector<16xi32>
        %bitcast3A_646 = vector.bitcast %sub3A_645 : vector<16xi32> to vector<16xf32>
        %mul3A_647 = arith.constant 5.000000e-01 : f32
        %mul3A_648 = vector.broadcast %mul3A_647 : f32 to vector<16xf32>
        %mul3A_649 = arith.mulf %mul3A_648, %add3A_638 : vector<16xf32>
        %mul3A_650 = arith.mulf %mul3A_649, %bitcast3A_646 : vector<16xf32>
        %mul3A_651 = arith.mulf %mul3A_650, %bitcast3A_646 : vector<16xf32>
        %sub3A_652 = arith.constant 1.500000e+00 : f32
        %sub3A_653 = vector.broadcast %sub3A_652 : f32 to vector<16xf32>
        %sub3A_654 = arith.subf %sub3A_653, %mul3A_651 : vector<16xf32>
        %mul3A_655 = arith.mulf %bitcast3A_646, %sub3A_654 : vector<16xf32>
        %mul3A_656 = arith.constant 4.010000e-01 : f32
        %mul3A_657 = vector.broadcast %mul3A_656 : f32 to vector<16xf32>
        %mul3A_658 = arith.mulf %mul3A_657, %get3A_597 : vector<16xf32>
        %mul3A_659 = arith.constant 0.188658476 : f32
        %mul3A_660 = vector.broadcast %mul3A_659 : f32 to vector<16xf32>
        %mul3A_661 = arith.mulf %mul3A_660, %mul3A_635 : vector<16xf32>
        %add3A_662 = arith.addf %get3A_597, %mul3A_661 : vector<16xf32>
        %div3A_663 = arith.constant 1.000000e+00 : f32
        %div3A_664 = vector.broadcast %div3A_663 : f32 to vector<16xf32>
        %div3A_665 = arith.divf %div3A_664, %add3A_662 : vector<16xf32>
        %mul3A_666 = arith.mulf %get3A_597, %div3A_665 : vector<16xf32>
        %mul3A_667 = arith.constant 4.704700e-01 : f32
        %mul3A_668 = vector.broadcast %mul3A_667 : f32 to vector<16xf32>
        %mul3A_669 = arith.mulf %mul3A_668, %mul3A_658 : vector<16xf32>
        %add3A_670 = arith.constant 1.000000e+00 : f32
        %add3A_671 = vector.broadcast %add3A_670 : f32 to vector<16xf32>
        %add3A_672 = arith.addf %add3A_671, %mul3A_669 : vector<16xf32>
        %mul3A_673 = arith.mulf %add3A_672, %div3A_665 : vector<16xf32>
        %mul3A_674 = arith.constant 0.747855603 : f32
        %mul3A_675 = vector.broadcast %mul3A_674 : f32 to vector<16xf32>
        %mul3A_676 = arith.mulf %mul3A_666, %mul3A_675 : vector<16xf32>
        %add3A_677 = arith.constant -9.587980e-02 : f32
        %add3A_678 = vector.broadcast %add3A_677 : f32 to vector<16xf32>
        %add3A_679 = arith.addf %add3A_678, %mul3A_676 : vector<16xf32>
        %mul3A_680 = arith.mulf %mul3A_666, %add3A_679 : vector<16xf32>
        %add3A_681 = arith.constant 0.348024189 : f32
        %add3A_682 = vector.broadcast %add3A_681 : f32 to vector<16xf32>
        %add3A_683 = arith.addf %add3A_682, %mul3A_680 : vector<16xf32>
        %mul3A_684 = arith.mulf %mul3A_666, %add3A_683 : vector<16xf32>
        %neg3A_685 = arith.constant 0.000000e+00 : f32
        %neg3A_686 = vector.broadcast %neg3A_685 : f32 to vector<16xf32>
        %neg3A_687 = arith.subf %neg3A_686, %mul3A_658 : vector<16xf32>
        %mul3A_688 = arith.mulf %neg3A_687, %mul3A_658 : vector<16xf32>
        %exp3A_689 = math.exp %mul3A_688 : vector<16xf32>
        %mul3A_690 = arith.mulf %mul3A_684, %exp3A_689 : vector<16xf32>
        %mul3A_691 = arith.mulf %gather3A_598, %gather3A_599 : vector<16xf32>
        %sub3A_692 = arith.subf %mul3A_655, %mul3A_673 : vector<16xf32>
        %mul3A_693 = arith.mulf %select_n3A_634, %sub3A_692 : vector<16xf32>
        %add3A_694 = arith.addf %mul3A_673, %mul3A_693 : vector<16xf32>
        %mul3A_695 = arith.mulf %mul3A_691, %add3A_694 : vector<16xf32>
        %mul3A_696 = arith.mulf %mul3A_695, %mul3A_690 : vector<16xf32>
        %ge3A_697 = arith.cmpi sge, %get3A_589, %broadcast_in_dim3A_138 : vector<16xi32>
        %lt3A_698 = arith.cmpi slt, %get3A_589, %broadcast_in_dim3A_141 : vector<16xi32>
        %and3A_699 = arith.andi %ge3A_697, %lt3A_698 : vector<16xi1>
        %sub3A_700 = arith.subi %get3A_589, %broadcast_in_dim3A_138 : vector<16xi32>
        %jit3A_701 = arith.constant 0 : i32
        %jit3A_702 = arith.constant 3135 : i32
        %max3A_703 = vector.broadcast %jit3A_701 : i32 to vector<16xi32>
        %max3A_704 = arith.maxsi %max3A_703, %sub3A_700 : vector<16xi32>
        %min3A_705 = vector.broadcast %jit3A_702 : i32 to vector<16xi32>
        %min3A_706 = arith.minsi %min3A_705, %max3A_704 : vector<16xi32>
        tpu.vector_store_idx %arg9[%min3A_706], %mul3A_696 masked %and3A_699 {add = true} : memref<3136xf32, #tpu.memory_space<vmem>>[vector<16xi32>], vector<16xf32>, vector<16xi1>
      }
      %scan3A_203 = arith.constant 50 : i32
      %add3A_204 = arith.constant 2 : i32
      %add3A_205 = arith.addi %mul3A_181, %add3A_204 : i32
      %lt3A_206 = arith.cmpi slt, %add3A_205, %max3A_137 : i32
      %convert_element_type3A_207 = arith.extui %lt3A_206 : i1 to i32
      %cond3A_208 = arith.constant 0 : i32
      %cond3A_209 = arith.cmpi ne, %convert_element_type3A_207, %cond3A_208 : i32
      scf.if %cond3A_209 {
        %add3A_214 = arith.constant 6400 : i32
        %add3A_215 = arith.addi %add3A_186, %add3A_214 : i32
        %dma_start3A = tpu.memref_slice %arg3[%add3A_215] : memref<3200000xf32, #tpu.memory_space<hbm>> -> memref<3200xf32, #tpu.memory_space<hbm>>
        %dma_start3A_216 = tpu.memref_slice %arg3[%add3A_215] : memref<3200000xf32, #tpu.memory_space<hbm>> -> memref<3200xf32, #tpu.memory_space<hbm>>
        tpu.enqueue_dma source(%dma_start3A_216 : memref<3200xf32, #tpu.memory_space<hbm>>) target(%arg11 : memref<3200xf32, #tpu.memory_space<vmem>>) target_semaphore(%arg17 : memref<!tpu.dma_semaphore, #tpu.memory_space<semaphore_mem>>)
        %dma_start3A_217 = tpu.memref_slice %arg4[%add3A_215] : memref<3200000xi32, #tpu.memory_space<hbm>> -> memref<3200xi32, #tpu.memory_space<hbm>>
        %dma_start3A_218 = tpu.memref_slice %arg4[%add3A_215] : memref<3200000xi32, #tpu.memory_space<hbm>> -> memref<3200xi32, #tpu.memory_space<hbm>>
        tpu.enqueue_dma source(%dma_start3A_218 : memref<3200xi32, #tpu.memory_space<hbm>>) target(%arg12 : memref<3200xi32, #tpu.memory_space<vmem>>) target_semaphore(%arg17 : memref<!tpu.dma_semaphore, #tpu.memory_space<semaphore_mem>>)
        %dma_start3A_219 = tpu.memref_slice %arg5[%add3A_215] : memref<3200000xi32, #tpu.memory_space<hbm>> -> memref<3200xi32, #tpu.memory_space<hbm>>
        %dma_start3A_220 = tpu.memref_slice %arg5[%add3A_215] : memref<3200000xi32, #tpu.memory_space<hbm>> -> memref<3200xi32, #tpu.memory_space<hbm>>
        tpu.enqueue_dma source(%dma_start3A_220 : memref<3200xi32, #tpu.memory_space<hbm>>) target(%arg13 : memref<3200xi32, #tpu.memory_space<vmem>>) target_semaphore(%arg17 : memref<!tpu.dma_semaphore, #tpu.memory_space<semaphore_mem>>)
      } else {
      }
      %lt3A_210 = arith.cmpi slt, %add3A_183, %max3A_137 : i32
      %convert_element_type3A_211 = arith.extui %lt3A_210 : i1 to i32
      %cond3A_212 = arith.constant 0 : i32
      %cond3A_213 = arith.cmpi ne, %convert_element_type3A_211, %cond3A_212 : i32
      scf.if %cond3A_213 {
        %dma_wait3A_214 = tpu.memref_slice %arg3[%add3A_189] : memref<3200000xf32, #tpu.memory_space<hbm>> -> memref<3200xf32, #tpu.memory_space<hbm>>
        %dma_wait3A_215 = tpu.memref_slice %arg3[%add3A_189] : memref<3200000xf32, #tpu.memory_space<hbm>> -> memref<3200xf32, #tpu.memory_space<hbm>>
        tpu.wait_dma2 semaphore(%arg18 : memref<!tpu.dma_semaphore, #tpu.memory_space<semaphore_mem>>) src(%dma_wait3A_215 : memref<3200xf32, #tpu.memory_space<hbm>>) dst(%arg14 : memref<3200xf32, #tpu.memory_space<vmem>>)
        %dma_wait3A_216 = tpu.memref_slice %arg4[%add3A_189] : memref<3200000xi32, #tpu.memory_space<hbm>> -> memref<3200xi32, #tpu.memory_space<hbm>>
        %dma_wait3A_217 = tpu.memref_slice %arg4[%add3A_189] : memref<3200000xi32, #tpu.memory_space<hbm>> -> memref<3200xi32, #tpu.memory_space<hbm>>
        tpu.wait_dma2 semaphore(%arg18 : memref<!tpu.dma_semaphore, #tpu.memory_space<semaphore_mem>>) src(%dma_wait3A_217 : memref<3200xi32, #tpu.memory_space<hbm>>) dst(%arg15 : memref<3200xi32, #tpu.memory_space<vmem>>)
        %dma_wait3A_218 = tpu.memref_slice %arg5[%add3A_189] : memref<3200000xi32, #tpu.memory_space<hbm>> -> memref<3200xi32, #tpu.memory_space<hbm>>
        %dma_wait3A_219 = tpu.memref_slice %arg5[%add3A_189] : memref<3200000xi32, #tpu.memory_space<hbm>> -> memref<3200xi32, #tpu.memory_space<hbm>>
        tpu.wait_dma2 semaphore(%arg18 : memref<!tpu.dma_semaphore, #tpu.memory_space<semaphore_mem>>) src(%dma_wait3A_219 : memref<3200xi32, #tpu.memory_space<hbm>>) dst(%arg16 : memref<3200xi32, #tpu.memory_space<vmem>>)
        %scan3A_220 = arith.constant 0 : i32
        %scan3A_221 = arith.constant 0 : i32
        %scan3A_222 = arith.constant 50 : i32
        %scan3A_223 = arith.addi %scan3A_221, %scan3A_222 : i32
        %scan3A_224 = arith.constant 1 : i32
        scf.for %scan3A_226 = %scan3A_221 to %scan3A_223 step %scan3A_224  : i32 {
          %mul3A_227 = arith.constant 4 : i32
          %mul3A_228 = arith.muli %mul3A_227, %scan3A_226 : i32
          %add3A_229 = arith.constant 0 : i32
          %add3A_230 = arith.addi %mul3A_228, %add3A_229 : i32
          %mul3A_231 = arith.constant 16 : i32
          %mul3A_232 = arith.muli %add3A_230, %mul3A_231 : i32
          %get3A_233 = arith.index_cast %mul3A_232 : i32 to index
          %get3A_234 = tpu.vector_load %arg15[%get3A_233] {strides = array<i32>} : memref<3200xi32, #tpu.memory_space<vmem>>, vector<16xi32>,
          %mul3A_235 = arith.constant 16 : i32
          %mul3A_236 = arith.muli %add3A_230, %mul3A_235 : i32
          %get3A_237 = arith.index_cast %mul3A_236 : i32 to index
          %get3A_238 = tpu.vector_load %arg16[%get3A_237] {strides = array<i32>} : memref<3200xi32, #tpu.memory_space<vmem>>, vector<16xi32>,
          %mul3A_239 = arith.constant 16 : i32
          %mul3A_240 = arith.muli %add3A_230, %mul3A_239 : i32
          %get3A_241 = arith.index_cast %mul3A_240 : i32 to index
          %get3A_242 = tpu.vector_load %arg14[%get3A_241] {strides = array<i32>} : memref<3200xf32, #tpu.memory_space<vmem>>, vector<16xf32>,
          %gather3A = tpu.vector_load_idx %arg8[%get3A_234] : memref<100000xf32, #tpu.memory_space<vmem>>[vector<16xi32>], vector<16xf32>,
          %gather3A_243 = tpu.vector_load_idx %arg8[%get3A_238] : memref<100000xf32, #tpu.memory_space<vmem>>[vector<16xi32>], vector<16xf32>,
          %sub3A_244 = arith.constant 2.500000e+00 : f32
          %sub3A_245 = vector.broadcast %sub3A_244 : f32 to vector<16xf32>
          %sub3A_246 = arith.subf %get3A_242, %sub3A_245 : vector<16xf32>
          %mul3A_247 = arith.constant 2.000000e-01 : f32
          %mul3A_248 = vector.broadcast %mul3A_247 : f32 to vector<16xf32>
          %mul3A_249 = arith.mulf %sub3A_246, %mul3A_248 : vector<16xf32>
          %add3A_250 = arith.addf %mul3A_249, %mul3A_249 : vector<16xf32>
          %sub3A_251 = arith.constant 1.000000e+00 : f32
          %sub3A_252 = vector.broadcast %sub3A_251 : f32 to vector<16xf32>
          %sub3A_253 = arith.subf %add3A_250, %sub3A_252 : vector<16xf32>
          %mul3A_254 = arith.mulf %mul3A_249, %mul3A_249 : vector<16xf32>
          %sub3A_255 = arith.subf %mul3A_249, %mul3A_254 : vector<16xf32>
          %div3A_256 = arith.divf %sub3A_253, %sub3A_255 : vector<16xf32>
          %min3A = arith.constant 8.000000e+01 : f32
          %min3A_257 = vector.broadcast %min3A : f32 to vector<16xf32>
          %min3A_258 = arith.minimumf %div3A_256, %min3A_257 : vector<16xf32>
          %exp3A = math.exp %min3A_258 : vector<16xf32>
          %add3A_259 = arith.constant 1.000000e+00 : f32
          %add3A_260 = vector.broadcast %add3A_259 : f32 to vector<16xf32>
          %add3A_261 = arith.addf %add3A_260, %exp3A : vector<16xf32>
          %div3A_262 = arith.constant 1.000000e+00 : f32
          %div3A_263 = vector.broadcast %div3A_262 : f32 to vector<16xf32>
          %div3A_264 = arith.divf %div3A_263, %add3A_261 : vector<16xf32>
          %le3A = arith.constant 0.000000e+00 : f32
          %le3A_265 = vector.broadcast %le3A : f32 to vector<16xf32>
          %le3A_266 = arith.cmpf ole, %mul3A_249, %le3A_265 : vector<16xf32>
          %ge3A = arith.constant 1.000000e+00 : f32
          %ge3A_267 = vector.broadcast %ge3A : f32 to vector<16xf32>
          %ge3A_268 = arith.cmpf oge, %mul3A_249, %ge3A_267 : vector<16xf32>
          %jit3A_269 = arith.constant 0.000000e+00 : f32
          %broadcast_in_dim3A_270 = vector.broadcast %jit3A_269 : f32 to vector<16xf32>
          %select_n3A_271 = arith.select %ge3A_268, %broadcast_in_dim3A_270, %div3A_264 : vector<16xi1>, vector<16xf32>
          %jit3A_272 = arith.constant 1.000000e+00 : f32
          %broadcast_in_dim3A_273 = vector.broadcast %jit3A_272 : f32 to vector<16xf32>
          %select_n3A_274 = arith.select %le3A_266, %broadcast_in_dim3A_273, %select_n3A_271 : vector<16xi1>, vector<16xf32>
          %mul3A_275 = arith.mulf %get3A_242, %get3A_242 : vector<16xf32>
          %add3A_276 = arith.constant 1.000000e+00 : f32
          %add3A_277 = vector.broadcast %add3A_276 : f32 to vector<16xf32>
          %add3A_278 = arith.addf %mul3A_275, %add3A_277 : vector<16xf32>
          %bitcast3A = vector.bitcast %add3A_278 : vector<16xf32> to vector<16xi32>
          %shift_right_arithmetic3A = arith.constant 1 : i32
          %shift_right_arithmetic3A_279 = vector.broadcast %shift_right_arithmetic3A : i32 to vector<16xi32>
          %shift_right_arithmetic3A_280 = arith.shrsi %bitcast3A, %shift_right_arithmetic3A_279 : vector<16xi32>
          %sub3A_281 = arith.constant 1597463007 : i32
          %sub3A_282 = vector.broadcast %sub3A_281 : i32 to vector<16xi32>
          %sub3A_283 = arith.subi %sub3A_282, %shift_right_arithmetic3A_280 : vector<16xi32>
          %bitcast3A_284 = vector.bitcast %sub3A_283 : vector<16xi32> to vector<16xf32>
          %mul3A_285 = arith.constant 5.000000e-01 : f32
          %mul3A_286 = vector.broadcast %mul3A_285 : f32 to vector<16xf32>
          %mul3A_287 = arith.mulf %mul3A_286, %add3A_278 : vector<16xf32>
          %mul3A_288 = arith.mulf %mul3A_287, %bitcast3A_284 : vector<16xf32>
          %mul3A_289 = arith.mulf %mul3A_288, %bitcast3A_284 : vector<16xf32>
          %sub3A_290 = arith.constant 1.500000e+00 : f32
          %sub3A_291 = vector.broadcast %sub3A_290 : f32 to vector<16xf32>
          %sub3A_292 = arith.subf %sub3A_291, %mul3A_289 : vector<16xf32>
          %mul3A_293 = arith.mulf %bitcast3A_284, %sub3A_292 : vector<16xf32>
          %mul3A_294 = arith.constant 4.010000e-01 : f32
          %mul3A_295 = vector.broadcast %mul3A_294 : f32 to vector<16xf32>
          %mul3A_296 = arith.mulf %mul3A_295, %get3A_242 : vector<16xf32>
          %mul3A_297 = arith.constant 0.188658476 : f32
          %mul3A_298 = vector.broadcast %mul3A_297 : f32 to vector<16xf32>
          %mul3A_299 = arith.mulf %mul3A_298, %mul3A_275 : vector<16xf32>
          %add3A_300 = arith.addf %get3A_242, %mul3A_299 : vector<16xf32>
          %div3A_301 = arith.constant 1.000000e+00 : f32
          %div3A_302 = vector.broadcast %div3A_301 : f32 to vector<16xf32>
          %div3A_303 = arith.divf %div3A_302, %add3A_300 : vector<16xf32>
          %mul3A_304 = arith.mulf %get3A_242, %div3A_303 : vector<16xf32>
          %mul3A_305 = arith.constant 4.704700e-01 : f32
          %mul3A_306 = vector.broadcast %mul3A_305 : f32 to vector<16xf32>
          %mul3A_307 = arith.mulf %mul3A_306, %mul3A_296 : vector<16xf32>
          %add3A_308 = arith.constant 1.000000e+00 : f32
          %add3A_309 = vector.broadcast %add3A_308 : f32 to vector<16xf32>
          %add3A_310 = arith.addf %add3A_309, %mul3A_307 : vector<16xf32>
          %mul3A_311 = arith.mulf %add3A_310, %div3A_303 : vector<16xf32>
          %mul3A_312 = arith.constant 0.747855603 : f32
          %mul3A_313 = vector.broadcast %mul3A_312 : f32 to vector<16xf32>
          %mul3A_314 = arith.mulf %mul3A_304, %mul3A_313 : vector<16xf32>
          %add3A_315 = arith.constant -9.587980e-02 : f32
          %add3A_316 = vector.broadcast %add3A_315 : f32 to vector<16xf32>
          %add3A_317 = arith.addf %add3A_316, %mul3A_314 : vector<16xf32>
          %mul3A_318 = arith.mulf %mul3A_304, %add3A_317 : vector<16xf32>
          %add3A_319 = arith.constant 0.348024189 : f32
          %add3A_320 = vector.broadcast %add3A_319 : f32 to vector<16xf32>
          %add3A_321 = arith.addf %add3A_320, %mul3A_318 : vector<16xf32>
          %mul3A_322 = arith.mulf %mul3A_304, %add3A_321 : vector<16xf32>
          %neg3A = arith.constant 0.000000e+00 : f32
          %neg3A_323 = vector.broadcast %neg3A : f32 to vector<16xf32>
          %neg3A_324 = arith.subf %neg3A_323, %mul3A_296 : vector<16xf32>
          %mul3A_325 = arith.mulf %neg3A_324, %mul3A_296 : vector<16xf32>
          %exp3A_326 = math.exp %mul3A_325 : vector<16xf32>
          %mul3A_327 = arith.mulf %mul3A_322, %exp3A_326 : vector<16xf32>
          %mul3A_328 = arith.mulf %gather3A, %gather3A_243 : vector<16xf32>
          %sub3A_329 = arith.subf %mul3A_293, %mul3A_311 : vector<16xf32>
          %mul3A_330 = arith.mulf %select_n3A_274, %sub3A_329 : vector<16xf32>
          %add3A_331 = arith.addf %mul3A_311, %mul3A_330 : vector<16xf32>
          %mul3A_332 = arith.mulf %mul3A_328, %add3A_331 : vector<16xf32>
          %mul3A_333 = arith.mulf %mul3A_332, %mul3A_327 : vector<16xf32>
          %ge3A_334 = arith.cmpi sge, %get3A_234, %broadcast_in_dim3A_138 : vector<16xi32>
          %lt3A_335 = arith.cmpi slt, %get3A_234, %broadcast_in_dim3A_141 : vector<16xi32>
          %and3A_336 = arith.andi %ge3A_334, %lt3A_335 : vector<16xi1>
          %sub3A_337 = arith.subi %get3A_234, %broadcast_in_dim3A_138 : vector<16xi32>
          %jit3A_338 = arith.constant 0 : i32
          %jit3A_339 = arith.constant 3135 : i32
          %max3A_340 = vector.broadcast %jit3A_338 : i32 to vector<16xi32>
          %max3A_341 = arith.maxsi %max3A_340, %sub3A_337 : vector<16xi32>
          %min3A_342 = vector.broadcast %jit3A_339 : i32 to vector<16xi32>
          %min3A_343 = arith.minsi %min3A_342, %max3A_341 : vector<16xi32>
          tpu.vector_store_idx %arg9[%min3A_343], %mul3A_333 masked %and3A_336 {add = true} : memref<3136xf32, #tpu.memory_space<vmem>>[vector<16xi32>], vector<16xf32>, vector<16xi1>
          %mul3A_344 = arith.constant 4 : i32
          %mul3A_345 = arith.muli %mul3A_344, %scan3A_226 : i32
          %add3A_346 = arith.constant 1 : i32
          %add3A_347 = arith.addi %mul3A_345, %add3A_346 : i32
          %mul3A_348 = arith.constant 16 : i32
          %mul3A_349 = arith.muli %add3A_347, %mul3A_348 : i32
          %get3A_350 = arith.index_cast %mul3A_349 : i32 to index
          %get3A_351 = tpu.vector_load %arg15[%get3A_350] {strides = array<i32>} : memref<3200xi32, #tpu.memory_space<vmem>>, vector<16xi32>,
          %mul3A_352 = arith.constant 16 : i32
          %mul3A_353 = arith.muli %add3A_347, %mul3A_352 : i32
          %get3A_354 = arith.index_cast %mul3A_353 : i32 to index
          %get3A_355 = tpu.vector_load %arg16[%get3A_354] {strides = array<i32>} : memref<3200xi32, #tpu.memory_space<vmem>>, vector<16xi32>,
          %mul3A_356 = arith.constant 16 : i32
          %mul3A_357 = arith.muli %add3A_347, %mul3A_356 : i32
          %get3A_358 = arith.index_cast %mul3A_357 : i32 to index
          %get3A_359 = tpu.vector_load %arg14[%get3A_358] {strides = array<i32>} : memref<3200xf32, #tpu.memory_space<vmem>>, vector<16xf32>,
          %gather3A_360 = tpu.vector_load_idx %arg8[%get3A_351] : memref<100000xf32, #tpu.memory_space<vmem>>[vector<16xi32>], vector<16xf32>,
          %gather3A_361 = tpu.vector_load_idx %arg8[%get3A_355] : memref<100000xf32, #tpu.memory_space<vmem>>[vector<16xi32>], vector<16xf32>,
          %sub3A_362 = arith.constant 2.500000e+00 : f32
          %sub3A_363 = vector.broadcast %sub3A_362 : f32 to vector<16xf32>
          %sub3A_364 = arith.subf %get3A_359, %sub3A_363 : vector<16xf32>
          %mul3A_365 = arith.constant 2.000000e-01 : f32
          %mul3A_366 = vector.broadcast %mul3A_365 : f32 to vector<16xf32>
          %mul3A_367 = arith.mulf %sub3A_364, %mul3A_366 : vector<16xf32>
          %add3A_368 = arith.addf %mul3A_367, %mul3A_367 : vector<16xf32>
          %sub3A_369 = arith.constant 1.000000e+00 : f32
          %sub3A_370 = vector.broadcast %sub3A_369 : f32 to vector<16xf32>
          %sub3A_371 = arith.subf %add3A_368, %sub3A_370 : vector<16xf32>
          %mul3A_372 = arith.mulf %mul3A_367, %mul3A_367 : vector<16xf32>
          %sub3A_373 = arith.subf %mul3A_367, %mul3A_372 : vector<16xf32>
          %div3A_374 = arith.divf %sub3A_371, %sub3A_373 : vector<16xf32>
          %min3A_375 = arith.constant 8.000000e+01 : f32
          %min3A_376 = vector.broadcast %min3A_375 : f32 to vector<16xf32>
          %min3A_377 = arith.minimumf %div3A_374, %min3A_376 : vector<16xf32>
          %exp3A_378 = math.exp %min3A_377 : vector<16xf32>
          %add3A_379 = arith.constant 1.000000e+00 : f32
          %add3A_380 = vector.broadcast %add3A_379 : f32 to vector<16xf32>
          %add3A_381 = arith.addf %add3A_380, %exp3A_378 : vector<16xf32>
          %div3A_382 = arith.constant 1.000000e+00 : f32
          %div3A_383 = vector.broadcast %div3A_382 : f32 to vector<16xf32>
          %div3A_384 = arith.divf %div3A_383, %add3A_381 : vector<16xf32>
          %le3A_385 = arith.constant 0.000000e+00 : f32
          %le3A_386 = vector.broadcast %le3A_385 : f32 to vector<16xf32>
          %le3A_387 = arith.cmpf ole, %mul3A_367, %le3A_386 : vector<16xf32>
          %ge3A_388 = arith.constant 1.000000e+00 : f32
          %ge3A_389 = vector.broadcast %ge3A_388 : f32 to vector<16xf32>
          %ge3A_390 = arith.cmpf oge, %mul3A_367, %ge3A_389 : vector<16xf32>
          %jit3A_391 = arith.constant 0.000000e+00 : f32
          %broadcast_in_dim3A_392 = vector.broadcast %jit3A_391 : f32 to vector<16xf32>
          %select_n3A_393 = arith.select %ge3A_390, %broadcast_in_dim3A_392, %div3A_384 : vector<16xi1>, vector<16xf32>
          %jit3A_394 = arith.constant 1.000000e+00 : f32
          %broadcast_in_dim3A_395 = vector.broadcast %jit3A_394 : f32 to vector<16xf32>
          %select_n3A_396 = arith.select %le3A_387, %broadcast_in_dim3A_395, %select_n3A_393 : vector<16xi1>, vector<16xf32>
          %mul3A_397 = arith.mulf %get3A_359, %get3A_359 : vector<16xf32>
          %add3A_398 = arith.constant 1.000000e+00 : f32
          %add3A_399 = vector.broadcast %add3A_398 : f32 to vector<16xf32>
          %add3A_400 = arith.addf %mul3A_397, %add3A_399 : vector<16xf32>
          %bitcast3A_401 = vector.bitcast %add3A_400 : vector<16xf32> to vector<16xi32>
          %shift_right_arithmetic3A_402 = arith.constant 1 : i32
          %shift_right_arithmetic3A_403 = vector.broadcast %shift_right_arithmetic3A_402 : i32 to vector<16xi32>
          %shift_right_arithmetic3A_404 = arith.shrsi %bitcast3A_401, %shift_right_arithmetic3A_403 : vector<16xi32>
          %sub3A_405 = arith.constant 1597463007 : i32
          %sub3A_406 = vector.broadcast %sub3A_405 : i32 to vector<16xi32>
          %sub3A_407 = arith.subi %sub3A_406, %shift_right_arithmetic3A_404 : vector<16xi32>
          %bitcast3A_408 = vector.bitcast %sub3A_407 : vector<16xi32> to vector<16xf32>
          %mul3A_409 = arith.constant 5.000000e-01 : f32
          %mul3A_410 = vector.broadcast %mul3A_409 : f32 to vector<16xf32>
          %mul3A_411 = arith.mulf %mul3A_410, %add3A_400 : vector<16xf32>
          %mul3A_412 = arith.mulf %mul3A_411, %bitcast3A_408 : vector<16xf32>
          %mul3A_413 = arith.mulf %mul3A_412, %bitcast3A_408 : vector<16xf32>
          %sub3A_414 = arith.constant 1.500000e+00 : f32
          %sub3A_415 = vector.broadcast %sub3A_414 : f32 to vector<16xf32>
          %sub3A_416 = arith.subf %sub3A_415, %mul3A_413 : vector<16xf32>
          %mul3A_417 = arith.mulf %bitcast3A_408, %sub3A_416 : vector<16xf32>
          %mul3A_418 = arith.constant 4.010000e-01 : f32
          %mul3A_419 = vector.broadcast %mul3A_418 : f32 to vector<16xf32>
          %mul3A_420 = arith.mulf %mul3A_419, %get3A_359 : vector<16xf32>
          %mul3A_421 = arith.constant 0.188658476 : f32
          %mul3A_422 = vector.broadcast %mul3A_421 : f32 to vector<16xf32>
          %mul3A_423 = arith.mulf %mul3A_422, %mul3A_397 : vector<16xf32>
          %add3A_424 = arith.addf %get3A_359, %mul3A_423 : vector<16xf32>
          %div3A_425 = arith.constant 1.000000e+00 : f32
          %div3A_426 = vector.broadcast %div3A_425 : f32 to vector<16xf32>
          %div3A_427 = arith.divf %div3A_426, %add3A_424 : vector<16xf32>
          %mul3A_428 = arith.mulf %get3A_359, %div3A_427 : vector<16xf32>
          %mul3A_429 = arith.constant 4.704700e-01 : f32
          %mul3A_430 = vector.broadcast %mul3A_429 : f32 to vector<16xf32>
          %mul3A_431 = arith.mulf %mul3A_430, %mul3A_420 : vector<16xf32>
          %add3A_432 = arith.constant 1.000000e+00 : f32
          %add3A_433 = vector.broadcast %add3A_432 : f32 to vector<16xf32>
          %add3A_434 = arith.addf %add3A_433, %mul3A_431 : vector<16xf32>
          %mul3A_435 = arith.mulf %add3A_434, %div3A_427 : vector<16xf32>
          %mul3A_436 = arith.constant 0.747855603 : f32
          %mul3A_437 = vector.broadcast %mul3A_436 : f32 to vector<16xf32>
          %mul3A_438 = arith.mulf %mul3A_428, %mul3A_437 : vector<16xf32>
          %add3A_439 = arith.constant -9.587980e-02 : f32
          %add3A_440 = vector.broadcast %add3A_439 : f32 to vector<16xf32>
          %add3A_441 = arith.addf %add3A_440, %mul3A_438 : vector<16xf32>
          %mul3A_442 = arith.mulf %mul3A_428, %add3A_441 : vector<16xf32>
          %add3A_443 = arith.constant 0.348024189 : f32
          %add3A_444 = vector.broadcast %add3A_443 : f32 to vector<16xf32>
          %add3A_445 = arith.addf %add3A_444, %mul3A_442 : vector<16xf32>
          %mul3A_446 = arith.mulf %mul3A_428, %add3A_445 : vector<16xf32>
          %neg3A_447 = arith.constant 0.000000e+00 : f32
          %neg3A_448 = vector.broadcast %neg3A_447 : f32 to vector<16xf32>
          %neg3A_449 = arith.subf %neg3A_448, %mul3A_420 : vector<16xf32>
          %mul3A_450 = arith.mulf %neg3A_449, %mul3A_420 : vector<16xf32>
          %exp3A_451 = math.exp %mul3A_450 : vector<16xf32>
          %mul3A_452 = arith.mulf %mul3A_446, %exp3A_451 : vector<16xf32>
          %mul3A_453 = arith.mulf %gather3A_360, %gather3A_361 : vector<16xf32>
          %sub3A_454 = arith.subf %mul3A_417, %mul3A_435 : vector<16xf32>
          %mul3A_455 = arith.mulf %select_n3A_396, %sub3A_454 : vector<16xf32>
          %add3A_456 = arith.addf %mul3A_435, %mul3A_455 : vector<16xf32>
          %mul3A_457 = arith.mulf %mul3A_453, %add3A_456 : vector<16xf32>
          %mul3A_458 = arith.mulf %mul3A_457, %mul3A_452 : vector<16xf32>
          %ge3A_459 = arith.cmpi sge, %get3A_351, %broadcast_in_dim3A_138 : vector<16xi32>
          %lt3A_460 = arith.cmpi slt, %get3A_351, %broadcast_in_dim3A_141 : vector<16xi32>
          %and3A_461 = arith.andi %ge3A_459, %lt3A_460 : vector<16xi1>
          %sub3A_462 = arith.subi %get3A_351, %broadcast_in_dim3A_138 : vector<16xi32>
          %jit3A_463 = arith.constant 0 : i32
          %jit3A_464 = arith.constant 3135 : i32
          %max3A_465 = vector.broadcast %jit3A_463 : i32 to vector<16xi32>
          %max3A_466 = arith.maxsi %max3A_465, %sub3A_462 : vector<16xi32>
          %min3A_467 = vector.broadcast %jit3A_464 : i32 to vector<16xi32>
          %min3A_468 = arith.minsi %min3A_467, %max3A_466 : vector<16xi32>
          tpu.vector_store_idx %arg9[%min3A_468], %mul3A_458 masked %and3A_461 {add = true} : memref<3136xf32, #tpu.memory_space<vmem>>[vector<16xi32>], vector<16xf32>, vector<16xi1>
          %mul3A_469 = arith.constant 4 : i32
          %mul3A_470 = arith.muli %mul3A_469, %scan3A_226 : i32
          %add3A_471 = arith.constant 2 : i32
          %add3A_472 = arith.addi %mul3A_470, %add3A_471 : i32
          %mul3A_473 = arith.constant 16 : i32
          %mul3A_474 = arith.muli %add3A_472, %mul3A_473 : i32
          %get3A_475 = arith.index_cast %mul3A_474 : i32 to index
          %get3A_476 = tpu.vector_load %arg15[%get3A_475] {strides = array<i32>} : memref<3200xi32, #tpu.memory_space<vmem>>, vector<16xi32>,
          %mul3A_477 = arith.constant 16 : i32
          %mul3A_478 = arith.muli %add3A_472, %mul3A_477 : i32
          %get3A_479 = arith.index_cast %mul3A_478 : i32 to index
          %get3A_480 = tpu.vector_load %arg16[%get3A_479] {strides = array<i32>} : memref<3200xi32, #tpu.memory_space<vmem>>, vector<16xi32>,
          %mul3A_481 = arith.constant 16 : i32
          %mul3A_482 = arith.muli %add3A_472, %mul3A_481 : i32
          %get3A_483 = arith.index_cast %mul3A_482 : i32 to index
          %get3A_484 = tpu.vector_load %arg14[%get3A_483] {strides = array<i32>} : memref<3200xf32, #tpu.memory_space<vmem>>, vector<16xf32>,
          %gather3A_485 = tpu.vector_load_idx %arg8[%get3A_476] : memref<100000xf32, #tpu.memory_space<vmem>>[vector<16xi32>], vector<16xf32>,
          %gather3A_486 = tpu.vector_load_idx %arg8[%get3A_480] : memref<100000xf32, #tpu.memory_space<vmem>>[vector<16xi32>], vector<16xf32>,
          %sub3A_487 = arith.constant 2.500000e+00 : f32
          %sub3A_488 = vector.broadcast %sub3A_487 : f32 to vector<16xf32>
          %sub3A_489 = arith.subf %get3A_484, %sub3A_488 : vector<16xf32>
          %mul3A_490 = arith.constant 2.000000e-01 : f32
          %mul3A_491 = vector.broadcast %mul3A_490 : f32 to vector<16xf32>
          %mul3A_492 = arith.mulf %sub3A_489, %mul3A_491 : vector<16xf32>
          %add3A_493 = arith.addf %mul3A_492, %mul3A_492 : vector<16xf32>
          %sub3A_494 = arith.constant 1.000000e+00 : f32
          %sub3A_495 = vector.broadcast %sub3A_494 : f32 to vector<16xf32>
          %sub3A_496 = arith.subf %add3A_493, %sub3A_495 : vector<16xf32>
          %mul3A_497 = arith.mulf %mul3A_492, %mul3A_492 : vector<16xf32>
          %sub3A_498 = arith.subf %mul3A_492, %mul3A_497 : vector<16xf32>
          %div3A_499 = arith.divf %sub3A_496, %sub3A_498 : vector<16xf32>
          %min3A_500 = arith.constant 8.000000e+01 : f32
          %min3A_501 = vector.broadcast %min3A_500 : f32 to vector<16xf32>
          %min3A_502 = arith.minimumf %div3A_499, %min3A_501 : vector<16xf32>
          %exp3A_503 = math.exp %min3A_502 : vector<16xf32>
          %add3A_504 = arith.constant 1.000000e+00 : f32
          %add3A_505 = vector.broadcast %add3A_504 : f32 to vector<16xf32>
          %add3A_506 = arith.addf %add3A_505, %exp3A_503 : vector<16xf32>
          %div3A_507 = arith.constant 1.000000e+00 : f32
          %div3A_508 = vector.broadcast %div3A_507 : f32 to vector<16xf32>
          %div3A_509 = arith.divf %div3A_508, %add3A_506 : vector<16xf32>
          %le3A_510 = arith.constant 0.000000e+00 : f32
          %le3A_511 = vector.broadcast %le3A_510 : f32 to vector<16xf32>
          %le3A_512 = arith.cmpf ole, %mul3A_492, %le3A_511 : vector<16xf32>
          %ge3A_513 = arith.constant 1.000000e+00 : f32
          %ge3A_514 = vector.broadcast %ge3A_513 : f32 to vector<16xf32>
          %ge3A_515 = arith.cmpf oge, %mul3A_492, %ge3A_514 : vector<16xf32>
          %jit3A_516 = arith.constant 0.000000e+00 : f32
          %broadcast_in_dim3A_517 = vector.broadcast %jit3A_516 : f32 to vector<16xf32>
          %select_n3A_518 = arith.select %ge3A_515, %broadcast_in_dim3A_517, %div3A_509 : vector<16xi1>, vector<16xf32>
          %jit3A_519 = arith.constant 1.000000e+00 : f32
          %broadcast_in_dim3A_520 = vector.broadcast %jit3A_519 : f32 to vector<16xf32>
          %select_n3A_521 = arith.select %le3A_512, %broadcast_in_dim3A_520, %select_n3A_518 : vector<16xi1>, vector<16xf32>
          %mul3A_522 = arith.mulf %get3A_484, %get3A_484 : vector<16xf32>
          %add3A_523 = arith.constant 1.000000e+00 : f32
          %add3A_524 = vector.broadcast %add3A_523 : f32 to vector<16xf32>
          %add3A_525 = arith.addf %mul3A_522, %add3A_524 : vector<16xf32>
          %bitcast3A_526 = vector.bitcast %add3A_525 : vector<16xf32> to vector<16xi32>
          %shift_right_arithmetic3A_527 = arith.constant 1 : i32
          %shift_right_arithmetic3A_528 = vector.broadcast %shift_right_arithmetic3A_527 : i32 to vector<16xi32>
          %shift_right_arithmetic3A_529 = arith.shrsi %bitcast3A_526, %shift_right_arithmetic3A_528 : vector<16xi32>
          %sub3A_530 = arith.constant 1597463007 : i32
          %sub3A_531 = vector.broadcast %sub3A_530 : i32 to vector<16xi32>
          %sub3A_532 = arith.subi %sub3A_531, %shift_right_arithmetic3A_529 : vector<16xi32>
          %bitcast3A_533 = vector.bitcast %sub3A_532 : vector<16xi32> to vector<16xf32>
          %mul3A_534 = arith.constant 5.000000e-01 : f32
          %mul3A_535 = vector.broadcast %mul3A_534 : f32 to vector<16xf32>
          %mul3A_536 = arith.mulf %mul3A_535, %add3A_525 : vector<16xf32>
          %mul3A_537 = arith.mulf %mul3A_536, %bitcast3A_533 : vector<16xf32>
          %mul3A_538 = arith.mulf %mul3A_537, %bitcast3A_533 : vector<16xf32>
          %sub3A_539 = arith.constant 1.500000e+00 : f32
          %sub3A_540 = vector.broadcast %sub3A_539 : f32 to vector<16xf32>
          %sub3A_541 = arith.subf %sub3A_540, %mul3A_538 : vector<16xf32>
          %mul3A_542 = arith.mulf %bitcast3A_533, %sub3A_541 : vector<16xf32>
          %mul3A_543 = arith.constant 4.010000e-01 : f32
          %mul3A_544 = vector.broadcast %mul3A_543 : f32 to vector<16xf32>
          %mul3A_545 = arith.mulf %mul3A_544, %get3A_484 : vector<16xf32>
          %mul3A_546 = arith.constant 0.188658476 : f32
          %mul3A_547 = vector.broadcast %mul3A_546 : f32 to vector<16xf32>
          %mul3A_548 = arith.mulf %mul3A_547, %mul3A_522 : vector<16xf32>
          %add3A_549 = arith.addf %get3A_484, %mul3A_548 : vector<16xf32>
          %div3A_550 = arith.constant 1.000000e+00 : f32
          %div3A_551 = vector.broadcast %div3A_550 : f32 to vector<16xf32>
          %div3A_552 = arith.divf %div3A_551, %add3A_549 : vector<16xf32>
          %mul3A_553 = arith.mulf %get3A_484, %div3A_552 : vector<16xf32>
          %mul3A_554 = arith.constant 4.704700e-01 : f32
          %mul3A_555 = vector.broadcast %mul3A_554 : f32 to vector<16xf32>
          %mul3A_556 = arith.mulf %mul3A_555, %mul3A_545 : vector<16xf32>
          %add3A_557 = arith.constant 1.000000e+00 : f32
          %add3A_558 = vector.broadcast %add3A_557 : f32 to vector<16xf32>
          %add3A_559 = arith.addf %add3A_558, %mul3A_556 : vector<16xf32>
          %mul3A_560 = arith.mulf %add3A_559, %div3A_552 : vector<16xf32>
          %mul3A_561 = arith.constant 0.747855603 : f32
          %mul3A_562 = vector.broadcast %mul3A_561 : f32 to vector<16xf32>
          %mul3A_563 = arith.mulf %mul3A_553, %mul3A_562 : vector<16xf32>
          %add3A_564 = arith.constant -9.587980e-02 : f32
          %add3A_565 = vector.broadcast %add3A_564 : f32 to vector<16xf32>
          %add3A_566 = arith.addf %add3A_565, %mul3A_563 : vector<16xf32>
          %mul3A_567 = arith.mulf %mul3A_553, %add3A_566 : vector<16xf32>
          %add3A_568 = arith.constant 0.348024189 : f32
          %add3A_569 = vector.broadcast %add3A_568 : f32 to vector<16xf32>
          %add3A_570 = arith.addf %add3A_569, %mul3A_567 : vector<16xf32>
          %mul3A_571 = arith.mulf %mul3A_553, %add3A_570 : vector<16xf32>
          %neg3A_572 = arith.constant 0.000000e+00 : f32
          %neg3A_573 = vector.broadcast %neg3A_572 : f32 to vector<16xf32>
          %neg3A_574 = arith.subf %neg3A_573, %mul3A_545 : vector<16xf32>
          %mul3A_575 = arith.mulf %neg3A_574, %mul3A_545 : vector<16xf32>
          %exp3A_576 = math.exp %mul3A_575 : vector<16xf32>
          %mul3A_577 = arith.mulf %mul3A_571, %exp3A_576 : vector<16xf32>
          %mul3A_578 = arith.mulf %gather3A_485, %gather3A_486 : vector<16xf32>
          %sub3A_579 = arith.subf %mul3A_542, %mul3A_560 : vector<16xf32>
          %mul3A_580 = arith.mulf %select_n3A_521, %sub3A_579 : vector<16xf32>
          %add3A_581 = arith.addf %mul3A_560, %mul3A_580 : vector<16xf32>
          %mul3A_582 = arith.mulf %mul3A_578, %add3A_581 : vector<16xf32>
          %mul3A_583 = arith.mulf %mul3A_582, %mul3A_577 : vector<16xf32>
          %ge3A_584 = arith.cmpi sge, %get3A_476, %broadcast_in_dim3A_138 : vector<16xi32>
          %lt3A_585 = arith.cmpi slt, %get3A_476, %broadcast_in_dim3A_141 : vector<16xi32>
          %and3A_586 = arith.andi %ge3A_584, %lt3A_585 : vector<16xi1>
          %sub3A_587 = arith.subi %get3A_476, %broadcast_in_dim3A_138 : vector<16xi32>
          %jit3A_588 = arith.constant 0 : i32
          %jit3A_589 = arith.constant 3135 : i32
          %max3A_590 = vector.broadcast %jit3A_588 : i32 to vector<16xi32>
          %max3A_591 = arith.maxsi %max3A_590, %sub3A_587 : vector<16xi32>
          %min3A_592 = vector.broadcast %jit3A_589 : i32 to vector<16xi32>
          %min3A_593 = arith.minsi %min3A_592, %max3A_591 : vector<16xi32>
          tpu.vector_store_idx %arg9[%min3A_593], %mul3A_583 masked %and3A_586 {add = true} : memref<3136xf32, #tpu.memory_space<vmem>>[vector<16xi32>], vector<16xf32>, vector<16xi1>
          %mul3A_594 = arith.constant 4 : i32
          %mul3A_595 = arith.muli %mul3A_594, %scan3A_226 : i32
          %add3A_596 = arith.constant 3 : i32
          %add3A_597 = arith.addi %mul3A_595, %add3A_596 : i32
          %mul3A_598 = arith.constant 16 : i32
          %mul3A_599 = arith.muli %add3A_597, %mul3A_598 : i32
          %get3A_600 = arith.index_cast %mul3A_599 : i32 to index
          %get3A_601 = tpu.vector_load %arg15[%get3A_600] {strides = array<i32>} : memref<3200xi32, #tpu.memory_space<vmem>>, vector<16xi32>,
          %mul3A_602 = arith.constant 16 : i32
          %mul3A_603 = arith.muli %add3A_597, %mul3A_602 : i32
          %get3A_604 = arith.index_cast %mul3A_603 : i32 to index
          %get3A_605 = tpu.vector_load %arg16[%get3A_604] {strides = array<i32>} : memref<3200xi32, #tpu.memory_space<vmem>>, vector<16xi32>,
          %mul3A_606 = arith.constant 16 : i32
          %mul3A_607 = arith.muli %add3A_597, %mul3A_606 : i32
          %get3A_608 = arith.index_cast %mul3A_607 : i32 to index
          %get3A_609 = tpu.vector_load %arg14[%get3A_608] {strides = array<i32>} : memref<3200xf32, #tpu.memory_space<vmem>>, vector<16xf32>,
          %gather3A_610 = tpu.vector_load_idx %arg8[%get3A_601] : memref<100000xf32, #tpu.memory_space<vmem>>[vector<16xi32>], vector<16xf32>,
          %gather3A_611 = tpu.vector_load_idx %arg8[%get3A_605] : memref<100000xf32, #tpu.memory_space<vmem>>[vector<16xi32>], vector<16xf32>,
          %sub3A_612 = arith.constant 2.500000e+00 : f32
          %sub3A_613 = vector.broadcast %sub3A_612 : f32 to vector<16xf32>
          %sub3A_614 = arith.subf %get3A_609, %sub3A_613 : vector<16xf32>
          %mul3A_615 = arith.constant 2.000000e-01 : f32
          %mul3A_616 = vector.broadcast %mul3A_615 : f32 to vector<16xf32>
          %mul3A_617 = arith.mulf %sub3A_614, %mul3A_616 : vector<16xf32>
          %add3A_618 = arith.addf %mul3A_617, %mul3A_617 : vector<16xf32>
          %sub3A_619 = arith.constant 1.000000e+00 : f32
          %sub3A_620 = vector.broadcast %sub3A_619 : f32 to vector<16xf32>
          %sub3A_621 = arith.subf %add3A_618, %sub3A_620 : vector<16xf32>
          %mul3A_622 = arith.mulf %mul3A_617, %mul3A_617 : vector<16xf32>
          %sub3A_623 = arith.subf %mul3A_617, %mul3A_622 : vector<16xf32>
          %div3A_624 = arith.divf %sub3A_621, %sub3A_623 : vector<16xf32>
          %min3A_625 = arith.constant 8.000000e+01 : f32
          %min3A_626 = vector.broadcast %min3A_625 : f32 to vector<16xf32>
          %min3A_627 = arith.minimumf %div3A_624, %min3A_626 : vector<16xf32>
          %exp3A_628 = math.exp %min3A_627 : vector<16xf32>
          %add3A_629 = arith.constant 1.000000e+00 : f32
          %add3A_630 = vector.broadcast %add3A_629 : f32 to vector<16xf32>
          %add3A_631 = arith.addf %add3A_630, %exp3A_628 : vector<16xf32>
          %div3A_632 = arith.constant 1.000000e+00 : f32
          %div3A_633 = vector.broadcast %div3A_632 : f32 to vector<16xf32>
          %div3A_634 = arith.divf %div3A_633, %add3A_631 : vector<16xf32>
          %le3A_635 = arith.constant 0.000000e+00 : f32
          %le3A_636 = vector.broadcast %le3A_635 : f32 to vector<16xf32>
          %le3A_637 = arith.cmpf ole, %mul3A_617, %le3A_636 : vector<16xf32>
          %ge3A_638 = arith.constant 1.000000e+00 : f32
          %ge3A_639 = vector.broadcast %ge3A_638 : f32 to vector<16xf32>
          %ge3A_640 = arith.cmpf oge, %mul3A_617, %ge3A_639 : vector<16xf32>
          %jit3A_641 = arith.constant 0.000000e+00 : f32
          %broadcast_in_dim3A_642 = vector.broadcast %jit3A_641 : f32 to vector<16xf32>
          %select_n3A_643 = arith.select %ge3A_640, %broadcast_in_dim3A_642, %div3A_634 : vector<16xi1>, vector<16xf32>
          %jit3A_644 = arith.constant 1.000000e+00 : f32
          %broadcast_in_dim3A_645 = vector.broadcast %jit3A_644 : f32 to vector<16xf32>
          %select_n3A_646 = arith.select %le3A_637, %broadcast_in_dim3A_645, %select_n3A_643 : vector<16xi1>, vector<16xf32>
          %mul3A_647 = arith.mulf %get3A_609, %get3A_609 : vector<16xf32>
          %add3A_648 = arith.constant 1.000000e+00 : f32
          %add3A_649 = vector.broadcast %add3A_648 : f32 to vector<16xf32>
          %add3A_650 = arith.addf %mul3A_647, %add3A_649 : vector<16xf32>
          %bitcast3A_651 = vector.bitcast %add3A_650 : vector<16xf32> to vector<16xi32>
          %shift_right_arithmetic3A_652 = arith.constant 1 : i32
          %shift_right_arithmetic3A_653 = vector.broadcast %shift_right_arithmetic3A_652 : i32 to vector<16xi32>
          %shift_right_arithmetic3A_654 = arith.shrsi %bitcast3A_651, %shift_right_arithmetic3A_653 : vector<16xi32>
          %sub3A_655 = arith.constant 1597463007 : i32
          %sub3A_656 = vector.broadcast %sub3A_655 : i32 to vector<16xi32>
          %sub3A_657 = arith.subi %sub3A_656, %shift_right_arithmetic3A_654 : vector<16xi32>
          %bitcast3A_658 = vector.bitcast %sub3A_657 : vector<16xi32> to vector<16xf32>
          %mul3A_659 = arith.constant 5.000000e-01 : f32
          %mul3A_660 = vector.broadcast %mul3A_659 : f32 to vector<16xf32>
          %mul3A_661 = arith.mulf %mul3A_660, %add3A_650 : vector<16xf32>
          %mul3A_662 = arith.mulf %mul3A_661, %bitcast3A_658 : vector<16xf32>
          %mul3A_663 = arith.mulf %mul3A_662, %bitcast3A_658 : vector<16xf32>
          %sub3A_664 = arith.constant 1.500000e+00 : f32
          %sub3A_665 = vector.broadcast %sub3A_664 : f32 to vector<16xf32>
          %sub3A_666 = arith.subf %sub3A_665, %mul3A_663 : vector<16xf32>
          %mul3A_667 = arith.mulf %bitcast3A_658, %sub3A_666 : vector<16xf32>
          %mul3A_668 = arith.constant 4.010000e-01 : f32
          %mul3A_669 = vector.broadcast %mul3A_668 : f32 to vector<16xf32>
          %mul3A_670 = arith.mulf %mul3A_669, %get3A_609 : vector<16xf32>
          %mul3A_671 = arith.constant 0.188658476 : f32
          %mul3A_672 = vector.broadcast %mul3A_671 : f32 to vector<16xf32>
          %mul3A_673 = arith.mulf %mul3A_672, %mul3A_647 : vector<16xf32>
          %add3A_674 = arith.addf %get3A_609, %mul3A_673 : vector<16xf32>
          %div3A_675 = arith.constant 1.000000e+00 : f32
          %div3A_676 = vector.broadcast %div3A_675 : f32 to vector<16xf32>
          %div3A_677 = arith.divf %div3A_676, %add3A_674 : vector<16xf32>
          %mul3A_678 = arith.mulf %get3A_609, %div3A_677 : vector<16xf32>
          %mul3A_679 = arith.constant 4.704700e-01 : f32
          %mul3A_680 = vector.broadcast %mul3A_679 : f32 to vector<16xf32>
          %mul3A_681 = arith.mulf %mul3A_680, %mul3A_670 : vector<16xf32>
          %add3A_682 = arith.constant 1.000000e+00 : f32
          %add3A_683 = vector.broadcast %add3A_682 : f32 to vector<16xf32>
          %add3A_684 = arith.addf %add3A_683, %mul3A_681 : vector<16xf32>
          %mul3A_685 = arith.mulf %add3A_684, %div3A_677 : vector<16xf32>
          %mul3A_686 = arith.constant 0.747855603 : f32
          %mul3A_687 = vector.broadcast %mul3A_686 : f32 to vector<16xf32>
          %mul3A_688 = arith.mulf %mul3A_678, %mul3A_687 : vector<16xf32>
          %add3A_689 = arith.constant -9.587980e-02 : f32
          %add3A_690 = vector.broadcast %add3A_689 : f32 to vector<16xf32>
          %add3A_691 = arith.addf %add3A_690, %mul3A_688 : vector<16xf32>
          %mul3A_692 = arith.mulf %mul3A_678, %add3A_691 : vector<16xf32>
          %add3A_693 = arith.constant 0.348024189 : f32
          %add3A_694 = vector.broadcast %add3A_693 : f32 to vector<16xf32>
          %add3A_695 = arith.addf %add3A_694, %mul3A_692 : vector<16xf32>
          %mul3A_696 = arith.mulf %mul3A_678, %add3A_695 : vector<16xf32>
          %neg3A_697 = arith.constant 0.000000e+00 : f32
          %neg3A_698 = vector.broadcast %neg3A_697 : f32 to vector<16xf32>
          %neg3A_699 = arith.subf %neg3A_698, %mul3A_670 : vector<16xf32>
          %mul3A_700 = arith.mulf %neg3A_699, %mul3A_670 : vector<16xf32>
          %exp3A_701 = math.exp %mul3A_700 : vector<16xf32>
          %mul3A_702 = arith.mulf %mul3A_696, %exp3A_701 : vector<16xf32>
          %mul3A_703 = arith.mulf %gather3A_610, %gather3A_611 : vector<16xf32>
          %sub3A_704 = arith.subf %mul3A_667, %mul3A_685 : vector<16xf32>
          %mul3A_705 = arith.mulf %select_n3A_646, %sub3A_704 : vector<16xf32>
          %add3A_706 = arith.addf %mul3A_685, %mul3A_705 : vector<16xf32>
          %mul3A_707 = arith.mulf %mul3A_703, %add3A_706 : vector<16xf32>
          %mul3A_708 = arith.mulf %mul3A_707, %mul3A_702 : vector<16xf32>
          %ge3A_709 = arith.cmpi sge, %get3A_601, %broadcast_in_dim3A_138 : vector<16xi32>
          %lt3A_710 = arith.cmpi slt, %get3A_601, %broadcast_in_dim3A_141 : vector<16xi32>
          %and3A_711 = arith.andi %ge3A_709, %lt3A_710 : vector<16xi1>
          %sub3A_712 = arith.subi %get3A_601, %broadcast_in_dim3A_138 : vector<16xi32>
          %jit3A_713 = arith.constant 0 : i32
          %jit3A_714 = arith.constant 3135 : i32
          %max3A_715 = vector.broadcast %jit3A_713 : i32 to vector<16xi32>
          %max3A_716 = arith.maxsi %max3A_715, %sub3A_712 : vector<16xi32>
          %min3A_717 = vector.broadcast %jit3A_714 : i32 to vector<16xi32>
          %min3A_718 = arith.minsi %min3A_717, %max3A_716 : vector<16xi32>
          tpu.vector_store_idx %arg9[%min3A_718], %mul3A_708 masked %and3A_711 {add = true} : memref<3136xf32, #tpu.memory_space<vmem>>[vector<16xi32>], vector<16xf32>, vector<16xi1>
        }
        %scan3A_225 = arith.constant 50 : i32
      } else {
      }
    }
    "tpu.region"() ({
      %run_scoped3A = tpu.sem_alloc : memref<!tpu.dma_semaphore, #tpu.memory_space<semaphore_mem>>
      %dma_start3A = arith.constant 0 : i32
      %dma_start3A_179 = tpu.memref_slice %arg7[%add3A, %dma_start3A] : memref<32x3136xf32, #tpu.memory_space<hbm>> -> memref<1x3136xf32, #tpu.memory_space<hbm>>
      %dma_start3A_180 = tpu.memref_squeeze %dma_start3A_179 : memref<1x3136xf32, #tpu.memory_space<hbm>> -> memref<3136xf32, #tpu.memory_space<hbm>>
      %dma_start3A_181 = arith.constant 0 : i32
      %dma_start3A_182 = tpu.memref_slice %arg7[%add3A, %dma_start3A_181] : memref<32x3136xf32, #tpu.memory_space<hbm>> -> memref<1x3136xf32, #tpu.memory_space<hbm>>
      %dma_start3A_183 = tpu.memref_squeeze %dma_start3A_182 : memref<1x3136xf32, #tpu.memory_space<hbm>> -> memref<3136xf32, #tpu.memory_space<hbm>>
      tpu.enqueue_dma source(%arg9 : memref<3136xf32, #tpu.memory_space<vmem>>) target(%dma_start3A_183 : memref<3136xf32, #tpu.memory_space<hbm>>) target_semaphore(%run_scoped3A : memref<!tpu.dma_semaphore, #tpu.memory_space<semaphore_mem>>)
      %dma_wait3A = arith.constant 0 : i32
      %dma_wait3A_184 = tpu.memref_slice %arg7[%add3A, %dma_wait3A] : memref<32x3136xf32, #tpu.memory_space<hbm>> -> memref<1x3136xf32, #tpu.memory_space<hbm>>
      %dma_wait3A_185 = tpu.memref_squeeze %dma_wait3A_184 : memref<1x3136xf32, #tpu.memory_space<hbm>> -> memref<3136xf32, #tpu.memory_space<hbm>>
      %dma_wait3A_186 = arith.constant 0 : i32
      %dma_wait3A_187 = tpu.memref_slice %arg7[%add3A, %dma_wait3A_186] : memref<32x3136xf32, #tpu.memory_space<hbm>> -> memref<1x3136xf32, #tpu.memory_space<hbm>>
      %dma_wait3A_188 = tpu.memref_squeeze %dma_wait3A_187 : memref<1x3136xf32, #tpu.memory_space<hbm>> -> memref<3136xf32, #tpu.memory_space<hbm>>
      tpu.wait_dma2 semaphore(%run_scoped3A : memref<!tpu.dma_semaphore, #tpu.memory_space<semaphore_mem>>) src(%arg9 : memref<3136xf32, #tpu.memory_space<vmem>>) dst(%dma_wait3A_188 : memref<3136xf32, #tpu.memory_space<hbm>>)
      tpu.yield
    }) : () -> ()
    return
  }
}

</mosaic_0001>

<sc_bundles>
// kernel: kernel.3.cloned.1.call-start
scs
__scs_entry_jumppad:
0x0: {  	(pc) =	sbr.rel $0x88, $3  }
0x1: {  	(tag) =	ssettag $0x0;
	lr =	simm.s32 $0x1  }
0x2: {  	[smem:$0x3F9D] =	sst lr;
	_ =	strace $0xD0000000  }
0x3: {  	_ = 	snop  }
0x4: {  	_ = 	snop  }
0x5: {  	_ = 	snop  }
0x6: {  	_ = 	snop  }
0x7: {  	_ = 	snop  }
__scs_overlays_trampoline_lowered:
0x8: {  	[smem:$0x3FAC] =	sst s0  }
0x9: {  	[smem:$0x3FAD] =	sst s1  }
0xa: {  	[smem:$0x3FAE] =	sst s2  }
0xb: {  	[smem:$0x3FAF] =	sst s3  }
0xc: {  	[smem:$0x3FB0] =	sst s4  }
0xd: {  	[smem:$0x3FB1] =	sst s5  }
0xe: {  	[smem:$0x3FB2] =	sst s6  }
0xf: {  	[smem:$0x3FB3] =	sst s7  }
0x10: {  	[smem:$0x3FB4] =	sst s8  }
0x11: {  	[smem:$0x3FB5] =	sst s9;
	s0 =	simm.s32 @!p0 $0x0  }
0x12: {  	s1 =	sld [smem:$0x3F9B];
	s0 =	simm.s32 @p0 $0x1  }
0x13: {  	[smem:$0x3FB6] =	sst s0;
	s0 =	simm.s32 @!p1 $0x0  }
0x14: {  	s2 =	sld [smem:$0x3F9A];
	s0 =	simm.s32 @p1 $0x1  }
0x15: {  	[smem:$0x3FB7] =	sst s0;
	s0 =	simm.s32 @!p2 $0x0  }
0x16: {  	s3 =	sld [smem:$0x3FDB];
	s0 =	simm.s32 @p2 $0x1  }
0x17: {  	s4 =	simm.s32 $0x1BF5;
	[smem:$0x3FB9] =	sst s0  }
0x18: {  	s0 =	sld [smem:$0x3F9C];
	_ =	swait.ge [sflag:s4], $0x0  }
0x19: {  	s7 =	sld [smem:$0x3F9D]  }
0x1a: {  	s8 =	sadd.s32 $0xFFFFE003, lr  }
0x1b: {  	s9 =	sadd.s32 $0xFFFFFEF7, lr;
	s5 =	simm.s32 $0xFFFFFFFF;
	p2 =	slt.u32 s8, $0xFFFFF086  }
0x1c: {  	p1 =	slt.u32 s9, $0xF7A;
	s5 =	simm.s32 @!p2 $0x0  }
0x1d: {  	s5 =	simm.s32 @p1 $0x1;
	p0 =	seq.s32 s7, s2  }
0x1e: {  	s7 =	smul.u32 @!p0 $0xF7A, s2;
	p2 =	seq.s32 @!p0 s5, $0x0  }
0x1f: {  	s9 =	smul.u32 $0xF7A, s1;
	s8 =	simm.s32 @!p0 $0x1BF5;
	p2 =	por !p2, p0  }
0x20: {  	[sflag:s8] =	ssyncset.s32 @!p0 $0xFFFFF086;
	s6 =	sadd.s32 @!p0 s3, s7;
	s7 =	simm.s32 @!p0 $0x108  }
0x21: {  	s3 =	sadd.s32 s3, s9;
	s6 =	sadd.s32 @!p0 $0x88, s6;
	s7 =	simm.s32 @p2 $0x1082  }
0x22: {  	[simem:s7], [sflag:s8] =	dma.local @!p0 [hbm:s6], $0xF7A  }
0x23: {  	s9 =	sor.u32 $0xD0000000, s2;
	s6 =	simm.s32 $0x108;
	_ =	swait.ge @!p0 [sflag:s8], $0x0  }
0x24: {  	s3 =	sadd.s32 $0x88, s3;
	s6 =	simm.s32 @!p1 $0x1082;
	[sflag:s4] =	ssyncset.s32 $0xFFFFF086  }
0x25: {  	[simem:s6], [sflag:s4] =	dma.local [hbm:s3], $0xF7A  }
0x26: {  	[smem:$0x3F9D] =	sst s1;
	(tag) =	ssettag s2;
	_ =	strace s9  }
0x27: {  	s1 =	sld [smem:$0x3FAD]  }
0x28: {  	s2 =	sld [smem:$0x3FAE]  }
0x29: {  	s4 =	sld [smem:$0x3FB0]  }
0x2a: {  	p0 =	seq.s32 s5, $0x0;
	s5 =	sld [smem:$0x3FB1]  }
0x2b: {  	s6 =	sld [smem:$0x3FB2]  }
0x2c: {  	s7 =	sld [smem:$0x3FB3]  }
0x2d: {  	s3 =	simm.s32 $0x108;
	s8 =	sld [smem:$0x3FB4]  }
0x2e: {  	s3 =	simm.s32 @!p0 $0x1082;
	s9 =	sld [smem:$0x3FB5]  }
0x2f: {  	lr =	sadd.s32 s0, s3;
	s0 =	sld [smem:$0x3FAC]  }
0x30: {  	s3 =	sld [smem:$0x3FAF]  }
0x31: {  	[smem:$0x3FB8] =	sst s10  }
0x32: {  	s10 =	sld [smem:$0x3FB6];
	_ =	sdelay $0x3  }
0x33: {  	p0 =	seq.s32 s10, $0x1;
	s10 =	sld [smem:$0x3FB8];
	_ =	sdelay $0x3  }
0x34: {  	[smem:$0x3FB8] =	sst s10  }
0x35: {  	s10 =	sld [smem:$0x3FB7];
	_ =	sdelay $0x3  }
0x36: {  	p1 =	seq.s32 s10, $0x1;
	s10 =	sld [smem:$0x3FB8];
	_ =	sdelay $0x3  }
0x37: {  	[smem:$0x3FB8] =	sst s10  }
0x38: {  	s10 =	sld [smem:$0x3FB9]  }
0x39: {  	_ = 	snop;
	(pc) =	sbr.ind lr, $3  }
0x3a: {  	_ = 	snop  }
0x3b: {  	_ = 	snop  }
0x3c: {  	p2 =	seq.s32 s10, $0x1;
	s10 =	sld [smem:$0x3FB8]  }
0x3d: {  	_ =	shalt  }
0x3e: {  	_ =	shalt  }
0x3f: {  	_ =	shalt  }
0x40: {  	_ =	shalt  }
0x41: {  	_ =	shalt  }
0x42: {  	_ =	shalt  }
0x43: {  	_ =	shalt  }
0x44: {  	_ =	shalt  }
0x45: {  	_ =	shalt  }
0x46: {  	_ =	shalt  }
0x47: {  	_ =	shalt  }
0x48: {  	_ =	shalt  }
0x49: {  	_ =	shalt  }
0x4a: {  	_ =	shalt  }
0x4b: {  	_ =	shalt  }
0x4c: {  	_ =	shalt  }
0x4d: {  	_ =	shalt  }
0x4e: {  	_ =	shalt  }
0x4f: {  	_ =	shalt  }
0x50: {  	_ =	shalt  }
0x51: {  	_ =	shalt  }
0x52: {  	_ =	shalt  }
0x53: {  	_ =	shalt  }
0x54: {  	_ =	shalt  }
0x55: {  	_ =	shalt  }
0x56: {  	_ =	shalt  }
0x57: {  	_ =	shalt  }
0x58: {  	_ =	shalt  }
0x59: {  	_ =	shalt  }
0x5a: {  	_ =	shalt  }
0x5b: {  	_ =	shalt  }
0x5c: {  	_ =	shalt  }
0x5d: {  	_ =	shalt  }
0x5e: {  	_ =	shalt  }
0x5f: {  	_ =	shalt  }
0x60: {  	_ =	shalt  }
0x61: {  	_ =	shalt  }
0x62: {  	_ =	shalt  }
0x63: {  	_ =	shalt  }
0x64: {  	_ =	shalt  }
0x65: {  	_ =	shalt  }
0x66: {  	_ =	shalt  }
0x67: {  	_ =	shalt  }
0x68: {  	_ =	shalt  }
0x69: {  	_ =	shalt  }
0x6a: {  	_ =	shalt  }
0x6b: {  	_ =	shalt  }
0x6c: {  	_ =	shalt  }
0x6d: {  	_ =	shalt  }
0x6e: {  	_ =	shalt  }
0x6f: {  	_ =	shalt  }
0x70: {  	_ =	shalt  }
0x71: {  	_ =	shalt  }
0x72: {  	_ =	shalt  }
0x73: {  	_ =	shalt  }
0x74: {  	_ =	shalt  }
0x75: {  	_ =	shalt  }
0x76: {  	_ =	shalt  }
0x77: {  	_ =	shalt  }
0x78: {  	_ =	shalt  }
0x79: {  	_ =	shalt  }
0x7a: {  	_ =	shalt  }
0x7b: {  	_ =	shalt  }
0x7c: {  	_ =	shalt  }
0x7d: {  	_ =	shalt  }
0x7e: {  	_ =	shalt  }
0x7f: {  	_ =	shalt  }
0x80: {  	_ =	shalt  }
0x81: {  	_ =	shalt  }
0x82: {  	_ =	shalt  }
0x83: {  	_ =	shalt  }
0x84: {  	_ =	shalt  }
0x85: {  	_ =	shalt  }
0x86: {  	_ =	shalt  }
0x87: {  	_ =	shalt  }
.Lfunc_end0:
.L_simem_size_0:
called_computation_lowered:
.L_overlay_start_0:
0x88: {  	s2 =	sld [smem:$0x3FD9]  }
0x89: {  	s3 =	sld [smem:$0x3FFE];
	_ =	sdelay $0x1  }
0x8a: {  	s1 =	srdreg.scid  }
0x8b: {  	s0 =	sand.u32 $0x1, s1  }
0x8c: {  	s17 =	sshll.u32 s0, $0xA;
	s2 =	sadd.s32 s3, s2  }
0x8d: {  	s2 =	sadd.s32 s2, s17  }
0x8e: {  	[smem:$0x3FC4] =	sst s2  }
0x8f: {  	_ = 	snop  }
0x90: {  	s2 =	sld [smem:$0x3FC9]  }
0x91: {  	s18 =	sld [smem:$0x3FC8]  }
0x92: {  	s4 =	sld [smem:$0x3FC7]  }
0x93: {  	s5 =	sld [smem:$0x3FC6]  }
0x94: {  	s6 =	sld [smem:$0x3FD0];
	(tm) =	ssettm $0x1  }
0x95: {  	s7 =	sld [smem:$0x3FFB];
	_ =	sdelay $0x3  }
0x96: {  	_ =	strace s7  }
0x97: {  	s7 =	sld [smem:$0x3FFC];
	_ =	sdelay $0x3  }
0x98: {  	_ =	strace s7  }
0x99: {  	s7 =	sld [smem:$0x3FFD];
	_ =	sdelay $0x3  }
0x9a: {  	_ =	strace s7  }
0x9b: {  	_ =	strace $0x8FFFFFFF  }
0x9c: {  	s19 =	sld [smem:$0x3FDB];
	_ =	sdelay $0x1  }
0x9d: {  	s8 =	simm.s32 $_scs_section_size  }
0x9e: {  	s9 =	simm.s32 $_size__tile_overlayer_lowered;
	s10 =	simm.s32 $_tile_overlayer_lowered  }
0x9f: {  	s22 =	simm.s32 $0x1BFF;
	s21 =	sshll.u32 s10, $0x1;
	s7 =	sadd.s32 s8, s19  }
0xa0: {  	s11 =	simm.s32 $0x0;
	s20 =	sshll.u32 s9, $0x1;
	s9 =	sadd.s32 s21, s7  }
0xa1: {  	[timem:s11], [sflag:s22] =	dma.local [hbm:s9], s20  }
0xa2: {  	_ =	swait.ge [sflag:s22], s20  }
0xa3: {  	s8 =	ssub.s32 $0x0, s20;
	[sflag:s22] =	ssyncset.done $0x0  }
0xa4: {  	[sflag:s22] =	ssyncadd.s32 s8;
	_ =	sdelay $0x1  }
0xa5: {  	s23 =	simm.s32 $0x1B8B  }
0xa6: {  	_ =	swait.ge [sflag:s23], $0x1  }
0xa7: {  	[sflag:s23] =	ssyncset.done $0x0  }
0xa8: {  	s25 =	simm.s32 $0x1B8E;
	s24 =	sld [smem:$0x3FFE];
	[sflag:s23] =	ssyncadd.s32 $0xFFFFFFFF  }
0xa9: {  	s26 =	simm.s32 $execute0_lowered;
	[smem:$0x3FD2] =	sst s25  }
0xaa: {  	s9 =	sshll.u32 s26, $0x1;
	_ =	strace $0x80000046;
	[dreg:$0x1] =	wrdreg $0xFFFFFFFF  }
0xab: {  	s28 =	simm.s32 $_size_execute0_lowered;
	s7 =	sadd.s32 s7, s9;
	[dreg:$0x0] =	wrdreg $0x0  }
0xac: {  	s9 =	sshll.u32 s28, $0x1;
	[dreg:$0x2] =	wrdreg s7  }
0xad: {  	[dreg:$0x3] =	wrdreg s9  }
0xae: {  	[dreg:$0x4] =	wrdreg $0xC0  }
0xaf: {  	_ =	task [dreg:s11], $0x5FFFF  }
0xb0: {  	[dreg:$0x1] =	wrdreg $0xFFFFFFFF  }
0xb1: {  	[dreg:$0x0] =	wrdreg $0x60  }
0xb2: {  	[dreg:$0x2] =	wrdreg s2  }
0xb3: {  	[dreg:$0x3] =	wrdreg s18  }
0xb4: {  	[dreg:$0x4] =	wrdreg s4  }
0xb5: {  	[dreg:$0x5] =	wrdreg s5  }
0xb6: {  	[dreg:$0x6] =	wrdreg s6  }
0xb7: {  	[dreg:$0x7] =	wrdreg s24  }
0xb8: {  	[dreg:$0x8] =	wrdreg $0x9  }
0xb9: {  	_ =	task.clear_ibuf [dreg:s11], $0x9FFFF;
	_ =	strace $0x90000046  }
0xba: {  	s29 =	simm.s32 $0x9;
	_ =	strace $0x80000048  }
0xbb: {  	_ =	swait.ge [sflag:s29], $0x1  }
0xbc: {  	[sflag:s29] =	ssyncadd.s32 $0xFFFFFFFF  }
0xbd: {  	_ =	strace $0x90000048  }
0xbe: {  	_ =	sfence  }
0xbf: {  	s30 =	sld [smem:$0x0];
	_ =	sdelay $0x2  }
0xc0: {  	s31 =	sshll.u32 s1, $0xD;
	s1 =	sshrl.u32 s1, $0x2  }
0xc1: {  	s3 =	sand.u32 $0x4000, s31;
	s1 =	sadd.s32 s1, s30  }
0xc2: {  	s0 =	sor.u32 s3, s0;
	s1 =	sshll.u32 s1, $0x11  }
0xc3: {  	s0 =	sor.u32 s1, s0  }
0xc4: {  	s0 =	sadd.s32 $0x8F2B, s0  }
0xc5: {  	[sflag:s0] =	ssyncadd.remote.s32 $0x1  }
0xc6: {  	_ =	sfence.sel $0xFFFF  }
0xc7: {  	[dreg:$0x0] =	wrdreg $0xFFFFFFFF;
	(pc) =	sbr.abs _section_cstart, $3  }
0xc8: {  	[dreg:$0x1] =	wrdreg $0xFFFFFFFF  }
0xc9: {  	_ =	task.clear_ibuf [dreg:s11], $0x2FFFF;
	_ =	strace $0x9FFFFFFF  }
0xca: {  	(tm) =	ssettm $0x7FFFFFFF  }
0xcb: {  	_ =	shalt  }
tec
execute0_lowered:
.L_overlay_start_1:
0x0: {  	(tag) =	ssettag $0x1  }
0x1: {  	s0 =	rddreg [dreg:$0x0]  }
0x2: {  	s1 =	rddreg [dreg:$0x1]  }
0x3: {  	s2 =	rddreg [dreg:$0x2]  }
0x4: {  	s4 =	rddreg [dreg:$0x3]  }
0x5: {  	s3 =	srdreg.scid;
	s6 =	rddreg [dreg:$0x4]  }
0x6: {  	s9 =	rddreg [dreg:$0x5];
	s7 =	simm.s32 $0x0;
	s13 =	simm.s32 $0x80  }
0x7: {  	s14 =	simm.s32 $0x400;
	s15 =	simm.s32 $0x18700;
	s8 =	sand.u32 $0x1, s3  }
0x8: {  	s16 =	simm.s32 $0x2;
	s3 =	stileid.u32;
	s5 =	sshll.u32 s8, $0x4  }
0x9: {  	s17 =	simm.s32 $0x0;
	[smem:$0x7FF] =	sst s7;
	s10 =	sor.u32 s3, s5  }
0xa: {  	s12 =	sshll.u32 s3, $0x7;
	s11 =	sshrl.u32 s10, $0x3;
	s29 =	smul.u32 $0xC35, s10  }
0xb: {  	s8 =	ssub.s32 $0x2, s8;
	s5 =	rddreg [dreg:$0x6];
	s11 =	smul.u32 $0x6400, s11  }
.Ltmp0:
0xc: {  	v5 =	vlaneseq.u32;
	s12 =	sand.u32 $0x380, s12;
	_ =	strace $0x80000047;
	(pc) =	sbr.rel .LBB2_1-.Ltmp0, $4  }
0xd: {  	v2 =	vor.u32 $0x20, v5;
	v6 =	vor.u32 $0x10, v5;
	s30 =	sshrl.u32 s8, $0x1;
	v3 =	vmov s10;
	s10 =	sadd.s32 $0x1, s10;
	s11 =	sor.u32 s12, s11  }
0xe: {  	v4 =	vmov s10;
	s10 =	simm.s32 $0x3;
	vm3 =	veq.s32 v3, v6;
	vm4 =	veq.s32 v3, v5;
	s31 =	sadd.s32 $0xC35, s29;
	s11 =	sshrl.u32 s11, $0x3  }
0xf: {  	v0 =	vmov s29;
	vm0 =	veq.s32 v4, v2;
	v2 =	vimm.f32 $0.0e+00;
	s12 =	simm.s32 $0x1;
	s9 =	sadd.s32 s11, s9;
	s11 =	ssub.s32 s8, s30  }
0x10: {  	vm1 =	veq.s32 v4, v6;
	vm2 =	veq.s32 v4, v5;
	v1 =	vmov s31;
	s8 =	sadd.s32 $0x800, s9;
	s9 =	smax.u32 s11, $0x1;
	s11 =	simm.s32 $0x19380  }
.LBB2_12:
0x11: {  	s17 =	sadd.s32 $0x1, s17  }
0x12: {  	p0 =	sne.s32 s17, s9  }
.Ltmp1:
0x13: {  	_ = 	snop;
	(pc) =	sbr.rel @!p0 .LBB2_13-.Ltmp1, $4  }
0x14: {  	[hbm4b:s8+s13] =	stream.strided.scatter [tilespmem:s15], [sflag:$0x3], $0xC80, s14, s13, $0x38;
	[tilespmem:$0x1DF00] =	vst v63  }
0x15: {  	_ =	swait.ge [sflag:s10], $0xC80  }
0x16: {  	[sflag:s10] =	ssyncset.done $0x0  }
0x17: {  	[sflag:s10] =	ssyncadd.s32 $0xFFFFF380  }
.LBB2_1:
0x18: {  	[tilespmem:s7], [sflag:$0x3] =	stream.linear.gather [hbm4b:s0+s7], $0x18700, $0x38;
	[tilespmem:$0x1DF00] =	vst v63  }
0x19: {  	_ =	swait.ge [sflag:s10], $0x18700  }
0x1a: {  	[sflag:s10] =	ssyncset.done $0x0  }
0x1b: {  	[sflag:s10] =	ssyncadd.s32 $0xFFFE7900  }
0x1c: {  	[tilespmem:s11], [sflag:$0x3] =	stream.linear.gather [hbm4b:s6+s7], $0x80, $0x38;
	[tilespmem:$0x1DF00] =	vst v63  }
0x1d: {  	_ =	swait.ge [sflag:s10], $0x80  }
0x1e: {  	[sflag:s10] =	ssyncset.done $0x0  }
0x1f: {  	s18 =	simm.s32 $0x40;
	s19 =	simm.s32 $0x0;
	[sflag:s10] =	ssyncadd.s32 $0xFFFFFF80  }
.LBB2_2:
0x20: {  	p0 =	sne.s32 s18, $0x30C0;
	[tilespmem:s19+$0x18700] =	vst v2;
	s19 =	smov.u32 s18;
	s18 =	sadd.s32 $0x40, s18  }
.Ltmp2:
0x21: {  	(pc) =	sbr.rel @p0 .LBB2_2-.Ltmp2, $2  }
0x22: {  	_ =	sdelay $0x2  }
0x23: {  	s19 =	sshra.s32 s19, $0x2  }
0x24: {  	[tilespmem:s19+$0x18700] =	vst v2  }
0x25: {  	v3 =	vld [tilespmem:$0x19380]  }
0x26: {  	v4 =	vld [tilespmem:$0x19390];
	_ =	sdelay $0x4  }
0x27: {  	v5 =	vnsel vm4, $0x0, v3;
	v6 =	vnsel vm3, $0x0, v4  }
0x28: {  	v5 =	vadd.s32 v5, v6  }
0x29: {  	v5 =	vxor.u32 $0x80000000, v5  }
0x2a: {  	(xrf0) =	vmax.scan.msk.u32 $0xffff, v5;
	_ =	sdelay $0x5  }
0x2b: {  	v5, _, _ =	vpop (xrf0)  }
0x2c: {  	v62 =	vld [tilespmem:$0x193A0];
	(v2sf) =	vpush v5, $0xF;
	_ =	sdelay $0x3  }
0x2d: {  	v3 =	vnsel vm2, $0x0, v3;
	v4 =	vnsel vm1, $0x0, v4  }
0x2e: {  	v63 =	vnsel vm0, $0x0, v62;
	v3 =	vadd.s32 v3, v4  }
0x2f: {  	v3 =	vadd.s32 v63, v3  }
0x30: {  	v3 =	vxor.u32 $0x80000000, v3  }
0x31: {  	(xrf0) =	vmax.scan.msk.u32 $0xffff, v3;
	_ =	sdelay $0x5  }
0x32: {  	v3, _, _ =	vpop (xrf0)  }
0x33: {  	s18 =	spop (v2sf);
	(v2sf) =	vpush v3, $0xF  }
0x34: {  	s26 =	sxor.u32 $0x80000000, s18  }
0x35: {  	s20 =	smulhi.u32 $0x51EB851F, s26;
	s21 =	sshra.s32 s26, $0x1F  }
0x36: {  	s21 =	smul.u32 $0x51EB851F, s21;
	_ =	sdelay $0x1  }
0x37: {  	s20 =	sadd.s32 s21, s20  }
0x38: {  	s21 =	sshrl.u32 s20, $0x1F;
	s20 =	sshra.s32 s20, $0xA  }
0x39: {  	s20 =	sadd.s32 s21, s20  }
0x3a: {  	s21 =	smul.u32 $0xFFFFF380, s20  }
0x3b: {  	p1 =	sgt.s32 s18, $0xFFFFFFFF;
	p0 =	slt.s32 s26, $0x1;
	s28 =	ssub.s32 $0x0, s26  }
0x3c: {  	p0 =	por p1, p0;
	p4 =	sne.s32 s21, s28  }
0x3d: {  	p0 =	por !p0, !p4  }
0x3e: {  	s18 =	simm.s32 $0x1;
	p0 =	por !p0, !p0  }
0x3f: {  	s18 =	simm.s32 @!p0 $0x0  }
0x40: {  	s18 =	ssub.s32 s20, s18  }
0x41: {  	s29 =	spop (v2sf);
	s21 =	smul.u32 $0xC80, s18  }
0x42: {  	s19 =	sxor.u32 $0x80000000, s29  }
0x43: {  	s19 =	ssub.s32 s19, s21  }
0x44: {  	s30 =	sadd.s32 $0xC7F, s19  }
0x45: {  	s22 =	smulhi.u32 $0x51EB851F, s30;
	s23 =	sshra.s32 s30, $0x1F  }
0x46: {  	s23 =	smul.u32 $0x51EB851F, s23;
	_ =	sdelay $0x1  }
0x47: {  	s22 =	sadd.s32 s23, s22  }
0x48: {  	s23 =	sshrl.u32 s22, $0x1F;
	s22 =	sshra.s32 s22, $0xA  }
0x49: {  	s22 =	sadd.s32 s23, s22  }
0x4a: {  	s23 =	smul.u32 $0xFFFFF380, s22  }
0x4b: {  	s19 =	ssub.s32 $0xFFFFF381, s19  }
0x4c: {  	p5 =	slt.s32 s30, $0x1;
	p6 =	sne.s32 s23, s19  }
0x4d: {  	p0 =	por !p5, !p6  }
0x4e: {  	s19 =	simm.s32 $0x1;
	p0 =	por !p0, !p0  }
0x4f: {  	s19 =	simm.s32 @!p0 $0x0  }
0x50: {  	s19 =	ssub.s32 s22, s19  }
0x51: {  	p0 =	slt.s32 s19, $0x1  }
0x52: {  	p1 =	sgt.s32 s19, $0x0;
	s20 =	sshrl.u32 @!p0 s21, $0x3  }
0x53: {  	s23 =	simm.s32 @!p0 $0x0;
	s24 =	simm.s32 @!p0 $0x19400;
	s22 =	sadd.s32 @!p0 s1, s20  }
0x54: {  	[tilespmem:s24], [sflag:$0x1] =	stream.linear.gather @!p0 [hbm4b:s22+s23], $0xC80, $0x38;
	[tilespmem:$0x1DF00] =	vst v63  }
0x55: {  	s19 =	simm.s32 @!p1 $0x0;
	s22 =	sadd.s32 @!p0 s2, s20;
	s24 =	simm.s32 @!p0 $0x1A080  }
0x56: {  	[tilespmem:s24], [sflag:$0x1] =	stream.linear.gather @!p0 [hbm4b:s22+s23], $0xC80, $0x38;
	[tilespmem:$0x1DF00] =	vst v63  }
0x57: {  	s31 =	sadd.s32 $0x1, s19;
	s20 =	sadd.s32 @!p0 s4, s20;
	s22 =	simm.s32 @!p0 $0x1AD00  }
0x58: {  	[tilespmem:s22], [sflag:$0x1] =	stream.linear.gather @!p0 [hbm4b:s20+s23], $0xC80, $0x38;
	[tilespmem:$0x1DF00] =	vst v63  }
0x59: {  	s20 =	sshrl.u32 s31, $0x1  }
0x5a: {  	p0 =	seq.s32 s20, $0x0  }
.Ltmp3:
0x5b: {  	_ = 	snop;
	(pc) =	sbr.rel @p0 .LBB2_12-.Ltmp3, $1  }
0x5c: {  	_ =	sdelay $0x3  }
.Ltmp4:
0x5d: {  	(pc) =	sbr.rel .LBB2_5-.Ltmp4, $2  }
0x5e: {  	_ =	sdelay $0x2  }
0x5f: {  	s21 =	sadd.s32 $0x1900, s21;
	s22 =	simm.s32 $0x0  }
.LBB2_11:
0x60: {  	s22 =	sadd.s32 $0x1, s22  }
0x61: {  	p0 =	sne.s32 s22, s20  }
.Ltmp5:
0x62: {  	_ = 	snop;
	(pc) =	sbr.rel @!p0 .LBB2_12-.Ltmp5, $1  }
0x63: {  	_ =	sdelay $0x3  }
.LBB2_5:
0x64: {  	s23 =	sshllo.u32 s22, $0x1  }
0x65: {  	p0 =	sge.u32 s23, s19  }
0x66: {  	s23 =	sadd.s32 @!p0 s18, s23  }
0x67: {  	s23 =	smul.u32 @!p0 $0xC80, s23;
	_ =	sdelay $0x1  }
0x68: {  	s23 =	sshrl.u32 @!p0 s23, $0x3  }
0x69: {  	s25 =	simm.s32 @!p0 $0x0;
	s26 =	simm.s32 @!p0 $0x1B980;
	s24 =	sadd.s32 @!p0 s1, s23  }
0x6a: {  	[tilespmem:s26], [sflag:$0x2] =	stream.linear.gather @!p0 [hbm4b:s24+s25], $0xC80, $0x38;
	[tilespmem:$0x1DF00] =	vst v63  }
0x6b: {  	s24 =	sadd.s32 @!p0 s2, s23;
	s26 =	simm.s32 @!p0 $0x1C600  }
0x6c: {  	[tilespmem:s26], [sflag:$0x2] =	stream.linear.gather @!p0 [hbm4b:s24+s25], $0xC80, $0x38;
	[tilespmem:$0x1DF00] =	vst v63  }
0x6d: {  	s23 =	sadd.s32 @!p0 s4, s23;
	s24 =	simm.s32 @!p0 $0x1D280  }
0x6e: {  	[tilespmem:s24], [sflag:$0x2] =	stream.linear.gather @!p0 [hbm4b:s23+s25], $0xC80, $0x38;
	[tilespmem:$0x1DF00] =	vst v63  }
0x6f: {  	_ =	swait.ge [sflag:s12], $0xC80  }
0x70: {  	[sflag:s12] =	ssyncset.done $0x0  }
0x71: {  	[sflag:s12] =	ssyncadd.s32 $0xFFFFF380  }
0x72: {  	_ =	swait.ge [sflag:s12], $0xC80  }
0x73: {  	[sflag:s12] =	ssyncset.done $0x0  }
0x74: {  	[sflag:s12] =	ssyncadd.s32 $0xFFFFF380  }
0x75: {  	_ =	swait.ge [sflag:s12], $0xC80  }
0x76: {  	[sflag:s12] =	ssyncset.done $0x0  }
0x77: {  	s31 =	simm.s32 $0x0;
	[sflag:s12] =	ssyncadd.s32 $0xFFFFF380  }
0x78: {  	v3 =	vld [tilespmem:s31+$0x19400];
	_ =	sdelay $0x4  }
0x79: {  	v4 =	vadd.f32 $-2.500000000e+00, v3  }
0x7a: {  	v5 =	vmul.f32 v3, v3  }
0x7b: {  	v4 =	vmul.f32 $2.000000030e-01, v4  }
0x7c: {  	v6 =	vmul.f32 $1.886584760e-01, v5  }
0x7d: {  	v7 =	vmul.f32 v4, v4  }
0x7e: {  	v6 =	vadd.f32 v6, v3  }
0x7f: {  	v7 =	vsub.f32 v4, v7  }
0x80: {  	(erf) = vrcp.f32 v6  }
0x81: {  	(erf) = vrcp.f32 v7;
	_ =	sdelay $0x5  }
0x82: {  	v6 =	vadd.f32 v4, v4;
	_ =	sdelay $0x1  }
0x83: {  	v6 =	vadd.f32 $-1.000000000e+00, v6;
	v7 =	vpop (erf)  }
0x84: {  	v8 =	vpop (erf)  }
0x85: {  	v6 =	vmul.f32 v8, v6;
	_ =	sdelay $0x1  }
0x86: {  	v6 =	vmin.f32 v6, $8.000000000e+01  }
0x87: {  	v6 =	vmul.f32 $1.442695020e+00, v6;
	_ =	sdelay $0x1  }
0x88: {  	(erf) = vpow2.f32 v6;
	_ =	sdelay $0x8  }
0x89: {  	v5 =	vadd.f32 $1.000000000e+00, v5;
	v20 =	vpop (erf)  }
0x8a: {  	v6 =	vmul.f32 $4.009999930e-01, v3;
	v8 =	vadd.f32 $1.000000000e+00, v20  }
0x8b: {  	v10 =	vshra.s32 v5, $0x1;
	v5 =	vmul.f32 $5.000000000e-01, v5  }
0x8c: {  	v11 =	vld [tilespmem:s31+$0x1AD00];
	v21 =	vsub.s32 $0x5F3759DF, v10;
	v9 =	vsub.f32 $0.0e+00, v6;
	(erf) = vrcp.f32 v8  }
0x8d: {  	v22 =	vld [tilespmem:s31+$0x1A080];
	v5 =	vmul.f32 v21, v5;
	v3 =	vmul.f32 v7, v3  }
0x8e: {  	v9 =	vmul.f32 v9, v6  }
0x8f: {  	v5 =	vmul.f32 v21, v5;
	v12 =	vmul.f32 $7.478556030e-01, v3  }
0x90: {  	v6 =	vmul.f32 $4.704700110e-01, v6;
	v9 =	vmul.f32 $1.442695020e+00, v9  }
0x91: {  	v5 =	vsub.f32 $1.500000000e+00, v5  }
0x92: {  	v12 =	vadd.f32 $-9.587980060e-02, v12;
	v6 =	vadd.f32 $1.000000000e+00, v6;
	(erf) = vpow2.f32 v9  }
0x93: {  	v5 =	vmul.f32 v21, v5  }
0x94: {  	v24 =	vld.idx.msk [tilespmem:v11+s7+$0x0], $0xffff;
	v23 =	vmul.f32 v12, v3;
	v6 =	vmul.f32 v7, v6  }
0x95: {  	v25 =	vld.idx.msk [tilespmem:v22+s7+$0x0], $0xffff;
	vm5 =	vge.f32 v4, $1.000000000e+00;
	vm6 =	vle.f32 v4, $0.0e+00;
	v26 =	vpop (erf)  }
0x96: {  	v7 =	vadd.f32 $3.480241890e-01, v23;
	v5 =	vsub.f32 v5, v6;
	v4 =	vsel vm5, $0x0, v26  }
0x97: {  	v27 =	vsub.s32 v22, v0;
	v4 =	vsel vm6, $0x3F800000, v4  }
0x98: {  	v3 =	vmul.f32 v7, v3;
	vm5 =	vgt.s32 v27, $0x0;
	v4 =	vmul.f32 v4, v5  }
0x99: {  	vm6 =	vlt.s32 v22, v1;
	v5 =	vnsel vm5, $0x0, v27;
	vm5 =	vge.s32 v22, v0  }
0x9a: {  	v7 =	vmul.f32 v24, v25;
	vm5 =	vmand vm5, vm6;
	v4 =	vadd.f32 v4, v6  }
0x9b: {  	v5 =	vmin.u32 v5, $0xC3F;
	v6 =	vpop (erf)  }
0x9c: {  	v3 =	vmul.f32 v3, v6;
	v4 =	vmul.f32 v4, v7;
	_ =	sdelay $0x1  }
0x9d: {  	v3 =	vmul.f32 v4, v3;
	_ =	sdelay $0x1  }
0x9e: {  	[tilespmem:v5+s15+$0x0] =	vst.idx.add.f32.msk vm5, v3  }
0x9f: {  	v3 =	vld [tilespmem:s31+$0x19410];
	_ =	sdelay $0x4  }
0xa0: {  	v4 =	vadd.f32 $-2.500000000e+00, v3  }
0xa1: {  	v5 =	vmul.f32 v3, v3  }
0xa2: {  	v4 =	vmul.f32 $2.000000030e-01, v4  }
0xa3: {  	v6 =	vmul.f32 $1.886584760e-01, v5  }
0xa4: {  	v7 =	vmul.f32 v4, v4  }
0xa5: {  	v6 =	vadd.f32 v6, v3  }
0xa6: {  	v7 =	vsub.f32 v4, v7  }
0xa7: {  	(erf) = vrcp.f32 v6  }
0xa8: {  	(erf) = vrcp.f32 v7;
	_ =	sdelay $0x5  }
0xa9: {  	v6 =	vadd.f32 v4, v4;
	_ =	sdelay $0x1  }
0xaa: {  	v6 =	vadd.f32 $-1.000000000e+00, v6;
	v7 =	vpop (erf)  }
0xab: {  	v28 =	vpop (erf)  }
0xac: {  	v6 =	vmul.f32 v28, v6;
	_ =	sdelay $0x1  }
0xad: {  	v6 =	vmin.f32 v6, $8.000000000e+01  }
0xae: {  	v6 =	vmul.f32 $1.442695020e+00, v6;
	_ =	sdelay $0x1  }
0xaf: {  	(erf) = vpow2.f32 v6;
	_ =	sdelay $0x8  }
0xb0: {  	v5 =	vadd.f32 $1.000000000e+00, v5;
	v29 =	vpop (erf)  }
0xb1: {  	v6 =	vmul.f32 $4.009999930e-01, v3;
	v8 =	vadd.f32 $1.000000000e+00, v29  }
0xb2: {  	v31 =	vshra.s32 v5, $0x1;
	v5 =	vmul.f32 $5.000000000e-01, v5  }
0xb3: {  	v32 =	vld [tilespmem:s31+$0x1AD10];
	v33 =	vsub.s32 $0x5F3759DF, v31;
	v30 =	vsub.f32 $0.0e+00, v6;
	(erf) = vrcp.f32 v8  }
0xb4: {  	v34 =	vld [tilespmem:s31+$0x1A090];
	v5 =	vmul.f32 v33, v5;
	v3 =	vmul.f32 v7, v3  }
0xb5: {  	v9 =	vmul.f32 v30, v6  }
0xb6: {  	v5 =	vmul.f32 v33, v5;
	v35 =	vmul.f32 $7.478556030e-01, v3  }
0xb7: {  	v6 =	vmul.f32 $4.704700110e-01, v6;
	v9 =	vmul.f32 $1.442695020e+00, v9  }
0xb8: {  	v5 =	vsub.f32 $1.500000000e+00, v5  }
0xb9: {  	v12 =	vadd.f32 $-9.587980060e-02, v35;
	v6 =	vadd.f32 $1.000000000e+00, v6;
	(erf) = vpow2.f32 v9  }
0xba: {  	v5 =	vmul.f32 v33, v5  }
0xbb: {  	v37 =	vld.idx.msk [tilespmem:v32+s7+$0x0], $0xffff;
	v36 =	vmul.f32 v12, v3;
	v6 =	vmul.f32 v7, v6  }
0xbc: {  	v38 =	vld.idx.msk [tilespmem:v34+s7+$0x0], $0xffff;
	vm5 =	vge.f32 v4, $1.000000000e+00;
	vm6 =	vle.f32 v4, $0.0e+00;
	v39 =	vpop (erf)  }
0xbd: {  	v7 =	vadd.f32 $3.480241890e-01, v36;
	v5 =	vsub.f32 v5, v6;
	v4 =	vsel vm5, $0x0, v39  }
0xbe: {  	v40 =	vsub.s32 v34, v0;
	v4 =	vsel vm6, $0x3F800000, v4  }
0xbf: {  	v3 =	vmul.f32 v7, v3;
	vm5 =	vgt.s32 v40, $0x0;
	v4 =	vmul.f32 v4, v5  }
0xc0: {  	vm6 =	vlt.s32 v34, v1;
	v5 =	vnsel vm5, $0x0, v40;
	vm5 =	vge.s32 v34, v0  }
0xc1: {  	v7 =	vmul.f32 v37, v38;
	vm5 =	vmand vm5, vm6;
	v4 =	vadd.f32 v4, v6  }
0xc2: {  	v5 =	vmin.u32 v5, $0xC3F;
	v6 =	vpop (erf)  }
0xc3: {  	v3 =	vmul.f32 v3, v6;
	v4 =	vmul.f32 v4, v7;
	_ =	sdelay $0x1  }
0xc4: {  	v3 =	vmul.f32 v4, v3;
	_ =	sdelay $0x1  }
0xc5: {  	[tilespmem:v5+s15+$0x0] =	vst.idx.add.f32.msk vm5, v3  }
0xc6: {  	v3 =	vld [tilespmem:s31+$0x19420];
	_ =	sdelay $0x4  }
0xc7: {  	v4 =	vadd.f32 $-2.500000000e+00, v3  }
0xc8: {  	v5 =	vmul.f32 v3, v3  }
0xc9: {  	v4 =	vmul.f32 $2.000000030e-01, v4  }
0xca: {  	v6 =	vmul.f32 $1.886584760e-01, v5  }
0xcb: {  	v7 =	vmul.f32 v4, v4  }
0xcc: {  	v6 =	vadd.f32 v6, v3  }
0xcd: {  	v7 =	vsub.f32 v4, v7  }
0xce: {  	(erf) = vrcp.f32 v6  }
0xcf: {  	(erf) = vrcp.f32 v7;
	_ =	sdelay $0x5  }
0xd0: {  	v6 =	vadd.f32 v4, v4;
	_ =	sdelay $0x1  }
0xd1: {  	v6 =	vadd.f32 $-1.000000000e+00, v6;
	v7 =	vpop (erf)  }
0xd2: {  	v41 =	vpop (erf)  }
0xd3: {  	v6 =	vmul.f32 v41, v6;
	_ =	sdelay $0x1  }
0xd4: {  	v6 =	vmin.f32 v6, $8.000000000e+01  }
0xd5: {  	v6 =	vmul.f32 $1.442695020e+00, v6;
	_ =	sdelay $0x1  }
0xd6: {  	(erf) = vpow2.f32 v6;
	_ =	sdelay $0x8  }
0xd7: {  	v5 =	vadd.f32 $1.000000000e+00, v5;
	v42 =	vpop (erf)  }
0xd8: {  	v44 =	vld [tilespmem:s31+$0x1A0A0];
	v6 =	vmul.f32 $4.009999930e-01, v3;
	v8 =	vadd.f32 $1.000000000e+00, v42  }
0xd9: {  	v46 =	vld [tilespmem:s31+$0x1AD20];
	v45 =	vshra.s32 v5, $0x1  }
0xda: {  	v5 =	vmul.f32 $5.000000000e-01, v5;
	v43 =	vsub.f32 $0.0e+00, v6;
	(erf) = vrcp.f32 v8  }
0xdb: {  	v11 =	vsub.s32 $0x5F3759DF, v45  }
0xdc: {  	v5 =	vmul.f32 v11, v5;
	v9 =	vmul.f32 v43, v6  }
0xdd: {  	v3 =	vmul.f32 v7, v3;
	v6 =	vmul.f32 $4.704700110e-01, v6  }
0xde: {  	v5 =	vmul.f32 v11, v5;
	v9 =	vmul.f32 $1.442695020e+00, v9  }
0xdf: {  	v47 =	vmul.f32 $7.478556030e-01, v3;
	v6 =	vadd.f32 $1.000000000e+00, v6  }
0xe0: {  	v49 =	vld.idx.msk [tilespmem:v44+s7+$0x0], $0xffff;
	v5 =	vsub.f32 $1.500000000e+00, v5;
	(erf) = vpow2.f32 v9  }
0xe1: {  	v48 =	vadd.f32 $-9.587980060e-02, v47;
	v6 =	vmul.f32 v7, v6;
	v7 =	vld.idx.msk [tilespmem:v46+s7+$0x0], $0xffff  }
0xe2: {  	v5 =	vmul.f32 v11, v5  }
0xe3: {  	vm6 =	vge.f32 v4, $1.000000000e+00;
	v50 =	vmul.f32 v48, v3;
	v51 =	vpop (erf)  }
0xe4: {  	vm7 =	vle.f32 v4, $0.0e+00;
	v5 =	vsub.f32 v5, v6;
	v4 =	vsel vm6, $0x0, v51  }
0xe5: {  	vm5 =	vge.s32 v44, v0;
	v8 =	vadd.f32 $3.480241890e-01, v50;
	v4 =	vsel vm7, $0x3F800000, v4  }
0xe6: {  	v52 =	vsub.s32 v44, v0;
	v7 =	vmul.f32 v7, v49;
	v4 =	vmul.f32 v4, v5  }
0xe7: {  	v3 =	vmul.f32 v8, v3;
	vm6 =	vlt.s32 v44, v1;
	vm7 =	vgt.s32 v52, $0x0  }
0xe8: {  	vm5 =	vmand vm5, vm6;
	v5 =	vnsel vm7, $0x0, v52;
	v4 =	vadd.f32 v4, v6  }
0xe9: {  	v5 =	vmin.u32 v5, $0xC3F;
	v6 =	vpop (erf)  }
0xea: {  	v3 =	vmul.f32 v3, v6;
	v4 =	vmul.f32 v4, v7;
	_ =	sdelay $0x1  }
0xeb: {  	v3 =	vmul.f32 v4, v3;
	_ =	sdelay $0x1  }
0xec: {  	[tilespmem:v5+s15+$0x0] =	vst.idx.add.f32.msk vm5, v3  }
0xed: {  	v3 =	vld [tilespmem:s31+$0x19430];
	_ =	sdelay $0x4  }
0xee: {  	v4 =	vadd.f32 $-2.500000000e+00, v3  }
0xef: {  	v5 =	vmul.f32 v3, v3  }
0xf0: {  	v4 =	vmul.f32 $2.000000030e-01, v4  }
0xf1: {  	v6 =	vmul.f32 $1.886584760e-01, v5  }
0xf2: {  	v7 =	vmul.f32 v4, v4  }
0xf3: {  	v6 =	vadd.f32 v6, v3  }
0xf4: {  	v7 =	vsub.f32 v4, v7  }
0xf5: {  	(erf) = vrcp.f32 v6  }
0xf6: {  	(erf) = vrcp.f32 v7;
	_ =	sdelay $0x5  }
0xf7: {  	v6 =	vadd.f32 v4, v4;
	_ =	sdelay $0x1  }
0xf8: {  	v6 =	vadd.f32 $-1.000000000e+00, v6;
	v7 =	vpop (erf)  }
0xf9: {  	v53 =	vpop (erf)  }
0xfa: {  	v6 =	vmul.f32 v53, v6;
	_ =	sdelay $0x1  }
0xfb: {  	v6 =	vmin.f32 v6, $8.000000000e+01  }
0xfc: {  	v6 =	vmul.f32 $1.442695020e+00, v6;
	_ =	sdelay $0x1  }
0xfd: {  	(erf) = vpow2.f32 v6;
	_ =	sdelay $0x8  }
0xfe: {  	v5 =	vadd.f32 $1.000000000e+00, v5;
	v54 =	vpop (erf)  }
0xff: {  	v6 =	vmul.f32 $4.009999930e-01, v3;
	v8 =	vadd.f32 $1.000000000e+00, v54  }
0x100: {  	v57 =	vshra.s32 v5, $0x1;
	v5 =	vmul.f32 $5.000000000e-01, v5  }
0x101: {  	v11 =	vsub.s32 $0x5F3759DF, v57;
	v55 =	vsub.f32 $0.0e+00, v6;
	(erf) = vrcp.f32 v8  }
0x102: {  	v56 =	vld [tilespmem:s31+$0x1A0B0];
	v5 =	vmul.f32 v11, v5  }
0x103: {  	v58 =	vld [tilespmem:s31+$0x1AD30];
	v9 =	vmul.f32 v55, v6  }
0x104: {  	v5 =	vmul.f32 v11, v5;
	v3 =	vmul.f32 v7, v3  }
0x105: {  	v6 =	vmul.f32 $4.704700110e-01, v6;
	v9 =	vmul.f32 $1.442695020e+00, v9  }
0x106: {  	v5 =	vsub.f32 $1.500000000e+00, v5  }
0x107: {  	v59 =	vmul.f32 $7.478556030e-01, v3;
	v6 =	vadd.f32 $1.000000000e+00, v6;
	(erf) = vpow2.f32 v9;
	_ =	sdelay $0x1  }
0x108: {  	v5 =	vmul.f32 v11, v5;
	v60 =	vadd.f32 $-9.587980060e-02, v59;
	v6 =	vmul.f32 v7, v6  }
0x109: {  	v61 =	vld.idx.msk [tilespmem:v56+s7+$0x0], $0xffff;
	vm5 =	vge.f32 v4, $1.000000000e+00;
	vm6 =	vle.f32 v4, $0.0e+00;
	v63 =	vpop (erf)  }
0x10a: {  	v62 =	vmul.f32 v60, v3;
	v7 =	vld.idx.msk [tilespmem:v58+s7+$0x0], $0xffff;
	v5 =	vsub.f32 v5, v6;
	v4 =	vsel vm5, $0x0, v63  }
0x10b: {  	v4 =	vsel vm6, $0x3F800000, v4  }
0x10c: {  	v8 =	vadd.f32 $3.480241890e-01, v62;
	v4 =	vmul.f32 v4, v5  }
0x10d: {  	vm7 =	vlt.s32 v56, v1  }
0x10e: {  	v3 =	vmul.f32 v8, v3;
	v4 =	vadd.f32 v4, v6;
	v6 =	vsub.s32 v56, v0  }
0x10f: {  	vm6 =	vge.s32 v56, v0;
	v5 =	vmul.f32 v7, v61;
	v7 =	vpop (erf);
	vm5 =	vgt.s32 v6, $0x0  }
0x110: {  	v7 =	vmul.f32 v3, v7;
	v3 =	vnsel vm5, $0x0, v6;
	vm5 =	vmand vm6, vm7  }
0x111: {  	v3 =	vmin.u32 v3, $0xC3F  }
0x112: {  	v4 =	vmul.f32 v4, v5  }
0x113: {  	s26 =	simm.s32 $0x200  }
0x114: {  	s23 =	sshll.u32 s22, $0x1;
	s24 =	smul.u32 $0x1900, s22;
	s25 =	simm.s32 $0x100;
	v4 =	vmul.f32 v4, v7  }
.LBB2_6:
0x115: {  	p1 =	sne.s32 s26, $0x3100  }
0x116: {  	s28 =	sshra.s32 s25, $0x2;
	s25 =	smov.u32 s26;
	s26 =	sadd.s32 $0x100, s26;
	[tilespmem:v3+s15+$0x0] =	vst.idx.add.f32.msk vm5, v4  }
0x117: {  	v3 =	vld [tilespmem:s28+$0x19400];
	_ =	sdelay $0x4  }
0x118: {  	v4 =	vadd.f32 $-2.500000000e+00, v3;
	v5 =	vmul.f32 v3, v3;
	v6 =	vmul.f32 $4.009999930e-01, v3;
	_ =	sdelay $0x1  }
0x119: {  	v4 =	vmul.f32 $2.000000030e-01, v4;
	v7 =	vadd.f32 $1.000000000e+00, v5;
	v5 =	vmul.f32 $1.886584760e-01, v5  }
0x11a: {  	v8 =	vmul.f32 $4.704700110e-01, v6;
	v9 =	vsub.f32 $0.0e+00, v6  }
0x11b: {  	v10 =	vadd.f32 v4, v4;
	v11 =	vmul.f32 v4, v4;
	v5 =	vadd.f32 v5, v3  }
0x11c: {  	v12 =	vshra.s32 v7, $0x1;
	v7 =	vmul.f32 $5.000000000e-01, v7;
	v6 =	vmul.f32 v9, v6  }
0x11d: {  	v9 =	vsub.f32 v4, v11;
	v11 =	vsub.s32 $0x5F3759DF, v12;
	(erf) = vrcp.f32 v5  }
0x11e: {  	v6 =	vmul.f32 $1.442695020e+00, v6;
	v5 =	vmul.f32 v11, v7  }
0x11f: {  	(erf) = vrcp.f32 v9  }
0x120: {  	v5 =	vmul.f32 v11, v5;
	_ =	sdelay $0x1  }
0x121: {  	v5 =	vsub.f32 $1.500000000e+00, v5;
	_ =	sdelay $0x1  }
0x122: {  	v5 =	vmul.f32 v11, v5;
	_ =	sdelay $0x1  }
0x123: {  	v7 =	vpop (erf)  }
0x124: {  	v9 =	vadd.f32 $-1.000000000e+00, v10;
	v3 =	vmul.f32 v7, v3  }
0x125: {  	v10 =	vpop (erf)  }
0x126: {  	v9 =	vmul.f32 v10, v9;
	v10 =	vmul.f32 $7.478556030e-01, v3;
	_ =	sdelay $0x1  }
0x127: {  	v9 =	vmin.f32 v9, $8.000000000e+01;
	v10 =	vadd.f32 $-9.587980060e-02, v10  }
0x128: {  	v9 =	vmul.f32 $1.442695020e+00, v9  }
0x129: {  	v10 =	vmul.f32 v10, v3  }
0x12a: {  	(erf) = vpow2.f32 v9  }
0x12b: {  	v9 =	vadd.f32 $3.480241890e-01, v10;
	_ =	sdelay $0x1  }
0x12c: {  	v3 =	vmul.f32 v9, v3;
	_ =	sdelay $0x5  }
0x12d: {  	v9 =	vpop (erf)  }
0x12e: {  	v9 =	vadd.f32 $1.000000000e+00, v9  }
0x12f: {  	v10 =	vld [tilespmem:s28+$0x1AD00]  }
0x130: {  	v11 =	vld [tilespmem:s28+$0x1A080];
	(erf) = vrcp.f32 v9;
	_ =	sdelay $0x4  }
0x131: {  	vm5 =	vlt.s32 v11, v1;
	v9 =	vsub.s32 v11, v0  }
0x132: {  	v12 =	vadd.f32 $1.000000000e+00, v8;
	vm6 =	vgt.s32 v9, $0x0;
	(erf) = vpow2.f32 v6  }
0x133: {  	v6 =	vld.idx.msk [tilespmem:v10+s7+$0x0], $0xffff;
	v9 =	vnsel vm6, $0x0, v9  }
0x134: {  	v7 =	vmul.f32 v7, v12;
	v10 =	vld.idx.msk [tilespmem:v11+s7+$0x0], $0xffff  }
0x135: {  	vm6 =	vge.f32 v4, $1.000000000e+00;
	v8 =	vpop (erf)  }
0x136: {  	vm7 =	vle.f32 v4, $0.0e+00;
	v5 =	vsub.f32 v5, v7;
	v4 =	vsel vm6, $0x0, v8  }
0x137: {  	v4 =	vsel vm7, $0x3F800000, v4  }
0x138: {  	v4 =	vmul.f32 v4, v5  }
0x139: {  	vm6 =	vge.s32 v11, v0  }
0x13a: {  	vm5 =	vmand vm6, vm5;
	v5 =	vmul.f32 v6, v10;
	v4 =	vadd.f32 v4, v7  }
0x13b: {  	v6 =	vmin.u32 v9, $0xC3F;
	v7 =	vpop (erf)  }
0x13c: {  	v3 =	vmul.f32 v3, v7;
	v4 =	vmul.f32 v4, v5;
	_ =	sdelay $0x1  }
0x13d: {  	v3 =	vmul.f32 v4, v3;
	_ =	sdelay $0x1  }
0x13e: {  	[tilespmem:v6+s15+$0x0] =	vst.idx.add.f32.msk vm5, v3  }
0x13f: {  	v3 =	vld [tilespmem:s28+$0x19410];
	_ =	sdelay $0x4  }
0x140: {  	v4 =	vadd.f32 $-2.500000000e+00, v3;
	v5 =	vmul.f32 v3, v3;
	v6 =	vmul.f32 $4.009999930e-01, v3;
	_ =	sdelay $0x1  }
0x141: {  	v4 =	vmul.f32 $2.000000030e-01, v4;
	v7 =	vadd.f32 $1.000000000e+00, v5;
	v5 =	vmul.f32 $1.886584760e-01, v5  }
0x142: {  	v8 =	vmul.f32 $4.704700110e-01, v6;
	v9 =	vsub.f32 $0.0e+00, v6  }
0x143: {  	v10 =	vadd.f32 v4, v4;
	v11 =	vmul.f32 v4, v4;
	v5 =	vadd.f32 v5, v3  }
0x144: {  	v12 =	vshra.s32 v7, $0x1;
	v7 =	vmul.f32 $5.000000000e-01, v7;
	v6 =	vmul.f32 v9, v6  }
0x145: {  	v9 =	vsub.f32 v4, v11;
	v11 =	vsub.s32 $0x5F3759DF, v12;
	(erf) = vrcp.f32 v5  }
0x146: {  	v6 =	vmul.f32 $1.442695020e+00, v6;
	v5 =	vmul.f32 v11, v7  }
0x147: {  	(erf) = vrcp.f32 v9  }
0x148: {  	v5 =	vmul.f32 v11, v5;
	_ =	sdelay $0x1  }
0x149: {  	v5 =	vsub.f32 $1.500000000e+00, v5;
	_ =	sdelay $0x1  }
0x14a: {  	v5 =	vmul.f32 v11, v5;
	_ =	sdelay $0x1  }
0x14b: {  	v7 =	vpop (erf)  }
0x14c: {  	v9 =	vadd.f32 $-1.000000000e+00, v10;
	v3 =	vmul.f32 v7, v3  }
0x14d: {  	v10 =	vpop (erf)  }
0x14e: {  	v9 =	vmul.f32 v10, v9;
	v10 =	vmul.f32 $7.478556030e-01, v3;
	_ =	sdelay $0x1  }
0x14f: {  	v9 =	vmin.f32 v9, $8.000000000e+01;
	v10 =	vadd.f32 $-9.587980060e-02, v10  }
0x150: {  	v9 =	vmul.f32 $1.442695020e+00, v9  }
0x151: {  	v10 =	vmul.f32 v10, v3  }
0x152: {  	(erf) = vpow2.f32 v9  }
0x153: {  	v9 =	vadd.f32 $3.480241890e-01, v10;
	_ =	sdelay $0x1  }
0x154: {  	v3 =	vmul.f32 v9, v3;
	_ =	sdelay $0x5  }
0x155: {  	v9 =	vpop (erf)  }
0x156: {  	v9 =	vadd.f32 $1.000000000e+00, v9  }
0x157: {  	v10 =	vld [tilespmem:s28+$0x1AD10]  }
0x158: {  	v11 =	vld [tilespmem:s28+$0x1A090];
	(erf) = vrcp.f32 v9;
	_ =	sdelay $0x4  }
0x159: {  	vm5 =	vlt.s32 v11, v1;
	v9 =	vsub.s32 v11, v0  }
0x15a: {  	v12 =	vadd.f32 $1.000000000e+00, v8;
	vm6 =	vgt.s32 v9, $0x0;
	(erf) = vpow2.f32 v6  }
0x15b: {  	v6 =	vld.idx.msk [tilespmem:v10+s7+$0x0], $0xffff;
	v9 =	vnsel vm6, $0x0, v9  }
0x15c: {  	v7 =	vmul.f32 v7, v12;
	v10 =	vld.idx.msk [tilespmem:v11+s7+$0x0], $0xffff  }
0x15d: {  	vm6 =	vge.f32 v4, $1.000000000e+00;
	v8 =	vpop (erf)  }
0x15e: {  	vm7 =	vle.f32 v4, $0.0e+00;
	v5 =	vsub.f32 v5, v7;
	v4 =	vsel vm6, $0x0, v8  }
0x15f: {  	v4 =	vsel vm7, $0x3F800000, v4  }
0x160: {  	v4 =	vmul.f32 v4, v5  }
0x161: {  	vm6 =	vge.s32 v11, v0  }
0x162: {  	vm5 =	vmand vm6, vm5;
	v5 =	vmul.f32 v6, v10;
	v4 =	vadd.f32 v4, v7  }
0x163: {  	v6 =	vmin.u32 v9, $0xC3F;
	v7 =	vpop (erf)  }
0x164: {  	v3 =	vmul.f32 v3, v7;
	v4 =	vmul.f32 v4, v5;
	_ =	sdelay $0x1  }
0x165: {  	v3 =	vmul.f32 v4, v3;
	_ =	sdelay $0x1  }
0x166: {  	[tilespmem:v6+s15+$0x0] =	vst.idx.add.f32.msk vm5, v3  }
0x167: {  	v3 =	vld [tilespmem:s28+$0x19420]  }
0x168: {  	v4 =	vld [tilespmem:s28+$0x1A0A0]  }
0x169: {  	v5 =	vld [tilespmem:s28+$0x1AD20];
	_ =	sdelay $0x2  }
0x16a: {  	v6 =	vadd.f32 $-2.500000000e+00, v3;
	v7 =	vmul.f32 v3, v3;
	v8 =	vmul.f32 $4.009999930e-01, v3  }
0x16b: {  	vm5 =	vge.s32 v4, v0;
	vm6 =	vlt.s32 v4, v1;
	v9 =	vsub.s32 v4, v0  }
0x16c: {  	v6 =	vmul.f32 $2.000000030e-01, v6;
	v10 =	vadd.f32 $1.000000000e+00, v7;
	v7 =	vmul.f32 $1.886584760e-01, v7  }
0x16d: {  	v11 =	vmul.f32 $4.704700110e-01, v8;
	v12 =	vsub.f32 $0.0e+00, v8;
	vm7 =	vgt.s32 v9, $0x0  }
0x16e: {  	v4 =	vld.idx.msk [tilespmem:v4+s7+$0x0], $0xffff;
	v13 =	vadd.f32 v6, v6;
	v14 =	vmul.f32 v6, v6;
	v7 =	vadd.f32 v7, v3  }
0x16f: {  	v15 =	vshra.s32 v10, $0x1;
	v10 =	vmul.f32 $5.000000000e-01, v10;
	v8 =	vmul.f32 v12, v8;
	v5 =	vld.idx.msk [tilespmem:v5+s7+$0x0], $0xffff  }
0x170: {  	v12 =	vsub.f32 v6, v14;
	v14 =	vsub.s32 $0x5F3759DF, v15;
	(erf) = vrcp.f32 v7  }
0x171: {  	v9 =	vnsel vm7, $0x0, v9;
	v8 =	vmul.f32 $1.442695020e+00, v8;
	v7 =	vmul.f32 v14, v10  }
0x172: {  	vm5 =	vmand vm5, vm6;
	(erf) = vrcp.f32 v12  }
0x173: {  	v7 =	vmul.f32 v14, v7;
	_ =	sdelay $0x1  }
0x174: {  	v4 =	vmul.f32 v5, v4;
	v7 =	vsub.f32 $1.500000000e+00, v7;
	_ =	sdelay $0x1  }
0x175: {  	v5 =	vmul.f32 v14, v7;
	_ =	sdelay $0x1  }
0x176: {  	v7 =	vpop (erf)  }
0x177: {  	v10 =	vadd.f32 $-1.000000000e+00, v13;
	v3 =	vmul.f32 v7, v3  }
0x178: {  	v12 =	vpop (erf)  }
0x179: {  	v10 =	vmul.f32 v12, v10;
	v12 =	vmul.f32 $7.478556030e-01, v3;
	_ =	sdelay $0x1  }
0x17a: {  	v10 =	vmin.f32 v10, $8.000000000e+01;
	v12 =	vadd.f32 $-9.587980060e-02, v12  }
0x17b: {  	v10 =	vmul.f32 $1.442695020e+00, v10  }
0x17c: {  	v12 =	vmul.f32 v12, v3  }
0x17d: {  	(erf) = vpow2.f32 v10  }
0x17e: {  	v10 =	vadd.f32 $3.480241890e-01, v12;
	_ =	sdelay $0x1  }
0x17f: {  	v3 =	vmul.f32 v10, v3;
	_ =	sdelay $0x5  }
0x180: {  	v10 =	vpop (erf)  }
0x181: {  	v10 =	vadd.f32 $1.000000000e+00, v10;
	_ =	sdelay $0x1  }
0x182: {  	(erf) = vrcp.f32 v10;
	_ =	sdelay $0x5  }
0x183: {  	v10 =	vadd.f32 $1.000000000e+00, v11;
	(erf) = vpow2.f32 v8;
	_ =	sdelay $0x1  }
0x184: {  	v7 =	vmul.f32 v7, v10  }
0x185: {  	vm6 =	vge.f32 v6, $1.000000000e+00;
	v8 =	vpop (erf)  }
0x186: {  	vm7 =	vle.f32 v6, $0.0e+00;
	v5 =	vsub.f32 v5, v7;
	v6 =	vsel vm6, $0x0, v8  }
0x187: {  	v6 =	vsel vm7, $0x3F800000, v6  }
0x188: {  	v5 =	vmul.f32 v6, v5;
	_ =	sdelay $0x1  }
0x189: {  	v5 =	vadd.f32 v5, v7  }
0x18a: {  	v6 =	vmin.u32 v9, $0xC3F;
	v7 =	vpop (erf)  }
0x18b: {  	v3 =	vmul.f32 v3, v7;
	v4 =	vmul.f32 v5, v4;
	_ =	sdelay $0x1  }
0x18c: {  	v3 =	vmul.f32 v4, v3;
	_ =	sdelay $0x1  }
0x18d: {  	[tilespmem:v6+s15+$0x0] =	vst.idx.add.f32.msk vm5, v3  }
0x18e: {  	v3 =	vld [tilespmem:s28+$0x19430]  }
0x18f: {  	v4 =	vld [tilespmem:s28+$0x1A0B0]  }
0x190: {  	v5 =	vld [tilespmem:s28+$0x1AD30];
	_ =	sdelay $0x2  }
0x191: {  	v6 =	vadd.f32 $-2.500000000e+00, v3;
	v7 =	vmul.f32 v3, v3;
	v8 =	vmul.f32 $4.009999930e-01, v3  }
0x192: {  	vm5 =	vge.s32 v4, v0;
	vm6 =	vlt.s32 v4, v1;
	v9 =	vsub.s32 v4, v0  }
0x193: {  	v6 =	vmul.f32 $2.000000030e-01, v6;
	v10 =	vadd.f32 $1.000000000e+00, v7;
	v7 =	vmul.f32 $1.886584760e-01, v7  }
0x194: {  	v11 =	vmul.f32 $4.704700110e-01, v8;
	v12 =	vsub.f32 $0.0e+00, v8;
	vm7 =	vgt.s32 v9, $0x0  }
0x195: {  	v4 =	vld.idx.msk [tilespmem:v4+s7+$0x0], $0xffff;
	v13 =	vadd.f32 v6, v6;
	v14 =	vmul.f32 v6, v6;
	v7 =	vadd.f32 v7, v3  }
0x196: {  	v15 =	vshra.s32 v10, $0x1;
	v10 =	vmul.f32 $5.000000000e-01, v10;
	v8 =	vmul.f32 v12, v8;
	v5 =	vld.idx.msk [tilespmem:v5+s7+$0x0], $0xffff  }
0x197: {  	v12 =	vsub.f32 v6, v14;
	v14 =	vsub.s32 $0x5F3759DF, v15;
	(erf) = vrcp.f32 v7  }
0x198: {  	v9 =	vnsel vm7, $0x0, v9;
	v8 =	vmul.f32 $1.442695020e+00, v8;
	v7 =	vmul.f32 v14, v10  }
0x199: {  	vm5 =	vmand vm5, vm6;
	(erf) = vrcp.f32 v12  }
0x19a: {  	v7 =	vmul.f32 v14, v7;
	_ =	sdelay $0x1  }
0x19b: {  	v4 =	vmul.f32 v5, v4;
	v7 =	vsub.f32 $1.500000000e+00, v7;
	_ =	sdelay $0x1  }
0x19c: {  	v5 =	vmul.f32 v14, v7;
	_ =	sdelay $0x1  }
0x19d: {  	v7 =	vpop (erf)  }
0x19e: {  	v10 =	vadd.f32 $-1.000000000e+00, v13;
	v3 =	vmul.f32 v7, v3  }
0x19f: {  	v12 =	vpop (erf)  }
0x1a0: {  	v10 =	vmul.f32 v12, v10;
	v12 =	vmul.f32 $7.478556030e-01, v3;
	_ =	sdelay $0x1  }
0x1a1: {  	v10 =	vmin.f32 v10, $8.000000000e+01;
	v12 =	vadd.f32 $-9.587980060e-02, v12  }
0x1a2: {  	v10 =	vmul.f32 $1.442695020e+00, v10  }
0x1a3: {  	v12 =	vmul.f32 v12, v3  }
0x1a4: {  	(erf) = vpow2.f32 v10  }
0x1a5: {  	v10 =	vadd.f32 $3.480241890e-01, v12;
	_ =	sdelay $0x1  }
0x1a6: {  	v10 =	vmul.f32 v10, v3;
	_ =	sdelay $0x5  }
0x1a7: {  	v3 =	vpop (erf)  }
0x1a8: {  	v3 =	vadd.f32 $1.000000000e+00, v3;
	_ =	sdelay $0x1  }
0x1a9: {  	(erf) = vrcp.f32 v3;
	_ =	sdelay $0x5  }
0x1aa: {  	v3 =	vadd.f32 $1.000000000e+00, v11;
	(erf) = vpow2.f32 v8;
	_ =	sdelay $0x1  }
0x1ab: {  	v3 =	vmul.f32 v7, v3  }
0x1ac: {  	vm6 =	vge.f32 v6, $1.000000000e+00;
	v7 =	vpop (erf)  }
0x1ad: {  	vm7 =	vle.f32 v6, $0.0e+00;
	v5 =	vsub.f32 v5, v3;
	v6 =	vsel vm6, $0x0, v7  }
0x1ae: {  	v6 =	vsel vm7, $0x3F800000, v6  }
0x1af: {  	v5 =	vmul.f32 v6, v5;
	_ =	sdelay $0x1  }
.Ltmp6:
0x1b0: {  	v5 =	vadd.f32 v5, v3;
	(pc) =	sbr.rel @p1 .LBB2_6-.Ltmp6, $3  }
0x1b1: {  	v3 =	vmin.u32 v9, $0xC3F;
	v6 =	vpop (erf)  }
0x1b2: {  	v6 =	vmul.f32 v10, v6;
	v4 =	vmul.f32 v5, v4;
	_ =	sdelay $0x1  }
0x1b3: {  	v4 =	vmul.f32 v4, v6  }
0x1b4: {  	_ =	sdelay $0x4  }
0x1b5: {  	s25 =	sshra.s32 s25, $0x2;
	[tilespmem:v3+s15+$0x0] =	vst.idx.add.f32.msk vm5, v4  }
0x1b6: {  	v3 =	vld [tilespmem:s25+$0x19400];
	_ =	sdelay $0x4  }
0x1b7: {  	v28 =	vadd.f32 $-2.500000000e+00, v3  }
0x1b8: {  	v5 =	vmul.f32 v3, v3  }
0x1b9: {  	v4 =	vmul.f32 $2.000000030e-01, v28  }
0x1ba: {  	v6 =	vmul.f32 $1.886584760e-01, v5  }
0x1bb: {  	v7 =	vmul.f32 v4, v4  }
0x1bc: {  	v6 =	vadd.f32 v6, v3  }
0x1bd: {  	v7 =	vsub.f32 v4, v7  }
0x1be: {  	(erf) = vrcp.f32 v6  }
0x1bf: {  	(erf) = vrcp.f32 v7;
	_ =	sdelay $0x5  }
0x1c0: {  	v29 =	vadd.f32 v4, v4;
	_ =	sdelay $0x1  }
0x1c1: {  	v6 =	vadd.f32 $-1.000000000e+00, v29;
	v30 =	vpop (erf)  }
0x1c2: {  	v8 =	vpop (erf)  }
0x1c3: {  	v6 =	vmul.f32 v8, v6;
	_ =	sdelay $0x1  }
0x1c4: {  	v6 =	vmin.f32 v6, $8.000000000e+01  }
0x1c5: {  	v6 =	vmul.f32 $1.442695020e+00, v6;
	_ =	sdelay $0x1  }
0x1c6: {  	(erf) = vpow2.f32 v6;
	_ =	sdelay $0x8  }
0x1c7: {  	v11 =	vld [tilespmem:s25+$0x1AD00];
	v31 =	vmul.f32 $4.009999930e-01, v3;
	v5 =	vadd.f32 $1.000000000e+00, v5;
	v32 =	vpop (erf)  }
0x1c8: {  	v34 =	vld [tilespmem:s25+$0x1A080];
	v8 =	vadd.f32 $1.000000000e+00, v32  }
0x1c9: {  	v9 =	vsub.f32 $0.0e+00, v31;
	v10 =	vshra.s32 v5, $0x1;
	v5 =	vmul.f32 $5.000000000e-01, v5  }
0x1ca: {  	v33 =	vsub.s32 $0x5F3759DF, v10;
	(erf) = vrcp.f32 v8  }
0x1cb: {  	v9 =	vmul.f32 v9, v31;
	v5 =	vmul.f32 v33, v5;
	_ =	sdelay $0x1  }
0x1cc: {  	v9 =	vmul.f32 $1.442695020e+00, v9;
	v5 =	vmul.f32 v33, v5  }
0x1cd: {  	v3 =	vmul.f32 v30, v3;
	v6 =	vmul.f32 $4.704700110e-01, v31  }
0x1ce: {  	v36 =	vld.idx.msk [tilespmem:v11+s7+$0x0], $0xffff;
	v5 =	vsub.f32 $1.500000000e+00, v5  }
0x1cf: {  	v38 =	vld.idx.msk [tilespmem:v34+s7+$0x0], $0xffff;
	v12 =	vmul.f32 $7.478556030e-01, v3;
	v6 =	vadd.f32 $1.000000000e+00, v6;
	(erf) = vpow2.f32 v9;
	_ =	sdelay $0x1  }
0x1d0: {  	v5 =	vmul.f32 v33, v5;
	v12 =	vadd.f32 $-9.587980060e-02, v12;
	v6 =	vmul.f32 v30, v6  }
0x1d1: {  	vm5 =	vge.f32 v4, $1.000000000e+00;
	vm6 =	vle.f32 v4, $0.0e+00;
	v39 =	vpop (erf)  }
0x1d2: {  	v35 =	vmul.f32 v12, v3;
	v5 =	vsub.f32 v5, v6;
	v40 =	vsel vm5, $0x0, v39  }
0x1d3: {  	v41 =	vsub.s32 v34, v0;
	v43 =	vmul.f32 v36, v38;
	v4 =	vsel vm6, $0x3F800000, v40  }
0x1d4: {  	v37 =	vadd.f32 $3.480241890e-01, v35;
	vm5 =	vgt.s32 v41, $0x0;
	v4 =	vmul.f32 v4, v5  }
0x1d5: {  	vm6 =	vlt.s32 v34, v1;
	v42 =	vnsel vm5, $0x0, v41;
	vm5 =	vge.s32 v34, v0  }
0x1d6: {  	v3 =	vmul.f32 v37, v3;
	vm5 =	vmand vm5, vm6;
	v4 =	vadd.f32 v4, v6  }
0x1d7: {  	v44 =	vpop (erf);
	v5 =	vmin.u32 v42, $0xC3F  }
0x1d8: {  	v3 =	vmul.f32 v3, v44;
	v4 =	vmul.f32 v4, v43;
	_ =	sdelay $0x1  }
0x1d9: {  	v3 =	vmul.f32 v4, v3;
	_ =	sdelay $0x1  }
0x1da: {  	[tilespmem:v5+s15+$0x0] =	vst.idx.add.f32.msk vm5, v3  }
0x1db: {  	v3 =	vld [tilespmem:s25+$0x19410];
	_ =	sdelay $0x4  }
0x1dc: {  	v45 =	vadd.f32 $-2.500000000e+00, v3  }
0x1dd: {  	v46 =	vmul.f32 v3, v3  }
0x1de: {  	v4 =	vmul.f32 $2.000000030e-01, v45  }
0x1df: {  	v47 =	vmul.f32 $1.886584760e-01, v46  }
0x1e0: {  	v48 =	vmul.f32 v4, v4  }
0x1e1: {  	v6 =	vadd.f32 v47, v3  }
0x1e2: {  	v7 =	vsub.f32 v4, v48  }
0x1e3: {  	(erf) = vrcp.f32 v6  }
0x1e4: {  	(erf) = vrcp.f32 v7;
	_ =	sdelay $0x5  }
0x1e5: {  	v49 =	vadd.f32 v4, v4;
	_ =	sdelay $0x1  }
0x1e6: {  	v6 =	vadd.f32 $-1.000000000e+00, v49;
	v50 =	vpop (erf)  }
0x1e7: {  	v51 =	vpop (erf)  }
0x1e8: {  	v6 =	vmul.f32 v51, v6;
	_ =	sdelay $0x1  }
0x1e9: {  	v6 =	vmin.f32 v6, $8.000000000e+01  }
0x1ea: {  	v6 =	vmul.f32 $1.442695020e+00, v6;
	_ =	sdelay $0x1  }
0x1eb: {  	(erf) = vpow2.f32 v6;
	_ =	sdelay $0x8  }
0x1ec: {  	v56 =	vld [tilespmem:s25+$0x1AD10];
	v52 =	vmul.f32 $4.009999930e-01, v3;
	v53 =	vpop (erf)  }
0x1ed: {  	v58 =	vld [tilespmem:s25+$0x1A090];
	v5 =	vadd.f32 $1.000000000e+00, v46;
	v8 =	vadd.f32 $1.000000000e+00, v53  }
0x1ee: {  	v54 =	vsub.f32 $0.0e+00, v52  }
0x1ef: {  	v55 =	vshra.s32 v5, $0x1;
	v5 =	vmul.f32 $5.000000000e-01, v5;
	(erf) = vrcp.f32 v8  }
0x1f0: {  	v9 =	vmul.f32 v54, v52;
	v57 =	vsub.s32 $0x5F3759DF, v55;
	v3 =	vmul.f32 v50, v3  }
0x1f1: {  	v5 =	vmul.f32 v57, v5  }
0x1f2: {  	v9 =	vmul.f32 $1.442695020e+00, v9;
	v59 =	vmul.f32 $7.478556030e-01, v3  }
0x1f3: {  	v5 =	vmul.f32 v57, v5;
	v6 =	vmul.f32 $4.704700110e-01, v52  }
0x1f4: {  	v61 =	vld.idx.msk [tilespmem:v56+s7+$0x0], $0xffff;
	v12 =	vadd.f32 $-9.587980060e-02, v59  }
0x1f5: {  	v63 =	vld.idx.msk [tilespmem:v58+s7+$0x0], $0xffff;
	v5 =	vsub.f32 $1.500000000e+00, v5;
	v6 =	vadd.f32 $1.000000000e+00, v6;
	(erf) = vpow2.f32 v9;
	_ =	sdelay $0x1  }
0x1f6: {  	v5 =	vmul.f32 v57, v5;
	v6 =	vmul.f32 v50, v6  }
0x1f7: {  	vm5 =	vge.f32 v4, $1.000000000e+00;
	v60 =	vmul.f32 v12, v3;
	v12 =	vpop (erf)  }
0x1f8: {  	vm6 =	vle.f32 v4, $0.0e+00;
	v5 =	vsub.f32 v5, v6;
	v13 =	vsel vm5, $0x0, v12  }
0x1f9: {  	v14 =	vsub.s32 v58, v0;
	v16 =	vmul.f32 v61, v63;
	v4 =	vsel vm6, $0x3F800000, v13  }
0x1fa: {  	v62 =	vadd.f32 $3.480241890e-01, v60;
	vm5 =	vgt.s32 v14, $0x0;
	v4 =	vmul.f32 v4, v5  }
0x1fb: {  	vm6 =	vlt.s32 v58, v1;
	v15 =	vnsel vm5, $0x0, v14;
	vm5 =	vge.s32 v58, v0  }
0x1fc: {  	v3 =	vmul.f32 v62, v3;
	vm5 =	vmand vm5, vm6;
	v4 =	vadd.f32 v4, v6  }
0x1fd: {  	v17 =	vpop (erf);
	v5 =	vmin.u32 v15, $0xC3F  }
0x1fe: {  	v3 =	vmul.f32 v3, v17;
	v4 =	vmul.f32 v4, v16;
	_ =	sdelay $0x1  }
0x1ff: {  	v3 =	vmul.f32 v4, v3;
	_ =	sdelay $0x1  }
0x200: {  	[tilespmem:v5+s15+$0x0] =	vst.idx.add.f32.msk vm5, v3  }
0x201: {  	v3 =	vld [tilespmem:s25+$0x19420];
	_ =	sdelay $0x4  }
0x202: {  	v18 =	vadd.f32 $-2.500000000e+00, v3  }
0x203: {  	v19 =	vmul.f32 v3, v3  }
0x204: {  	v4 =	vmul.f32 $2.000000030e-01, v18  }
0x205: {  	v20 =	vmul.f32 $1.886584760e-01, v19  }
0x206: {  	v21 =	vmul.f32 v4, v4  }
0x207: {  	v6 =	vadd.f32 v20, v3  }
0x208: {  	v7 =	vsub.f32 v4, v21  }
0x209: {  	(erf) = vrcp.f32 v6  }
0x20a: {  	(erf) = vrcp.f32 v7;
	_ =	sdelay $0x5  }
0x20b: {  	v22 =	vadd.f32 v4, v4;
	_ =	sdelay $0x1  }
0x20c: {  	v6 =	vadd.f32 $-1.000000000e+00, v22;
	v23 =	vpop (erf)  }
0x20d: {  	v24 =	vpop (erf)  }
0x20e: {  	v6 =	vmul.f32 v24, v6;
	_ =	sdelay $0x1  }
0x20f: {  	v6 =	vmin.f32 v6, $8.000000000e+01  }
0x210: {  	v6 =	vmul.f32 $1.442695020e+00, v6;
	_ =	sdelay $0x1  }
0x211: {  	(erf) = vpow2.f32 v6;
	_ =	sdelay $0x8  }
0x212: {  	v25 =	vmul.f32 $4.009999930e-01, v3;
	v26 =	vpop (erf)  }
0x213: {  	v28 =	vld [tilespmem:s25+$0x1A0A0];
	v5 =	vadd.f32 $1.000000000e+00, v19;
	v8 =	vadd.f32 $1.000000000e+00, v26  }
0x214: {  	v30 =	vld [tilespmem:s25+$0x1AD20];
	v27 =	vsub.f32 $0.0e+00, v25  }
0x215: {  	v29 =	vshra.s32 v5, $0x1;
	v5 =	vmul.f32 $5.000000000e-01, v5;
	(erf) = vrcp.f32 v8  }
0x216: {  	v9 =	vmul.f32 v27, v25;
	v11 =	vsub.s32 $0x5F3759DF, v29  }
0x217: {  	v5 =	vmul.f32 v11, v5  }
0x218: {  	v9 =	vmul.f32 $1.442695020e+00, v9;
	v3 =	vmul.f32 v23, v3  }
0x219: {  	v5 =	vmul.f32 v11, v5;
	v6 =	vmul.f32 $4.704700110e-01, v25  }
0x21a: {  	v31 =	vmul.f32 $7.478556030e-01, v3  }
0x21b: {  	v33 =	vld.idx.msk [tilespmem:v28+s7+$0x0], $0xffff;
	v5 =	vsub.f32 $1.500000000e+00, v5;
	v6 =	vadd.f32 $1.000000000e+00, v6;
	(erf) = vpow2.f32 v9  }
0x21c: {  	v34 =	vld.idx.msk [tilespmem:v30+s7+$0x0], $0xffff;
	v32 =	vadd.f32 $-9.587980060e-02, v31  }
0x21d: {  	v5 =	vmul.f32 v11, v5;
	v6 =	vmul.f32 v23, v6  }
0x21e: {  	vm6 =	vge.f32 v4, $1.000000000e+00;
	v35 =	vmul.f32 v32, v3;
	v36 =	vpop (erf)  }
0x21f: {  	vm7 =	vle.f32 v4, $0.0e+00;
	v5 =	vsub.f32 v5, v6;
	v37 =	vsel vm6, $0x0, v36  }
0x220: {  	vm5 =	vge.s32 v28, v0;
	v8 =	vadd.f32 $3.480241890e-01, v35;
	v4 =	vsel vm7, $0x3F800000, v37  }
0x221: {  	v38 =	vsub.s32 v28, v0;
	v7 =	vmul.f32 v34, v33;
	v4 =	vmul.f32 v4, v5  }
0x222: {  	v3 =	vmul.f32 v8, v3;
	vm6 =	vlt.s32 v28, v1;
	vm7 =	vgt.s32 v38, $0x0  }
0x223: {  	vm5 =	vmand vm5, vm6;
	v39 =	vnsel vm7, $0x0, v38;
	v4 =	vadd.f32 v4, v6  }
0x224: {  	v40 =	vpop (erf);
	v5 =	vmin.u32 v39, $0xC3F  }
0x225: {  	v3 =	vmul.f32 v3, v40;
	v4 =	vmul.f32 v4, v7;
	_ =	sdelay $0x1  }
0x226: {  	v3 =	vmul.f32 v4, v3;
	_ =	sdelay $0x1  }
0x227: {  	[tilespmem:v5+s15+$0x0] =	vst.idx.add.f32.msk vm5, v3  }
0x228: {  	v3 =	vld [tilespmem:s25+$0x19430];
	_ =	sdelay $0x4  }
0x229: {  	v41 =	vadd.f32 $-2.500000000e+00, v3  }
0x22a: {  	v42 =	vmul.f32 v3, v3  }
0x22b: {  	v4 =	vmul.f32 $2.000000030e-01, v41  }
0x22c: {  	v43 =	vmul.f32 $1.886584760e-01, v42  }
0x22d: {  	v44 =	vmul.f32 v4, v4  }
0x22e: {  	v6 =	vadd.f32 v43, v3  }
0x22f: {  	v7 =	vsub.f32 v4, v44  }
0x230: {  	(erf) = vrcp.f32 v6  }
0x231: {  	(erf) = vrcp.f32 v7;
	_ =	sdelay $0x5  }
0x232: {  	v45 =	vadd.f32 v4, v4;
	_ =	sdelay $0x1  }
0x233: {  	v6 =	vadd.f32 $-1.000000000e+00, v45;
	v46 =	vpop (erf)  }
0x234: {  	v47 =	vpop (erf)  }
0x235: {  	v6 =	vmul.f32 v47, v6;
	_ =	sdelay $0x1  }
0x236: {  	v6 =	vmin.f32 v6, $8.000000000e+01  }
0x237: {  	v6 =	vmul.f32 $1.442695020e+00, v6;
	_ =	sdelay $0x1  }
0x238: {  	(erf) = vpow2.f32 v6;
	_ =	sdelay $0x8  }
0x239: {  	v48 =	vmul.f32 $4.009999930e-01, v3;
	v49 =	vpop (erf)  }
0x23a: {  	v51 =	vld [tilespmem:s25+$0x1A0B0];
	v5 =	vadd.f32 $1.000000000e+00, v42;
	v8 =	vadd.f32 $1.000000000e+00, v49  }
0x23b: {  	v53 =	vld [tilespmem:s25+$0x1AD30];
	v50 =	vsub.f32 $0.0e+00, v48  }
0x23c: {  	v52 =	vshra.s32 v5, $0x1;
	v5 =	vmul.f32 $5.000000000e-01, v5;
	(erf) = vrcp.f32 v8  }
0x23d: {  	v9 =	vmul.f32 v50, v48;
	v11 =	vsub.s32 $0x5F3759DF, v52  }
0x23e: {  	v5 =	vmul.f32 v11, v5  }
0x23f: {  	v9 =	vmul.f32 $1.442695020e+00, v9;
	v3 =	vmul.f32 v46, v3  }
0x240: {  	v5 =	vmul.f32 v11, v5;
	v6 =	vmul.f32 $4.704700110e-01, v48  }
0x241: {  	v54 =	vmul.f32 $7.478556030e-01, v3  }
0x242: {  	v56 =	vld.idx.msk [tilespmem:v51+s7+$0x0], $0xffff;
	v5 =	vsub.f32 $1.500000000e+00, v5;
	v6 =	vadd.f32 $1.000000000e+00, v6;
	(erf) = vpow2.f32 v9  }
0x243: {  	v57 =	vld.idx.msk [tilespmem:v53+s7+$0x0], $0xffff;
	v55 =	vadd.f32 $-9.587980060e-02, v54  }
0x244: {  	v5 =	vmul.f32 v11, v5;
	v6 =	vmul.f32 v46, v6  }
0x245: {  	vm6 =	vge.f32 v4, $1.000000000e+00;
	v58 =	vmul.f32 v55, v3;
	v59 =	vpop (erf)  }
0x246: {  	vm7 =	vle.f32 v4, $0.0e+00;
	v5 =	vsub.f32 v5, v6;
	v60 =	vsel vm6, $0x0, v59  }
0x247: {  	vm5 =	vge.s32 v51, v0;
	v8 =	vadd.f32 $3.480241890e-01, v58;
	v4 =	vsel vm7, $0x3F800000, v60  }
0x248: {  	v61 =	vsub.s32 v51, v0;
	v7 =	vmul.f32 v57, v56;
	v4 =	vmul.f32 v4, v5  }
0x249: {  	v3 =	vmul.f32 v8, v3;
	vm6 =	vlt.s32 v51, v1;
	vm7 =	vgt.s32 v61, $0x0  }
0x24a: {  	vm5 =	vmand vm5, vm6;
	v62 =	vnsel vm7, $0x0, v61;
	v4 =	vadd.f32 v4, v6  }
0x24b: {  	v63 =	vpop (erf);
	v5 =	vmin.u32 v62, $0xC3F  }
0x24c: {  	s23 =	sadd.s32 $0x2, s23;
	v3 =	vmul.f32 v3, v63;
	v4 =	vmul.f32 v4, v7  }
0x24d: {  	p1 =	sge.u32 s23, s19  }
0x24e: {  	s23 =	sadd.s32 @!p1 s24, s21;
	v3 =	vmul.f32 v4, v3  }
0x24f: {  	s23 =	sshrl.u32 @!p1 s23, $0x3  }
0x250: {  	s26 =	simm.s32 @!p1 $0x19400;
	s24 =	sadd.s32 @!p1 s1, s23;
	s25 =	simm.s32 @!p1 $0x0;
	[tilespmem:v5+s15+$0x0] =	vst.idx.add.f32.msk vm5, v3  }
0x251: {  	[tilespmem:s26], [sflag:$0x1] =	stream.linear.gather @!p1 [hbm4b:s24+s25], $0xC80, $0x38;
	[tilespmem:$0x1DF00] =	vst v63  }
.Ltmp7:
0x252: {  	_ = 	snop;
	(pc) =	sbr.rel @p0 .LBB2_11-.Ltmp7, $4  }
0x253: {  	s24 =	sadd.s32 @!p1 s2, s23;
	s26 =	simm.s32 @!p1 $0x1A080  }
0x254: {  	[tilespmem:s26], [sflag:$0x1] =	stream.linear.gather @!p1 [hbm4b:s24+s25], $0xC80, $0x38;
	[tilespmem:$0x1DF00] =	vst v63  }
0x255: {  	s23 =	sadd.s32 @!p1 s4, s23;
	s24 =	simm.s32 @!p1 $0x1AD00  }
0x256: {  	[tilespmem:s24], [sflag:$0x1] =	stream.linear.gather @!p1 [hbm4b:s23+s25], $0xC80, $0x38;
	[tilespmem:$0x1DF00] =	vst v63  }
0x257: {  	_ =	swait.ge [sflag:s16], $0xC80  }
0x258: {  	[sflag:s16] =	ssyncset.done $0x0  }
0x259: {  	[sflag:s16] =	ssyncadd.s32 $0xFFFFF380  }
0x25a: {  	_ =	swait.ge [sflag:s16], $0xC80  }
0x25b: {  	[sflag:s16] =	ssyncset.done $0x0  }
0x25c: {  	[sflag:s16] =	ssyncadd.s32 $0xFFFFF380  }
0x25d: {  	_ =	swait.ge [sflag:s16], $0xC80  }
0x25e: {  	[sflag:s16] =	ssyncset.done $0x0  }
0x25f: {  	s23 =	simm.s32 $0x0;
	[sflag:s16] =	ssyncadd.s32 $0xFFFFF380  }
0x260: {  	v3 =	vld [tilespmem:s23+$0x1B980];
	_ =	sdelay $0x4  }
0x261: {  	v4 =	vadd.f32 $-2.500000000e+00, v3  }
0x262: {  	v5 =	vmul.f32 v3, v3  }
0x263: {  	v4 =	vmul.f32 $2.000000030e-01, v4  }
0x264: {  	v6 =	vmul.f32 $1.886584760e-01, v5  }
0x265: {  	v7 =	vmul.f32 v4, v4  }
0x266: {  	v6 =	vadd.f32 v6, v3  }
0x267: {  	v7 =	vsub.f32 v4, v7  }
0x268: {  	(erf) = vrcp.f32 v6  }
0x269: {  	(erf) = vrcp.f32 v7;
	_ =	sdelay $0x5  }
0x26a: {  	v6 =	vadd.f32 v4, v4;
	_ =	sdelay $0x1  }
0x26b: {  	v6 =	vadd.f32 $-1.000000000e+00, v6;
	v7 =	vpop (erf)  }
0x26c: {  	v8 =	vpop (erf)  }
0x26d: {  	v6 =	vmul.f32 v8, v6;
	_ =	sdelay $0x1  }
0x26e: {  	v6 =	vmin.f32 v6, $8.000000000e+01  }
0x26f: {  	v6 =	vmul.f32 $1.442695020e+00, v6;
	_ =	sdelay $0x1  }
0x270: {  	(erf) = vpow2.f32 v6;
	_ =	sdelay $0x8  }
0x271: {  	v5 =	vadd.f32 $1.000000000e+00, v5;
	v20 =	vpop (erf)  }
0x272: {  	v6 =	vmul.f32 $4.009999930e-01, v3;
	v8 =	vadd.f32 $1.000000000e+00, v20  }
0x273: {  	v10 =	vshra.s32 v5, $0x1;
	v5 =	vmul.f32 $5.000000000e-01, v5  }
0x274: {  	v11 =	vld [tilespmem:s23+$0x1D280];
	v21 =	vsub.s32 $0x5F3759DF, v10;
	v9 =	vsub.f32 $0.0e+00, v6;
	(erf) = vrcp.f32 v8  }
0x275: {  	v22 =	vld [tilespmem:s23+$0x1C600];
	v5 =	vmul.f32 v21, v5;
	v3 =	vmul.f32 v7, v3  }
0x276: {  	v9 =	vmul.f32 v9, v6  }
0x277: {  	v5 =	vmul.f32 v21, v5;
	v12 =	vmul.f32 $7.478556030e-01, v3  }
0x278: {  	v6 =	vmul.f32 $4.704700110e-01, v6;
	v9 =	vmul.f32 $1.442695020e+00, v9  }
0x279: {  	v5 =	vsub.f32 $1.500000000e+00, v5  }
0x27a: {  	v12 =	vadd.f32 $-9.587980060e-02, v12;
	v6 =	vadd.f32 $1.000000000e+00, v6;
	(erf) = vpow2.f32 v9  }
0x27b: {  	v5 =	vmul.f32 v21, v5  }
0x27c: {  	v24 =	vld.idx.msk [tilespmem:v11+s7+$0x0], $0xffff;
	v23 =	vmul.f32 v12, v3;
	v6 =	vmul.f32 v7, v6  }
0x27d: {  	v25 =	vld.idx.msk [tilespmem:v22+s7+$0x0], $0xffff;
	vm5 =	vge.f32 v4, $1.000000000e+00;
	vm6 =	vle.f32 v4, $0.0e+00;
	v26 =	vpop (erf)  }
0x27e: {  	v7 =	vadd.f32 $3.480241890e-01, v23;
	v5 =	vsub.f32 v5, v6;
	v4 =	vsel vm5, $0x0, v26  }
0x27f: {  	v27 =	vsub.s32 v22, v0;
	v4 =	vsel vm6, $0x3F800000, v4  }
0x280: {  	v3 =	vmul.f32 v7, v3;
	vm5 =	vgt.s32 v27, $0x0;
	v4 =	vmul.f32 v4, v5  }
0x281: {  	vm6 =	vlt.s32 v22, v1;
	v5 =	vnsel vm5, $0x0, v27;
	vm5 =	vge.s32 v22, v0  }
0x282: {  	v7 =	vmul.f32 v24, v25;
	vm5 =	vmand vm5, vm6;
	v4 =	vadd.f32 v4, v6  }
0x283: {  	v5 =	vmin.u32 v5, $0xC3F;
	v6 =	vpop (erf)  }
0x284: {  	v3 =	vmul.f32 v3, v6;
	v4 =	vmul.f32 v4, v7;
	_ =	sdelay $0x1  }
0x285: {  	v3 =	vmul.f32 v4, v3;
	_ =	sdelay $0x1  }
0x286: {  	[tilespmem:v5+s15+$0x0] =	vst.idx.add.f32.msk vm5, v3  }
0x287: {  	v3 =	vld [tilespmem:s23+$0x1B990];
	_ =	sdelay $0x4  }
0x288: {  	v4 =	vadd.f32 $-2.500000000e+00, v3  }
0x289: {  	v5 =	vmul.f32 v3, v3  }
0x28a: {  	v4 =	vmul.f32 $2.000000030e-01, v4  }
0x28b: {  	v6 =	vmul.f32 $1.886584760e-01, v5  }
0x28c: {  	v7 =	vmul.f32 v4, v4  }
0x28d: {  	v6 =	vadd.f32 v6, v3  }
0x28e: {  	v7 =	vsub.f32 v4, v7  }
0x28f: {  	(erf) = vrcp.f32 v6  }
0x290: {  	(erf) = vrcp.f32 v7;
	_ =	sdelay $0x5  }
0x291: {  	v6 =	vadd.f32 v4, v4;
	_ =	sdelay $0x1  }
0x292: {  	v6 =	vadd.f32 $-1.000000000e+00, v6;
	v7 =	vpop (erf)  }
0x293: {  	v28 =	vpop (erf)  }
0x294: {  	v6 =	vmul.f32 v28, v6;
	_ =	sdelay $0x1  }
0x295: {  	v6 =	vmin.f32 v6, $8.000000000e+01  }
0x296: {  	v6 =	vmul.f32 $1.442695020e+00, v6;
	_ =	sdelay $0x1  }
0x297: {  	(erf) = vpow2.f32 v6;
	_ =	sdelay $0x8  }
0x298: {  	v5 =	vadd.f32 $1.000000000e+00, v5;
	v29 =	vpop (erf)  }
0x299: {  	v6 =	vmul.f32 $4.009999930e-01, v3;
	v8 =	vadd.f32 $1.000000000e+00, v29  }
0x29a: {  	v31 =	vshra.s32 v5, $0x1;
	v5 =	vmul.f32 $5.000000000e-01, v5  }
0x29b: {  	v32 =	vld [tilespmem:s23+$0x1D290];
	v33 =	vsub.s32 $0x5F3759DF, v31;
	v30 =	vsub.f32 $0.0e+00, v6;
	(erf) = vrcp.f32 v8  }
0x29c: {  	v34 =	vld [tilespmem:s23+$0x1C610];
	v5 =	vmul.f32 v33, v5;
	v3 =	vmul.f32 v7, v3  }
0x29d: {  	v9 =	vmul.f32 v30, v6  }
0x29e: {  	v5 =	vmul.f32 v33, v5;
	v35 =	vmul.f32 $7.478556030e-01, v3  }
0x29f: {  	v6 =	vmul.f32 $4.704700110e-01, v6;
	v9 =	vmul.f32 $1.442695020e+00, v9  }
0x2a0: {  	v5 =	vsub.f32 $1.500000000e+00, v5  }
0x2a1: {  	v12 =	vadd.f32 $-9.587980060e-02, v35;
	v6 =	vadd.f32 $1.000000000e+00, v6;
	(erf) = vpow2.f32 v9  }
0x2a2: {  	v5 =	vmul.f32 v33, v5  }
0x2a3: {  	v37 =	vld.idx.msk [tilespmem:v32+s7+$0x0], $0xffff;
	v36 =	vmul.f32 v12, v3;
	v6 =	vmul.f32 v7, v6  }
0x2a4: {  	v38 =	vld.idx.msk [tilespmem:v34+s7+$0x0], $0xffff;
	vm5 =	vge.f32 v4, $1.000000000e+00;
	vm6 =	vle.f32 v4, $0.0e+00;
	v39 =	vpop (erf)  }
0x2a5: {  	v7 =	vadd.f32 $3.480241890e-01, v36;
	v5 =	vsub.f32 v5, v6;
	v4 =	vsel vm5, $0x0, v39  }
0x2a6: {  	v40 =	vsub.s32 v34, v0;
	v4 =	vsel vm6, $0x3F800000, v4  }
0x2a7: {  	v3 =	vmul.f32 v7, v3;
	vm5 =	vgt.s32 v40, $0x0;
	v4 =	vmul.f32 v4, v5  }
0x2a8: {  	vm6 =	vlt.s32 v34, v1;
	v5 =	vnsel vm5, $0x0, v40;
	vm5 =	vge.s32 v34, v0  }
0x2a9: {  	v7 =	vmul.f32 v37, v38;
	vm5 =	vmand vm5, vm6;
	v4 =	vadd.f32 v4, v6  }
0x2aa: {  	v5 =	vmin.u32 v5, $0xC3F;
	v6 =	vpop (erf)  }
0x2ab: {  	v3 =	vmul.f32 v3, v6;
	v4 =	vmul.f32 v4, v7;
	_ =	sdelay $0x1  }
0x2ac: {  	v3 =	vmul.f32 v4, v3;
	_ =	sdelay $0x1  }
0x2ad: {  	[tilespmem:v5+s15+$0x0] =	vst.idx.add.f32.msk vm5, v3  }
0x2ae: {  	v3 =	vld [tilespmem:s23+$0x1B9A0];
	_ =	sdelay $0x4  }
0x2af: {  	v4 =	vadd.f32 $-2.500000000e+00, v3  }
0x2b0: {  	v5 =	vmul.f32 v3, v3  }
0x2b1: {  	v4 =	vmul.f32 $2.000000030e-01, v4  }
0x2b2: {  	v6 =	vmul.f32 $1.886584760e-01, v5  }
0x2b3: {  	v7 =	vmul.f32 v4, v4  }
0x2b4: {  	v6 =	vadd.f32 v6, v3  }
0x2b5: {  	v7 =	vsub.f32 v4, v7  }
0x2b6: {  	(erf) = vrcp.f32 v6  }
0x2b7: {  	(erf) = vrcp.f32 v7;
	_ =	sdelay $0x5  }
0x2b8: {  	v6 =	vadd.f32 v4, v4;
	_ =	sdelay $0x1  }
0x2b9: {  	v6 =	vadd.f32 $-1.000000000e+00, v6;
	v7 =	vpop (erf)  }
0x2ba: {  	v41 =	vpop (erf)  }
0x2bb: {  	v6 =	vmul.f32 v41, v6;
	_ =	sdelay $0x1  }
0x2bc: {  	v6 =	vmin.f32 v6, $8.000000000e+01  }
0x2bd: {  	v6 =	vmul.f32 $1.442695020e+00, v6;
	_ =	sdelay $0x1  }
0x2be: {  	(erf) = vpow2.f32 v6;
	_ =	sdelay $0x8  }
0x2bf: {  	v5 =	vadd.f32 $1.000000000e+00, v5;
	v42 =	vpop (erf)  }
0x2c0: {  	v44 =	vld [tilespmem:s23+$0x1C620];
	v6 =	vmul.f32 $4.009999930e-01, v3;
	v8 =	vadd.f32 $1.000000000e+00, v42  }
0x2c1: {  	v46 =	vld [tilespmem:s23+$0x1D2A0];
	v45 =	vshra.s32 v5, $0x1  }
0x2c2: {  	v5 =	vmul.f32 $5.000000000e-01, v5;
	v43 =	vsub.f32 $0.0e+00, v6;
	(erf) = vrcp.f32 v8  }
0x2c3: {  	v11 =	vsub.s32 $0x5F3759DF, v45  }
0x2c4: {  	v5 =	vmul.f32 v11, v5;
	v9 =	vmul.f32 v43, v6  }
0x2c5: {  	v3 =	vmul.f32 v7, v3;
	v6 =	vmul.f32 $4.704700110e-01, v6  }
0x2c6: {  	v5 =	vmul.f32 v11, v5;
	v9 =	vmul.f32 $1.442695020e+00, v9  }
0x2c7: {  	v47 =	vmul.f32 $7.478556030e-01, v3;
	v6 =	vadd.f32 $1.000000000e+00, v6  }
0x2c8: {  	v49 =	vld.idx.msk [tilespmem:v44+s7+$0x0], $0xffff;
	v5 =	vsub.f32 $1.500000000e+00, v5;
	(erf) = vpow2.f32 v9  }
0x2c9: {  	v48 =	vadd.f32 $-9.587980060e-02, v47;
	v6 =	vmul.f32 v7, v6;
	v7 =	vld.idx.msk [tilespmem:v46+s7+$0x0], $0xffff  }
0x2ca: {  	v5 =	vmul.f32 v11, v5  }
0x2cb: {  	vm6 =	vge.f32 v4, $1.000000000e+00;
	v50 =	vmul.f32 v48, v3;
	v51 =	vpop (erf)  }
0x2cc: {  	vm7 =	vle.f32 v4, $0.0e+00;
	v5 =	vsub.f32 v5, v6;
	v4 =	vsel vm6, $0x0, v51  }
0x2cd: {  	vm5 =	vge.s32 v44, v0;
	v8 =	vadd.f32 $3.480241890e-01, v50;
	v4 =	vsel vm7, $0x3F800000, v4  }
0x2ce: {  	v52 =	vsub.s32 v44, v0;
	v7 =	vmul.f32 v7, v49;
	v4 =	vmul.f32 v4, v5  }
0x2cf: {  	v3 =	vmul.f32 v8, v3;
	vm6 =	vlt.s32 v44, v1;
	vm7 =	vgt.s32 v52, $0x0  }
0x2d0: {  	vm5 =	vmand vm5, vm6;
	v5 =	vnsel vm7, $0x0, v52;
	v4 =	vadd.f32 v4, v6  }
0x2d1: {  	v5 =	vmin.u32 v5, $0xC3F;
	v6 =	vpop (erf)  }
0x2d2: {  	v3 =	vmul.f32 v3, v6;
	v4 =	vmul.f32 v4, v7;
	_ =	sdelay $0x1  }
0x2d3: {  	v3 =	vmul.f32 v4, v3;
	_ =	sdelay $0x1  }
0x2d4: {  	[tilespmem:v5+s15+$0x0] =	vst.idx.add.f32.msk vm5, v3  }
0x2d5: {  	v3 =	vld [tilespmem:s23+$0x1B9B0];
	_ =	sdelay $0x4  }
0x2d6: {  	v4 =	vadd.f32 $-2.500000000e+00, v3  }
0x2d7: {  	v5 =	vmul.f32 v3, v3  }
0x2d8: {  	v4 =	vmul.f32 $2.000000030e-01, v4  }
0x2d9: {  	v6 =	vmul.f32 $1.886584760e-01, v5  }
0x2da: {  	v7 =	vmul.f32 v4, v4  }
0x2db: {  	v6 =	vadd.f32 v6, v3  }
0x2dc: {  	v7 =	vsub.f32 v4, v7  }
0x2dd: {  	(erf) = vrcp.f32 v6  }
0x2de: {  	(erf) = vrcp.f32 v7;
	_ =	sdelay $0x5  }
0x2df: {  	v6 =	vadd.f32 v4, v4;
	_ =	sdelay $0x1  }
0x2e0: {  	v6 =	vadd.f32 $-1.000000000e+00, v6;
	v7 =	vpop (erf)  }
0x2e1: {  	v53 =	vpop (erf)  }
0x2e2: {  	v6 =	vmul.f32 v53, v6;
	_ =	sdelay $0x1  }
0x2e3: {  	v6 =	vmin.f32 v6, $8.000000000e+01  }
0x2e4: {  	v6 =	vmul.f32 $1.442695020e+00, v6;
	_ =	sdelay $0x1  }
0x2e5: {  	(erf) = vpow2.f32 v6;
	_ =	sdelay $0x8  }
0x2e6: {  	v5 =	vadd.f32 $1.000000000e+00, v5;
	v54 =	vpop (erf)  }
0x2e7: {  	v6 =	vmul.f32 $4.009999930e-01, v3;
	v8 =	vadd.f32 $1.000000000e+00, v54  }
0x2e8: {  	v57 =	vshra.s32 v5, $0x1;
	v5 =	vmul.f32 $5.000000000e-01, v5  }
0x2e9: {  	v11 =	vsub.s32 $0x5F3759DF, v57;
	v55 =	vsub.f32 $0.0e+00, v6;
	(erf) = vrcp.f32 v8  }
0x2ea: {  	v56 =	vld [tilespmem:s23+$0x1C630];
	v5 =	vmul.f32 v11, v5  }
0x2eb: {  	v58 =	vld [tilespmem:s23+$0x1D2B0];
	v9 =	vmul.f32 v55, v6  }
0x2ec: {  	v5 =	vmul.f32 v11, v5;
	v3 =	vmul.f32 v7, v3  }
0x2ed: {  	v6 =	vmul.f32 $4.704700110e-01, v6;
	v9 =	vmul.f32 $1.442695020e+00, v9  }
0x2ee: {  	v5 =	vsub.f32 $1.500000000e+00, v5  }
0x2ef: {  	v59 =	vmul.f32 $7.478556030e-01, v3;
	v6 =	vadd.f32 $1.000000000e+00, v6;
	(erf) = vpow2.f32 v9;
	_ =	sdelay $0x1  }
0x2f0: {  	v5 =	vmul.f32 v11, v5;
	v60 =	vadd.f32 $-9.587980060e-02, v59;
	v6 =	vmul.f32 v7, v6  }
0x2f1: {  	v61 =	vld.idx.msk [tilespmem:v56+s7+$0x0], $0xffff;
	vm5 =	vge.f32 v4, $1.000000000e+00;
	vm6 =	vle.f32 v4, $0.0e+00;
	v63 =	vpop (erf)  }
0x2f2: {  	v62 =	vmul.f32 v60, v3;
	v7 =	vld.idx.msk [tilespmem:v58+s7+$0x0], $0xffff;
	v5 =	vsub.f32 v5, v6;
	v4 =	vsel vm5, $0x0, v63  }
0x2f3: {  	v4 =	vsel vm6, $0x3F800000, v4  }
0x2f4: {  	v8 =	vadd.f32 $3.480241890e-01, v62;
	v4 =	vmul.f32 v4, v5  }
0x2f5: {  	vm7 =	vlt.s32 v56, v1  }
0x2f6: {  	v3 =	vmul.f32 v8, v3;
	v4 =	vadd.f32 v4, v6;
	v6 =	vsub.s32 v56, v0  }
0x2f7: {  	vm6 =	vge.s32 v56, v0;
	v5 =	vmul.f32 v7, v61;
	v7 =	vpop (erf);
	vm5 =	vgt.s32 v6, $0x0  }
0x2f8: {  	v7 =	vmul.f32 v3, v7;
	v3 =	vnsel vm5, $0x0, v6;
	vm5 =	vmand vm6, vm7  }
0x2f9: {  	v3 =	vmin.u32 v3, $0xC3F  }
0x2fa: {  	v4 =	vmul.f32 v4, v5;
	_ =	sdelay $0x1  }
0x2fb: {  	s24 =	simm.s32 $0x200;
	s23 =	simm.s32 $0x100;
	v4 =	vmul.f32 v4, v7  }
.LBB2_9:
0x2fc: {  	p0 =	sne.s32 s24, $0x3100  }
0x2fd: {  	s25 =	sshra.s32 s23, $0x2;
	s23 =	smov.u32 s24;
	s24 =	sadd.s32 $0x100, s24;
	[tilespmem:v3+s15+$0x0] =	vst.idx.add.f32.msk vm5, v4  }
0x2fe: {  	v3 =	vld [tilespmem:s25+$0x1B980];
	_ =	sdelay $0x4  }
0x2ff: {  	v4 =	vadd.f32 $-2.500000000e+00, v3;
	v5 =	vmul.f32 v3, v3;
	v6 =	vmul.f32 $4.009999930e-01, v3;
	_ =	sdelay $0x1  }
0x300: {  	v4 =	vmul.f32 $2.000000030e-01, v4;
	v7 =	vadd.f32 $1.000000000e+00, v5;
	v5 =	vmul.f32 $1.886584760e-01, v5  }
0x301: {  	v8 =	vmul.f32 $4.704700110e-01, v6;
	v9 =	vsub.f32 $0.0e+00, v6  }
0x302: {  	v10 =	vadd.f32 v4, v4;
	v11 =	vmul.f32 v4, v4;
	v5 =	vadd.f32 v5, v3  }
0x303: {  	v12 =	vshra.s32 v7, $0x1;
	v7 =	vmul.f32 $5.000000000e-01, v7;
	v6 =	vmul.f32 v9, v6  }
0x304: {  	v9 =	vsub.f32 v4, v11;
	v11 =	vsub.s32 $0x5F3759DF, v12;
	(erf) = vrcp.f32 v5  }
0x305: {  	v6 =	vmul.f32 $1.442695020e+00, v6;
	v5 =	vmul.f32 v11, v7  }
0x306: {  	(erf) = vrcp.f32 v9  }
0x307: {  	v5 =	vmul.f32 v11, v5;
	_ =	sdelay $0x1  }
0x308: {  	v5 =	vsub.f32 $1.500000000e+00, v5;
	_ =	sdelay $0x1  }
0x309: {  	v5 =	vmul.f32 v11, v5;
	_ =	sdelay $0x1  }
0x30a: {  	v7 =	vpop (erf)  }
0x30b: {  	v9 =	vadd.f32 $-1.000000000e+00, v10;
	v3 =	vmul.f32 v7, v3  }
0x30c: {  	v10 =	vpop (erf)  }
0x30d: {  	v9 =	vmul.f32 v10, v9;
	v10 =	vmul.f32 $7.478556030e-01, v3;
	_ =	sdelay $0x1  }
0x30e: {  	v9 =	vmin.f32 v9, $8.000000000e+01;
	v10 =	vadd.f32 $-9.587980060e-02, v10  }
0x30f: {  	v9 =	vmul.f32 $1.442695020e+00, v9  }
0x310: {  	v10 =	vmul.f32 v10, v3  }
0x311: {  	(erf) = vpow2.f32 v9  }
0x312: {  	v9 =	vadd.f32 $3.480241890e-01, v10;
	_ =	sdelay $0x1  }
0x313: {  	v3 =	vmul.f32 v9, v3;
	_ =	sdelay $0x5  }
0x314: {  	v9 =	vpop (erf)  }
0x315: {  	v9 =	vadd.f32 $1.000000000e+00, v9  }
0x316: {  	v10 =	vld [tilespmem:s25+$0x1D280]  }
0x317: {  	v11 =	vld [tilespmem:s25+$0x1C600];
	(erf) = vrcp.f32 v9;
	_ =	sdelay $0x4  }
0x318: {  	vm5 =	vlt.s32 v11, v1;
	v9 =	vsub.s32 v11, v0  }
0x319: {  	v12 =	vadd.f32 $1.000000000e+00, v8;
	vm6 =	vgt.s32 v9, $0x0;
	(erf) = vpow2.f32 v6  }
0x31a: {  	v6 =	vld.idx.msk [tilespmem:v10+s7+$0x0], $0xffff;
	v9 =	vnsel vm6, $0x0, v9  }
0x31b: {  	v7 =	vmul.f32 v7, v12;
	v10 =	vld.idx.msk [tilespmem:v11+s7+$0x0], $0xffff  }
0x31c: {  	vm6 =	vge.f32 v4, $1.000000000e+00;
	v8 =	vpop (erf)  }
0x31d: {  	vm7 =	vle.f32 v4, $0.0e+00;
	v5 =	vsub.f32 v5, v7;
	v4 =	vsel vm6, $0x0, v8  }
0x31e: {  	v4 =	vsel vm7, $0x3F800000, v4  }
0x31f: {  	v4 =	vmul.f32 v4, v5  }
0x320: {  	vm6 =	vge.s32 v11, v0  }
0x321: {  	vm5 =	vmand vm6, vm5;
	v5 =	vmul.f32 v6, v10;
	v4 =	vadd.f32 v4, v7  }
0x322: {  	v6 =	vmin.u32 v9, $0xC3F;
	v7 =	vpop (erf)  }
0x323: {  	v3 =	vmul.f32 v3, v7;
	v4 =	vmul.f32 v4, v5;
	_ =	sdelay $0x1  }
0x324: {  	v3 =	vmul.f32 v4, v3;
	_ =	sdelay $0x1  }
0x325: {  	[tilespmem:v6+s15+$0x0] =	vst.idx.add.f32.msk vm5, v3  }
0x326: {  	v3 =	vld [tilespmem:s25+$0x1B990];
	_ =	sdelay $0x4  }
0x327: {  	v4 =	vadd.f32 $-2.500000000e+00, v3;
	v5 =	vmul.f32 v3, v3;
	v6 =	vmul.f32 $4.009999930e-01, v3;
	_ =	sdelay $0x1  }
0x328: {  	v4 =	vmul.f32 $2.000000030e-01, v4;
	v7 =	vadd.f32 $1.000000000e+00, v5;
	v5 =	vmul.f32 $1.886584760e-01, v5  }
0x329: {  	v8 =	vmul.f32 $4.704700110e-01, v6;
	v9 =	vsub.f32 $0.0e+00, v6  }
0x32a: {  	v10 =	vadd.f32 v4, v4;
	v11 =	vmul.f32 v4, v4;
	v5 =	vadd.f32 v5, v3  }
0x32b: {  	v12 =	vshra.s32 v7, $0x1;
	v7 =	vmul.f32 $5.000000000e-01, v7;
	v6 =	vmul.f32 v9, v6  }
0x32c: {  	v9 =	vsub.f32 v4, v11;
	v11 =	vsub.s32 $0x5F3759DF, v12;
	(erf) = vrcp.f32 v5  }
0x32d: {  	v6 =	vmul.f32 $1.442695020e+00, v6;
	v5 =	vmul.f32 v11, v7  }
0x32e: {  	(erf) = vrcp.f32 v9  }
0x32f: {  	v5 =	vmul.f32 v11, v5;
	_ =	sdelay $0x1  }
0x330: {  	v5 =	vsub.f32 $1.500000000e+00, v5;
	_ =	sdelay $0x1  }
0x331: {  	v5 =	vmul.f32 v11, v5;
	_ =	sdelay $0x1  }
0x332: {  	v7 =	vpop (erf)  }
0x333: {  	v9 =	vadd.f32 $-1.000000000e+00, v10;
	v3 =	vmul.f32 v7, v3  }
0x334: {  	v10 =	vpop (erf)  }
0x335: {  	v9 =	vmul.f32 v10, v9;
	v10 =	vmul.f32 $7.478556030e-01, v3;
	_ =	sdelay $0x1  }
0x336: {  	v9 =	vmin.f32 v9, $8.000000000e+01;
	v10 =	vadd.f32 $-9.587980060e-02, v10  }
0x337: {  	v9 =	vmul.f32 $1.442695020e+00, v9  }
0x338: {  	v10 =	vmul.f32 v10, v3  }
0x339: {  	(erf) = vpow2.f32 v9  }
0x33a: {  	v9 =	vadd.f32 $3.480241890e-01, v10;
	_ =	sdelay $0x1  }
0x33b: {  	v3 =	vmul.f32 v9, v3;
	_ =	sdelay $0x5  }
0x33c: {  	v9 =	vpop (erf)  }
0x33d: {  	v9 =	vadd.f32 $1.000000000e+00, v9  }
0x33e: {  	v10 =	vld [tilespmem:s25+$0x1D290]  }
0x33f: {  	v11 =	vld [tilespmem:s25+$0x1C610];
	(erf) = vrcp.f32 v9;
	_ =	sdelay $0x4  }
0x340: {  	vm5 =	vlt.s32 v11, v1;
	v9 =	vsub.s32 v11, v0  }
0x341: {  	v12 =	vadd.f32 $1.000000000e+00, v8;
	vm6 =	vgt.s32 v9, $0x0;
	(erf) = vpow2.f32 v6  }
0x342: {  	v6 =	vld.idx.msk [tilespmem:v10+s7+$0x0], $0xffff;
	v9 =	vnsel vm6, $0x0, v9  }
0x343: {  	v7 =	vmul.f32 v7, v12;
	v10 =	vld.idx.msk [tilespmem:v11+s7+$0x0], $0xffff  }
0x344: {  	vm6 =	vge.f32 v4, $1.000000000e+00;
	v8 =	vpop (erf)  }
0x345: {  	vm7 =	vle.f32 v4, $0.0e+00;
	v5 =	vsub.f32 v5, v7;
	v4 =	vsel vm6, $0x0, v8  }
0x346: {  	v4 =	vsel vm7, $0x3F800000, v4  }
0x347: {  	v4 =	vmul.f32 v4, v5  }
0x348: {  	vm6 =	vge.s32 v11, v0  }
0x349: {  	vm5 =	vmand vm6, vm5;
	v5 =	vmul.f32 v6, v10;
	v4 =	vadd.f32 v4, v7  }
0x34a: {  	v6 =	vmin.u32 v9, $0xC3F;
	v7 =	vpop (erf)  }
0x34b: {  	v3 =	vmul.f32 v3, v7;
	v4 =	vmul.f32 v4, v5;
	_ =	sdelay $0x1  }
0x34c: {  	v3 =	vmul.f32 v4, v3;
	_ =	sdelay $0x1  }
0x34d: {  	[tilespmem:v6+s15+$0x0] =	vst.idx.add.f32.msk vm5, v3  }
0x34e: {  	v3 =	vld [tilespmem:s25+$0x1B9A0]  }
0x34f: {  	v4 =	vld [tilespmem:s25+$0x1C620]  }
0x350: {  	v5 =	vld [tilespmem:s25+$0x1D2A0];
	_ =	sdelay $0x2  }
0x351: {  	v6 =	vadd.f32 $-2.500000000e+00, v3;
	v7 =	vmul.f32 v3, v3;
	v8 =	vmul.f32 $4.009999930e-01, v3  }
0x352: {  	vm5 =	vge.s32 v4, v0;
	vm6 =	vlt.s32 v4, v1;
	v9 =	vsub.s32 v4, v0  }
0x353: {  	v6 =	vmul.f32 $2.000000030e-01, v6;
	v10 =	vadd.f32 $1.000000000e+00, v7;
	v7 =	vmul.f32 $1.886584760e-01, v7  }
0x354: {  	v11 =	vmul.f32 $4.704700110e-01, v8;
	v12 =	vsub.f32 $0.0e+00, v8;
	vm7 =	vgt.s32 v9, $0x0  }
0x355: {  	v4 =	vld.idx.msk [tilespmem:v4+s7+$0x0], $0xffff;
	v13 =	vadd.f32 v6, v6;
	v14 =	vmul.f32 v6, v6;
	v7 =	vadd.f32 v7, v3  }
0x356: {  	v15 =	vshra.s32 v10, $0x1;
	v10 =	vmul.f32 $5.000000000e-01, v10;
	v8 =	vmul.f32 v12, v8;
	v5 =	vld.idx.msk [tilespmem:v5+s7+$0x0], $0xffff  }
0x357: {  	v12 =	vsub.f32 v6, v14;
	v14 =	vsub.s32 $0x5F3759DF, v15;
	(erf) = vrcp.f32 v7  }
0x358: {  	v9 =	vnsel vm7, $0x0, v9;
	v8 =	vmul.f32 $1.442695020e+00, v8;
	v7 =	vmul.f32 v14, v10  }
0x359: {  	vm5 =	vmand vm5, vm6;
	(erf) = vrcp.f32 v12  }
0x35a: {  	v7 =	vmul.f32 v14, v7;
	_ =	sdelay $0x1  }
0x35b: {  	v4 =	vmul.f32 v5, v4;
	v7 =	vsub.f32 $1.500000000e+00, v7;
	_ =	sdelay $0x1  }
0x35c: {  	v5 =	vmul.f32 v14, v7;
	_ =	sdelay $0x1  }
0x35d: {  	v7 =	vpop (erf)  }
0x35e: {  	v10 =	vadd.f32 $-1.000000000e+00, v13;
	v3 =	vmul.f32 v7, v3  }
0x35f: {  	v12 =	vpop (erf)  }
0x360: {  	v10 =	vmul.f32 v12, v10;
	v12 =	vmul.f32 $7.478556030e-01, v3;
	_ =	sdelay $0x1  }
0x361: {  	v10 =	vmin.f32 v10, $8.000000000e+01;
	v12 =	vadd.f32 $-9.587980060e-02, v12  }
0x362: {  	v10 =	vmul.f32 $1.442695020e+00, v10  }
0x363: {  	v12 =	vmul.f32 v12, v3  }
0x364: {  	(erf) = vpow2.f32 v10  }
0x365: {  	v10 =	vadd.f32 $3.480241890e-01, v12;
	_ =	sdelay $0x1  }
0x366: {  	v3 =	vmul.f32 v10, v3;
	_ =	sdelay $0x5  }
0x367: {  	v10 =	vpop (erf)  }
0x368: {  	v10 =	vadd.f32 $1.000000000e+00, v10;
	_ =	sdelay $0x1  }
0x369: {  	(erf) = vrcp.f32 v10;
	_ =	sdelay $0x5  }
0x36a: {  	v10 =	vadd.f32 $1.000000000e+00, v11;
	(erf) = vpow2.f32 v8;
	_ =	sdelay $0x1  }
0x36b: {  	v7 =	vmul.f32 v7, v10  }
0x36c: {  	vm6 =	vge.f32 v6, $1.000000000e+00;
	v8 =	vpop (erf)  }
0x36d: {  	vm7 =	vle.f32 v6, $0.0e+00;
	v5 =	vsub.f32 v5, v7;
	v6 =	vsel vm6, $0x0, v8  }
0x36e: {  	v6 =	vsel vm7, $0x3F800000, v6  }
0x36f: {  	v5 =	vmul.f32 v6, v5;
	_ =	sdelay $0x1  }
0x370: {  	v5 =	vadd.f32 v5, v7  }
0x371: {  	v6 =	vmin.u32 v9, $0xC3F;
	v7 =	vpop (erf)  }
0x372: {  	v3 =	vmul.f32 v3, v7;
	v4 =	vmul.f32 v5, v4;
	_ =	sdelay $0x1  }
0x373: {  	v3 =	vmul.f32 v4, v3;
	_ =	sdelay $0x1  }
0x374: {  	[tilespmem:v6+s15+$0x0] =	vst.idx.add.f32.msk vm5, v3  }
0x375: {  	v3 =	vld [tilespmem:s25+$0x1B9B0]  }
0x376: {  	v4 =	vld [tilespmem:s25+$0x1C630]  }
0x377: {  	v5 =	vld [tilespmem:s25+$0x1D2B0];
	_ =	sdelay $0x2  }
0x378: {  	v6 =	vadd.f32 $-2.500000000e+00, v3;
	v7 =	vmul.f32 v3, v3;
	v8 =	vmul.f32 $4.009999930e-01, v3  }
0x379: {  	vm5 =	vge.s32 v4, v0;
	vm6 =	vlt.s32 v4, v1;
	v9 =	vsub.s32 v4, v0  }
0x37a: {  	v6 =	vmul.f32 $2.000000030e-01, v6;
	v10 =	vadd.f32 $1.000000000e+00, v7;
	v7 =	vmul.f32 $1.886584760e-01, v7  }
0x37b: {  	v11 =	vmul.f32 $4.704700110e-01, v8;
	v12 =	vsub.f32 $0.0e+00, v8;
	vm7 =	vgt.s32 v9, $0x0  }
0x37c: {  	v4 =	vld.idx.msk [tilespmem:v4+s7+$0x0], $0xffff;
	v13 =	vadd.f32 v6, v6;
	v14 =	vmul.f32 v6, v6;
	v7 =	vadd.f32 v7, v3  }
0x37d: {  	v15 =	vshra.s32 v10, $0x1;
	v10 =	vmul.f32 $5.000000000e-01, v10;
	v8 =	vmul.f32 v12, v8;
	v5 =	vld.idx.msk [tilespmem:v5+s7+$0x0], $0xffff  }
0x37e: {  	v12 =	vsub.f32 v6, v14;
	v14 =	vsub.s32 $0x5F3759DF, v15;
	(erf) = vrcp.f32 v7  }
0x37f: {  	v9 =	vnsel vm7, $0x0, v9;
	v8 =	vmul.f32 $1.442695020e+00, v8;
	v7 =	vmul.f32 v14, v10  }
0x380: {  	vm5 =	vmand vm5, vm6;
	(erf) = vrcp.f32 v12  }
0x381: {  	v7 =	vmul.f32 v14, v7;
	_ =	sdelay $0x1  }
0x382: {  	v4 =	vmul.f32 v5, v4;
	v7 =	vsub.f32 $1.500000000e+00, v7;
	_ =	sdelay $0x1  }
0x383: {  	v5 =	vmul.f32 v14, v7;
	_ =	sdelay $0x1  }
0x384: {  	v7 =	vpop (erf)  }
0x385: {  	v10 =	vadd.f32 $-1.000000000e+00, v13;
	v3 =	vmul.f32 v7, v3  }
0x386: {  	v12 =	vpop (erf)  }
0x387: {  	v10 =	vmul.f32 v12, v10;
	v12 =	vmul.f32 $7.478556030e-01, v3;
	_ =	sdelay $0x1  }
0x388: {  	v10 =	vmin.f32 v10, $8.000000000e+01;
	v12 =	vadd.f32 $-9.587980060e-02, v12  }
0x389: {  	v10 =	vmul.f32 $1.442695020e+00, v10  }
0x38a: {  	v12 =	vmul.f32 v12, v3  }
0x38b: {  	(erf) = vpow2.f32 v10  }
0x38c: {  	v10 =	vadd.f32 $3.480241890e-01, v12;
	_ =	sdelay $0x1  }
0x38d: {  	v10 =	vmul.f32 v10, v3;
	_ =	sdelay $0x5  }
0x38e: {  	v3 =	vpop (erf)  }
0x38f: {  	v3 =	vadd.f32 $1.000000000e+00, v3;
	_ =	sdelay $0x1  }
0x390: {  	(erf) = vrcp.f32 v3;
	_ =	sdelay $0x5  }
0x391: {  	v3 =	vadd.f32 $1.000000000e+00, v11;
	(erf) = vpow2.f32 v8;
	_ =	sdelay $0x1  }
0x392: {  	v3 =	vmul.f32 v7, v3  }
0x393: {  	vm6 =	vge.f32 v6, $1.000000000e+00;
	v7 =	vpop (erf)  }
0x394: {  	vm7 =	vle.f32 v6, $0.0e+00;
	v5 =	vsub.f32 v5, v3;
	v6 =	vsel vm6, $0x0, v7  }
0x395: {  	v6 =	vsel vm7, $0x3F800000, v6  }
0x396: {  	v5 =	vmul.f32 v6, v5;
	_ =	sdelay $0x1  }
.Ltmp8:
0x397: {  	v5 =	vadd.f32 v5, v3;
	(pc) =	sbr.rel @p0 .LBB2_9-.Ltmp8, $3  }
0x398: {  	v3 =	vmin.u32 v9, $0xC3F;
	v6 =	vpop (erf)  }
0x399: {  	v6 =	vmul.f32 v10, v6;
	v4 =	vmul.f32 v5, v4;
	_ =	sdelay $0x1  }
0x39a: {  	v4 =	vmul.f32 v4, v6  }
0x39b: {  	_ =	sdelay $0x4  }
0x39c: {  	s23 =	sshra.s32 s23, $0x2;
	[tilespmem:v3+s15+$0x0] =	vst.idx.add.f32.msk vm5, v4  }
0x39d: {  	v3 =	vld [tilespmem:s23+$0x1B980];
	_ =	sdelay $0x4  }
0x39e: {  	v28 =	vadd.f32 $-2.500000000e+00, v3  }
0x39f: {  	v5 =	vmul.f32 v3, v3  }
0x3a0: {  	v4 =	vmul.f32 $2.000000030e-01, v28  }
0x3a1: {  	v6 =	vmul.f32 $1.886584760e-01, v5  }
0x3a2: {  	v7 =	vmul.f32 v4, v4  }
0x3a3: {  	v6 =	vadd.f32 v6, v3  }
0x3a4: {  	v7 =	vsub.f32 v4, v7  }
0x3a5: {  	(erf) = vrcp.f32 v6  }
0x3a6: {  	(erf) = vrcp.f32 v7;
	_ =	sdelay $0x5  }
0x3a7: {  	v29 =	vadd.f32 v4, v4;
	_ =	sdelay $0x1  }
0x3a8: {  	v6 =	vadd.f32 $-1.000000000e+00, v29;
	v30 =	vpop (erf)  }
0x3a9: {  	v8 =	vpop (erf)  }
0x3aa: {  	v6 =	vmul.f32 v8, v6;
	_ =	sdelay $0x1  }
0x3ab: {  	v6 =	vmin.f32 v6, $8.000000000e+01  }
0x3ac: {  	v6 =	vmul.f32 $1.442695020e+00, v6;
	_ =	sdelay $0x1  }
0x3ad: {  	(erf) = vpow2.f32 v6;
	_ =	sdelay $0x8  }
0x3ae: {  	v11 =	vld [tilespmem:s23+$0x1D280];
	v31 =	vmul.f32 $4.009999930e-01, v3;
	v5 =	vadd.f32 $1.000000000e+00, v5;
	v32 =	vpop (erf)  }
0x3af: {  	v34 =	vld [tilespmem:s23+$0x1C600];
	v8 =	vadd.f32 $1.000000000e+00, v32  }
0x3b0: {  	v9 =	vsub.f32 $0.0e+00, v31;
	v10 =	vshra.s32 v5, $0x1;
	v5 =	vmul.f32 $5.000000000e-01, v5  }
0x3b1: {  	v33 =	vsub.s32 $0x5F3759DF, v10;
	(erf) = vrcp.f32 v8  }
0x3b2: {  	v9 =	vmul.f32 v9, v31;
	v5 =	vmul.f32 v33, v5;
	_ =	sdelay $0x1  }
0x3b3: {  	v9 =	vmul.f32 $1.442695020e+00, v9;
	v5 =	vmul.f32 v33, v5  }
0x3b4: {  	v3 =	vmul.f32 v30, v3;
	v6 =	vmul.f32 $4.704700110e-01, v31  }
0x3b5: {  	v36 =	vld.idx.msk [tilespmem:v11+s7+$0x0], $0xffff;
	v5 =	vsub.f32 $1.500000000e+00, v5  }
0x3b6: {  	v38 =	vld.idx.msk [tilespmem:v34+s7+$0x0], $0xffff;
	v12 =	vmul.f32 $7.478556030e-01, v3;
	v6 =	vadd.f32 $1.000000000e+00, v6;
	(erf) = vpow2.f32 v9;
	_ =	sdelay $0x1  }
0x3b7: {  	v5 =	vmul.f32 v33, v5;
	v12 =	vadd.f32 $-9.587980060e-02, v12;
	v6 =	vmul.f32 v30, v6  }
0x3b8: {  	vm5 =	vge.f32 v4, $1.000000000e+00;
	vm6 =	vle.f32 v4, $0.0e+00;
	v39 =	vpop (erf)  }
0x3b9: {  	v35 =	vmul.f32 v12, v3;
	v5 =	vsub.f32 v5, v6;
	v40 =	vsel vm5, $0x0, v39  }
0x3ba: {  	v41 =	vsub.s32 v34, v0;
	v43 =	vmul.f32 v36, v38;
	v4 =	vsel vm6, $0x3F800000, v40  }
0x3bb: {  	v37 =	vadd.f32 $3.480241890e-01, v35;
	vm5 =	vgt.s32 v41, $0x0;
	v4 =	vmul.f32 v4, v5  }
0x3bc: {  	vm6 =	vlt.s32 v34, v1;
	v42 =	vnsel vm5, $0x0, v41;
	vm5 =	vge.s32 v34, v0  }
0x3bd: {  	v3 =	vmul.f32 v37, v3;
	vm5 =	vmand vm5, vm6;
	v4 =	vadd.f32 v4, v6  }
0x3be: {  	v44 =	vpop (erf);
	v5 =	vmin.u32 v42, $0xC3F  }
0x3bf: {  	v3 =	vmul.f32 v3, v44;
	v4 =	vmul.f32 v4, v43;
	_ =	sdelay $0x1  }
0x3c0: {  	v3 =	vmul.f32 v4, v3;
	_ =	sdelay $0x1  }
0x3c1: {  	[tilespmem:v5+s15+$0x0] =	vst.idx.add.f32.msk vm5, v3  }
0x3c2: {  	v3 =	vld [tilespmem:s23+$0x1B990];
	_ =	sdelay $0x4  }
0x3c3: {  	v45 =	vadd.f32 $-2.500000000e+00, v3  }
0x3c4: {  	v46 =	vmul.f32 v3, v3  }
0x3c5: {  	v4 =	vmul.f32 $2.000000030e-01, v45  }
0x3c6: {  	v47 =	vmul.f32 $1.886584760e-01, v46  }
0x3c7: {  	v48 =	vmul.f32 v4, v4  }
0x3c8: {  	v6 =	vadd.f32 v47, v3  }
0x3c9: {  	v7 =	vsub.f32 v4, v48  }
0x3ca: {  	(erf) = vrcp.f32 v6  }
0x3cb: {  	(erf) = vrcp.f32 v7;
	_ =	sdelay $0x5  }
0x3cc: {  	v49 =	vadd.f32 v4, v4;
	_ =	sdelay $0x1  }
0x3cd: {  	v6 =	vadd.f32 $-1.000000000e+00, v49;
	v50 =	vpop (erf)  }
0x3ce: {  	v51 =	vpop (erf)  }
0x3cf: {  	v6 =	vmul.f32 v51, v6;
	_ =	sdelay $0x1  }
0x3d0: {  	v6 =	vmin.f32 v6, $8.000000000e+01  }
0x3d1: {  	v6 =	vmul.f32 $1.442695020e+00, v6;
	_ =	sdelay $0x1  }
0x3d2: {  	(erf) = vpow2.f32 v6;
	_ =	sdelay $0x8  }
0x3d3: {  	v56 =	vld [tilespmem:s23+$0x1D290];
	v52 =	vmul.f32 $4.009999930e-01, v3;
	v53 =	vpop (erf)  }
0x3d4: {  	v58 =	vld [tilespmem:s23+$0x1C610];
	v5 =	vadd.f32 $1.000000000e+00, v46;
	v8 =	vadd.f32 $1.000000000e+00, v53  }
0x3d5: {  	v54 =	vsub.f32 $0.0e+00, v52  }
0x3d6: {  	v55 =	vshra.s32 v5, $0x1;
	v5 =	vmul.f32 $5.000000000e-01, v5;
	(erf) = vrcp.f32 v8  }
0x3d7: {  	v9 =	vmul.f32 v54, v52;
	v57 =	vsub.s32 $0x5F3759DF, v55;
	v3 =	vmul.f32 v50, v3  }
0x3d8: {  	v5 =	vmul.f32 v57, v5  }
0x3d9: {  	v9 =	vmul.f32 $1.442695020e+00, v9;
	v59 =	vmul.f32 $7.478556030e-01, v3  }
0x3da: {  	v5 =	vmul.f32 v57, v5;
	v6 =	vmul.f32 $4.704700110e-01, v52  }
0x3db: {  	v61 =	vld.idx.msk [tilespmem:v56+s7+$0x0], $0xffff;
	v12 =	vadd.f32 $-9.587980060e-02, v59  }
0x3dc: {  	v63 =	vld.idx.msk [tilespmem:v58+s7+$0x0], $0xffff;
	v5 =	vsub.f32 $1.500000000e+00, v5;
	v6 =	vadd.f32 $1.000000000e+00, v6;
	(erf) = vpow2.f32 v9;
	_ =	sdelay $0x1  }
0x3dd: {  	v5 =	vmul.f32 v57, v5;
	v6 =	vmul.f32 v50, v6  }
0x3de: {  	vm5 =	vge.f32 v4, $1.000000000e+00;
	v60 =	vmul.f32 v12, v3;
	v12 =	vpop (erf)  }
0x3df: {  	vm6 =	vle.f32 v4, $0.0e+00;
	v5 =	vsub.f32 v5, v6;
	v13 =	vsel vm5, $0x0, v12  }
0x3e0: {  	v14 =	vsub.s32 v58, v0;
	v16 =	vmul.f32 v61, v63;
	v4 =	vsel vm6, $0x3F800000, v13  }
0x3e1: {  	v62 =	vadd.f32 $3.480241890e-01, v60;
	vm5 =	vgt.s32 v14, $0x0;
	v4 =	vmul.f32 v4, v5  }
0x3e2: {  	vm6 =	vlt.s32 v58, v1;
	v15 =	vnsel vm5, $0x0, v14;
	vm5 =	vge.s32 v58, v0  }
0x3e3: {  	v3 =	vmul.f32 v62, v3;
	vm5 =	vmand vm5, vm6;
	v4 =	vadd.f32 v4, v6  }
0x3e4: {  	v17 =	vpop (erf);
	v5 =	vmin.u32 v15, $0xC3F  }
0x3e5: {  	v3 =	vmul.f32 v3, v17;
	v4 =	vmul.f32 v4, v16;
	_ =	sdelay $0x1  }
0x3e6: {  	v3 =	vmul.f32 v4, v3;
	_ =	sdelay $0x1  }
0x3e7: {  	[tilespmem:v5+s15+$0x0] =	vst.idx.add.f32.msk vm5, v3  }
0x3e8: {  	v3 =	vld [tilespmem:s23+$0x1B9A0];
	_ =	sdelay $0x4  }
0x3e9: {  	v18 =	vadd.f32 $-2.500000000e+00, v3  }
0x3ea: {  	v19 =	vmul.f32 v3, v3  }
0x3eb: {  	v4 =	vmul.f32 $2.000000030e-01, v18  }
0x3ec: {  	v20 =	vmul.f32 $1.886584760e-01, v19  }
0x3ed: {  	v21 =	vmul.f32 v4, v4  }
0x3ee: {  	v6 =	vadd.f32 v20, v3  }
0x3ef: {  	v7 =	vsub.f32 v4, v21  }
0x3f0: {  	(erf) = vrcp.f32 v6  }
0x3f1: {  	(erf) = vrcp.f32 v7;
	_ =	sdelay $0x5  }
0x3f2: {  	v22 =	vadd.f32 v4, v4;
	_ =	sdelay $0x1  }
0x3f3: {  	v6 =	vadd.f32 $-1.000000000e+00, v22;
	v23 =	vpop (erf)  }
0x3f4: {  	v24 =	vpop (erf)  }
0x3f5: {  	v6 =	vmul.f32 v24, v6;
	_ =	sdelay $0x1  }
0x3f6: {  	v6 =	vmin.f32 v6, $8.000000000e+01  }
0x3f7: {  	v6 =	vmul.f32 $1.442695020e+00, v6;
	_ =	sdelay $0x1  }
0x3f8: {  	(erf) = vpow2.f32 v6;
	_ =	sdelay $0x8  }
0x3f9: {  	v25 =	vmul.f32 $4.009999930e-01, v3;
	v26 =	vpop (erf)  }
0x3fa: {  	v28 =	vld [tilespmem:s23+$0x1C620];
	v5 =	vadd.f32 $1.000000000e+00, v19;
	v8 =	vadd.f32 $1.000000000e+00, v26  }
0x3fb: {  	v30 =	vld [tilespmem:s23+$0x1D2A0];
	v27 =	vsub.f32 $0.0e+00, v25  }
0x3fc: {  	v29 =	vshra.s32 v5, $0x1;
	v5 =	vmul.f32 $5.000000000e-01, v5;
	(erf) = vrcp.f32 v8  }
0x3fd: {  	v9 =	vmul.f32 v27, v25;
	v11 =	vsub.s32 $0x5F3759DF, v29  }
0x3fe: {  	v5 =	vmul.f32 v11, v5  }
0x3ff: {  	v9 =	vmul.f32 $1.442695020e+00, v9;
	v3 =	vmul.f32 v23, v3  }
0x400: {  	v5 =	vmul.f32 v11, v5;
	v6 =	vmul.f32 $4.704700110e-01, v25  }
0x401: {  	v31 =	vmul.f32 $7.478556030e-01, v3  }
0x402: {  	v33 =	vld.idx.msk [tilespmem:v28+s7+$0x0], $0xffff;
	v5 =	vsub.f32 $1.500000000e+00, v5;
	v6 =	vadd.f32 $1.000000000e+00, v6;
	(erf) = vpow2.f32 v9  }
0x403: {  	v34 =	vld.idx.msk [tilespmem:v30+s7+$0x0], $0xffff;
	v32 =	vadd.f32 $-9.587980060e-02, v31  }
0x404: {  	v5 =	vmul.f32 v11, v5;
	v6 =	vmul.f32 v23, v6  }
0x405: {  	vm6 =	vge.f32 v4, $1.000000000e+00;
	v35 =	vmul.f32 v32, v3;
	v36 =	vpop (erf)  }
0x406: {  	vm7 =	vle.f32 v4, $0.0e+00;
	v5 =	vsub.f32 v5, v6;
	v37 =	vsel vm6, $0x0, v36  }
0x407: {  	vm5 =	vge.s32 v28, v0;
	v8 =	vadd.f32 $3.480241890e-01, v35;
	v4 =	vsel vm7, $0x3F800000, v37  }
0x408: {  	v38 =	vsub.s32 v28, v0;
	v7 =	vmul.f32 v34, v33;
	v4 =	vmul.f32 v4, v5  }
0x409: {  	v3 =	vmul.f32 v8, v3;
	vm6 =	vlt.s32 v28, v1;
	vm7 =	vgt.s32 v38, $0x0  }
0x40a: {  	vm5 =	vmand vm5, vm6;
	v39 =	vnsel vm7, $0x0, v38;
	v4 =	vadd.f32 v4, v6  }
0x40b: {  	v40 =	vpop (erf);
	v5 =	vmin.u32 v39, $0xC3F  }
0x40c: {  	v3 =	vmul.f32 v3, v40;
	v4 =	vmul.f32 v4, v7;
	_ =	sdelay $0x1  }
0x40d: {  	v3 =	vmul.f32 v4, v3;
	_ =	sdelay $0x1  }
0x40e: {  	[tilespmem:v5+s15+$0x0] =	vst.idx.add.f32.msk vm5, v3  }
0x40f: {  	v3 =	vld [tilespmem:s23+$0x1B9B0];
	_ =	sdelay $0x4  }
0x410: {  	v41 =	vadd.f32 $-2.500000000e+00, v3  }
0x411: {  	v42 =	vmul.f32 v3, v3  }
0x412: {  	v4 =	vmul.f32 $2.000000030e-01, v41  }
0x413: {  	v43 =	vmul.f32 $1.886584760e-01, v42  }
0x414: {  	v44 =	vmul.f32 v4, v4  }
0x415: {  	v6 =	vadd.f32 v43, v3  }
0x416: {  	v7 =	vsub.f32 v4, v44  }
0x417: {  	(erf) = vrcp.f32 v6  }
0x418: {  	(erf) = vrcp.f32 v7;
	_ =	sdelay $0x5  }
0x419: {  	v45 =	vadd.f32 v4, v4;
	_ =	sdelay $0x1  }
0x41a: {  	v6 =	vadd.f32 $-1.000000000e+00, v45;
	v46 =	vpop (erf)  }
0x41b: {  	v47 =	vpop (erf)  }
0x41c: {  	v6 =	vmul.f32 v47, v6;
	_ =	sdelay $0x1  }
0x41d: {  	v6 =	vmin.f32 v6, $8.000000000e+01  }
0x41e: {  	v6 =	vmul.f32 $1.442695020e+00, v6;
	_ =	sdelay $0x1  }
0x41f: {  	(erf) = vpow2.f32 v6;
	_ =	sdelay $0x8  }
0x420: {  	v48 =	vmul.f32 $4.009999930e-01, v3;
	v49 =	vpop (erf)  }
0x421: {  	v51 =	vld [tilespmem:s23+$0x1C630];
	v5 =	vadd.f32 $1.000000000e+00, v42;
	v8 =	vadd.f32 $1.000000000e+00, v49  }
0x422: {  	v53 =	vld [tilespmem:s23+$0x1D2B0];
	v50 =	vsub.f32 $0.0e+00, v48  }
0x423: {  	v52 =	vshra.s32 v5, $0x1;
	v5 =	vmul.f32 $5.000000000e-01, v5;
	(erf) = vrcp.f32 v8  }
0x424: {  	v9 =	vmul.f32 v50, v48;
	v11 =	vsub.s32 $0x5F3759DF, v52  }
0x425: {  	v5 =	vmul.f32 v11, v5  }
0x426: {  	v9 =	vmul.f32 $1.442695020e+00, v9;
	v3 =	vmul.f32 v46, v3  }
0x427: {  	v5 =	vmul.f32 v11, v5;
	v6 =	vmul.f32 $4.704700110e-01, v48  }
0x428: {  	v54 =	vmul.f32 $7.478556030e-01, v3  }
0x429: {  	v56 =	vld.idx.msk [tilespmem:v51+s7+$0x0], $0xffff;
	v5 =	vsub.f32 $1.500000000e+00, v5;
	v6 =	vadd.f32 $1.000000000e+00, v6;
	(erf) = vpow2.f32 v9  }
0x42a: {  	v57 =	vld.idx.msk [tilespmem:v53+s7+$0x0], $0xffff;
	v55 =	vadd.f32 $-9.587980060e-02, v54  }
0x42b: {  	v5 =	vmul.f32 v11, v5;
	v6 =	vmul.f32 v46, v6  }
0x42c: {  	vm6 =	vge.f32 v4, $1.000000000e+00;
	v58 =	vmul.f32 v55, v3;
	v59 =	vpop (erf)  }
0x42d: {  	vm7 =	vle.f32 v4, $0.0e+00;
	v5 =	vsub.f32 v5, v6;
	v60 =	vsel vm6, $0x0, v59  }
0x42e: {  	vm5 =	vge.s32 v51, v0;
	v8 =	vadd.f32 $3.480241890e-01, v58;
	v4 =	vsel vm7, $0x3F800000, v60  }
0x42f: {  	v61 =	vsub.s32 v51, v0;
	v7 =	vmul.f32 v57, v56;
	v4 =	vmul.f32 v4, v5  }
0x430: {  	v3 =	vmul.f32 v8, v3;
	vm6 =	vlt.s32 v51, v1;
	vm7 =	vgt.s32 v61, $0x0  }
0x431: {  	vm5 =	vmand vm5, vm6;
	v62 =	vnsel vm7, $0x0, v61;
	v4 =	vadd.f32 v4, v6  }
0x432: {  	v63 =	vpop (erf);
	v5 =	vmin.u32 v62, $0xC3F  }
.Ltmp9:
0x433: {  	v3 =	vmul.f32 v3, v63;
	v4 =	vmul.f32 v4, v7;
	(pc) =	sbr.rel .LBB2_11-.Ltmp9, $3  }
0x434: {  	_ = 	snop  }
0x435: {  	v3 =	vmul.f32 v4, v3;
	_ =	sdelay $0x1  }
0x436: {  	[tilespmem:v5+s15+$0x0] =	vst.idx.add.f32.msk vm5, v3  }
.LBB2_13:
0x437: {  	_ =	sfence.sel $0x180000  }
0x438: {  	[bflag:$0x0] =	sbarrier.arrive $0xFFFF  }
0x439: {  	p0 =	sne.s32 s3, $0x0;
	_ =	strace $0x90000047  }
0x43a: {  	s0 =	sadd.s32 @!p0 $0x100000, s5;
	[bflag:$0x2] =	sbarrier.arrive $0xFFFF  }
0x43b: {  	[sflag:s0] =	ssyncadd.tile.s32 @!p0 $0x1;
	_ =	shalt  }
.Lfunc_end2:
_tile_overlayer_lowered:
.L_overlay_start_2:
0x43c: {  	(tag) =	ssettag $0x2  }
0x43d: {  	s0 =	rddreg [dreg:$0x0];
	s2 =	stileid.u32  }
0x43e: {  	s1 =	rddreg [dreg:$0x1];
	p0 =	sne.s32 s2, $0x0  }
0x43f: {  	s3 =	rddreg [dreg:$0x2];
	[bflag:$0x3] =	sbarrier.arrive $0xFFFF;
	s2 =	simm.s32 @!p0 $0x1C03  }
0x440: {  	[timem:s3], [sflag:s2] =	dma.local @!p0 [hbm:s0], s1  }
0x441: {  	s0 =	simm.s32 @!p0 $0x3  }
0x442: {  	_ =	swait.ge @!p0 [sflag:s0], s1  }
0x443: {  	s1 =	ssub.s32 @!p0 $0x0, s1;
	[sflag:s0] =	ssyncset.done @!p0 $0x0  }
0x444: {  	[sflag:s0] =	ssyncadd.s32 @!p0 s1  }
0x445: {  	[bflag:$0x3] =	sbarrier.arrive $0xFFFF  }
0x446: {  	_ =	shalt  }

</sc_bundles>
